<compile_context>
chip_gen: v7x
topology: tpu7x:2x2x1
jax: 0.10.2.dev20260603
libtpu: 0.0.44.dev20260713+nightly
codegen_flags: <defaults>
</compile_context>

<pallas_src>
import functools

import jax
import jax.numpy as jnp
from jax import lax
from jax.experimental import pallas as pl
from jax.experimental.pallas import tpu as pltpu
from jax.experimental.pallas import tpu_sc as plsc

N = 10000
E = 320000
H = 128
NC = 2
NS = 16
NW = NC * NS
EPT = E // NW
CH = 100
NCHUNK = EPT // CH
PH = 2
SLAB = NCHUNK // PH

ZCH = 1000

_mesh = functools.partial(
    plsc.VectorSubcoreMesh, core_axis_name="c", subcore_axis_name="s",
    num_cores=NC, num_subcores=NS)


def _zero_vmem_1d(ref, nwords):
    z = jnp.zeros((16,), jnp.float32)

    def body(i, _):
        ref[pl.ds(i * 16, 16)] = z
        return 0

    lax.fori_loop(0, nwords // 16, body, 0)


def _zero_vmem_2d(ref, nrows, ncols):
    z = jnp.zeros((16,), jnp.float32)

    def body(i, _):
        for k in range(ncols // 16):
            ref[i, pl.ds(k * 16, 16)] = z
        return 0

    lax.fori_loop(0, nrows, body, 0)


@functools.partial(
    pl.kernel,
    out_type=jax.ShapeDtypeStruct((NC * N,), jnp.float32),
    mesh=_mesh(),
    scratch_types=dict(
        dst_v=pltpu.VMEM((NCHUNK, CH), jnp.int32),
        ones_v=pltpu.VMEM((-(-CH // 16) * 16,), jnp.float32),
        zbuf=pltpu.VMEM((1008,), jnp.float32),
        accum=pltpu.VMEM_SHARED((N,), jnp.float32),
        ssem=pltpu.SemaphoreType.DMA,
    ),
)
def _deg_kernel(dst_hbm, out_hbm, dst_v, ones_v, zbuf, accum, ssem):
    c = lax.axis_index("c")
    s = lax.axis_index("s")
    wid = s * NC + c

    pltpu.async_copy(dst_hbm.at[wid], dst_v, ssem)

    one = jnp.ones((16,), jnp.float32)
    for k in range(-(-CH // 16)):
        ones_v[pl.ds(k * 16, 16)] = one
    _zero_vmem_1d(zbuf, 1008)

    @pl.when(s < 10)
    def _():
        off = pl.multiple_of(s * 1000, 8)
        pltpu.sync_copy(zbuf.at[pl.ds(0, 1000)], accum.at[pl.ds(off, 1000)])

    pltpu.make_async_copy(dst_hbm.at[wid], dst_v, ssem).wait()
    plsc.subcore_barrier()

    WV = 20

    def body(w, _):
        for k in range(WV):
            pltpu.async_copy(ones_v.at[pl.ds(0, CH)],
                             accum.at[dst_v.at[w * WV + k]], ssem, add=True)
        for k in range(WV):
            pltpu.make_async_copy(ones_v.at[pl.ds(0, CH)],
                                  accum.at[dst_v.at[0]], ssem).wait()
        return 0

    lax.fori_loop(0, NCHUNK // WV, body, 0)
    plsc.subcore_barrier()

    @pl.when(s < 10)
    def _():
        off = pl.multiple_of(s * 1000, 8)
        oout = pl.multiple_of(c * N + s * 1000, 8)
        pltpu.sync_copy(accum.at[pl.ds(off, 1000)], zbuf.at[pl.ds(0, 1000)])
        pltpu.sync_copy(zbuf.at[pl.ds(0, 1000)], out_hbm.at[pl.ds(oout, 1000)])


@functools.partial(
    pl.kernel,
    out_type=jax.ShapeDtypeStruct((NC, N, H), jnp.float32),
    mesh=_mesh(),
    scratch_types=dict(
        src_v=pltpu.VMEM((SLAB, CH), jnp.int32),
        dst_v=pltpu.VMEM((SLAB, CH), jnp.int32),
        buf0=pltpu.VMEM((CH, H), jnp.float32),
        buf1=pltpu.VMEM((CH, H), jnp.float32),
        accum=pltpu.VMEM_SHARED((N, H), jnp.float32),
        sem0=pltpu.SemaphoreType.DMA,
        sem1=pltpu.SemaphoreType.DMA,
    ),
)
def _scatter_kernel(src_hbm, dst_hbm, h2_hbm, out_hbm,
                    src_v, dst_v, buf0, buf1, accum, sem0, sem1):
    c = lax.axis_index("c")
    s = lax.axis_index("s")
    wid = s * NC + c

    pltpu.async_copy(src_hbm.at[wid, 0], src_v, sem1)
    pltpu.async_copy(dst_hbm.at[wid, 0], dst_v, sem1)

    _zero_vmem_2d(buf0, CH, H)

    @pl.when(s < 10)
    def _():
        base = pl.multiple_of(s * ZCH, 8)
        for k in range(ZCH // 96):
            pltpu.async_copy(buf0.at[pl.ds(0, 96)],
                             accum.at[pl.ds(base + k * 96, 96)], sem0)
        off = pl.multiple_of(base + (ZCH // 96) * 96, 8)
        pltpu.async_copy(buf0.at[pl.ds(0, ZCH % 96)],
                         accum.at[pl.ds(off, ZCH % 96)], sem0)
        for k in range(ZCH // 96):
            pltpu.make_async_copy(buf0.at[pl.ds(0, 96)],
                                  accum.at[pl.ds(base, 96)], sem0).wait()
        pltpu.make_async_copy(buf0.at[pl.ds(0, ZCH % 96)],
                              accum.at[pl.ds(base, ZCH % 96)], sem0).wait()

    plsc.subcore_barrier()

    for p in range(PH):
        if p == 0:
            pltpu.make_async_copy(src_hbm.at[wid, 0], src_v, sem1).wait()
            pltpu.make_async_copy(dst_hbm.at[wid, 0], dst_v, sem1).wait()
        else:
            pltpu.sync_copy(src_hbm.at[wid, p], src_v)
            pltpu.sync_copy(dst_hbm.at[wid, p], dst_v)
        pltpu.async_copy(h2_hbm.at[src_v.at[0]], buf0, sem0)

        def body(g, _):
            j0 = g * 2
            j1 = j0 + 1
            pltpu.async_copy(h2_hbm.at[src_v.at[j1]], buf1, sem1)
            pltpu.make_async_copy(h2_hbm.at[src_v.at[j0]], buf0, sem0).wait()
            pltpu.sync_copy(buf0, accum.at[dst_v.at[j0]], add=True)

            @pl.when(g < SLAB // 2 - 1)
            def _():
                pltpu.async_copy(h2_hbm.at[src_v.at[j0 + 2]], buf0, sem0)

            pltpu.make_async_copy(h2_hbm.at[src_v.at[j1]], buf1, sem1).wait()
            pltpu.sync_copy(buf1, accum.at[dst_v.at[j1]], add=True)
            return 0

        lax.fori_loop(0, SLAB // 2, body, 0)

    plsc.subcore_barrier()

    @pl.when(s < 10)
    def _():
        base = pl.multiple_of(s * ZCH, 8)
        pieces = [(k * 96, 96) for k in range(ZCH // 96)]
        pieces.append(((ZCH // 96) * 96, ZCH % 96))
        bufs = (buf0, buf1)
        sems = (sem0, sem1)

        def leg1(i, start=True):
            off, ln = pieces[i]
            o = pl.multiple_of(base + off, 8)
            fn = pltpu.async_copy if start else pltpu.make_async_copy
            return fn(accum.at[pl.ds(o, ln)], bufs[i % 2].at[pl.ds(0, ln)],
                      sems[i % 2])

        leg1(0)
        for i in range(len(pieces)):
            if i + 1 < len(pieces):
                leg1(i + 1)
            off, ln = pieces[i]
            o = pl.multiple_of(base + off, 8)
            leg1(i, start=False).wait()
            pltpu.sync_copy(bufs[i % 2].at[pl.ds(0, ln)],
                            out_hbm.at[c, pl.ds(o, ln)])


def _prescale_body(ev_ref, wep_ref, bep_ref, wgcn_ref, deg_ref, h2_ref):
    x = jnp.maximum(
        jnp.dot(ev_ref[...], wep_ref[...],
                preferred_element_type=jnp.float32) + bep_ref[...], 0.0)
    h = jnp.dot(x, wgcn_ref[...], preferred_element_type=jnp.float32)
    deg = deg_ref[:, 0:1] + deg_ref[:, 1:2] + 1.0
    h2_ref[...] = h * lax.rsqrt(deg)


def _prescale(ev, wep, bep, wgcn, deg2, blk=5000):
    grid = (N // blk,)
    return pl.pallas_call(
        _prescale_body,
        grid=grid,
        in_specs=[
            pl.BlockSpec((blk, 16), lambda i: (i, 0)),
            pl.BlockSpec((16, H), lambda i: (0, 0)),
            pl.BlockSpec((1, H), lambda i: (0, 0)),
            pl.BlockSpec((H, H), lambda i: (0, 0)),
            pl.BlockSpec((blk, 2), lambda i: (i, 0)),
        ],
        out_specs=pl.BlockSpec((blk, H), lambda i: (i, 0)),
        out_shape=jax.ShapeDtypeStruct((N, H), jnp.float32),
    )(ev, wep, bep, wgcn, deg2)


def _fuse_body(base_ref, s_ref, h2_ref, deg_ref, bgcn_ref,
               wg_ref, bg_ref, wf_ref, bf_ref, out_ref):
    deg = deg_ref[:, 0:1] + deg_ref[:, 1:2] + 1.0
    dinv = lax.rsqrt(deg)
    stot = s_ref[0] + s_ref[1] + h2_ref[...]
    diffused = jnp.maximum(stot * dinv + bgcn_ref[...], 0.0)
    base = base_ref[...]
    gx = (jnp.dot(base, wg_ref[:H], preferred_element_type=jnp.float32)
          + jnp.dot(diffused, wg_ref[H:], preferred_element_type=jnp.float32)
          + bg_ref[...])
    gate = jax.nn.sigmoid(gx)
    corrected = base * (1.0 - gate) + diffused * gate
    fx = (jnp.dot(base, wf_ref[:H], preferred_element_type=jnp.float32)
          + jnp.dot(corrected, wf_ref[H:], preferred_element_type=jnp.float32)
          + bf_ref[...])
    out_ref[...] = jnp.maximum(fx, 0.0)


def _fuse(base, S, h2, deg2, bgcn, wg, bg, wf, bf, blk=5000):
    grid = (N // blk,)
    return pl.pallas_call(
        _fuse_body,
        grid=grid,
        in_specs=[
            pl.BlockSpec((blk, H), lambda i: (i, 0)),
            pl.BlockSpec((NC, blk, H), lambda i: (0, i, 0)),
            pl.BlockSpec((blk, H), lambda i: (i, 0)),
            pl.BlockSpec((blk, 2), lambda i: (i, 0)),
            pl.BlockSpec((1, H), lambda i: (0, 0)),
            pl.BlockSpec((2 * H, H), lambda i: (0, 0)),
            pl.BlockSpec((1, H), lambda i: (0, 0)),
            pl.BlockSpec((2 * H, H), lambda i: (0, 0)),
            pl.BlockSpec((1, H), lambda i: (0, 0)),
        ],
        out_specs=pl.BlockSpec((blk, H), lambda i: (i, 0)),
        out_shape=jax.ShapeDtypeStruct((N, H), jnp.float32),
    )(base, S, h2, deg2, bgcn, wg, bg, wf, bf)


def kernel(base_feat, event_vector, edge_index, W_ep, b_ep, W_gcn, b_gcn,
           W_gate, b_gate, W_fus, b_fus):
    src = edge_index[0].reshape(NW, PH, SLAB, CH)
    dst = edge_index[1].reshape(NW, PH, SLAB, CH)

    deg2 = _deg_kernel(dst.reshape(NW, NCHUNK, CH)).reshape(NC, N).T

    h2 = _prescale(event_vector, W_ep, b_ep.reshape(1, H), W_gcn, deg2)
    S = _scatter_kernel(src, dst, h2)

    out = _fuse(base_feat, S, h2, deg2, b_gcn.reshape(1, H),
                W_gate, b_gate.reshape(1, H), W_fus, b_fus.reshape(1, H))
    return out

# --- scband reference (transcript-rebuilt; emitter-appended) ---
"""Pipeline reference for scband-injection-layer-91130616086689 (READ-ONLY COPY).

The authoritative reference and input builder live on the scoring server;
editing this copy changes nothing except your own understanding.
"""

import jax, jax.numpy as jnp
import numpy as np

N = 10000
E = 320000
EVENT_DIM = 16
H = 128


def _linear_params(key, fan_in, fan_out):
    k1, k2 = jax.random.split(key)
    bound = 1.0 / np.sqrt(fan_in)
    W = jax.random.uniform(k1, (fan_in, fan_out), minval=-bound, maxval=bound, dtype=jnp.float32)
    b = jax.random.uniform(k2, (fan_out,), minval=-bound, maxval=bound, dtype=jnp.float32)
    return W, b


def setup_inputs(seed: int = 0) -> dict:
    key = jax.random.key(seed)
    ks = jax.random.split(key, 8)
    base_feat = jax.random.normal(ks[0], (N, H), dtype=jnp.float32)
    event_vector = jax.random.normal(ks[1], (N, EVENT_DIM), dtype=jnp.float32)
    edge_index = jax.random.randint(ks[2], (2, E), 0, N, dtype=jnp.int32)
    W_ep, b_ep = _linear_params(ks[3], EVENT_DIM, H)
    W_gcn, b_gcn = _linear_params(ks[4], H, H)
    W_gate, b_gate = _linear_params(ks[5], 2 * H, H)
    W_fus, b_fus = _linear_params(ks[6], 2 * H, H)
    return {"base_feat": base_feat, "event_vector": event_vector, "edge_index": edge_index,
            "W_ep": W_ep, "b_ep": b_ep, "W_gcn": W_gcn, "b_gcn": b_gcn,
            "W_gate": W_gate, "b_gate": b_gate, "W_fus": W_fus, "b_fus": b_fus}


def _gcn_conv(x, edge_index, W, b):
    n = x.shape[0]
    loop = jnp.arange(n, dtype=edge_index.dtype)
    src = jnp.concatenate([edge_index[0], loop])
    dst = jnp.concatenate([edge_index[1], loop])
    h = x @ W
    ones = jnp.ones(src.shape[0], dtype=x.dtype)
    deg = jax.ops.segment_sum(ones, dst, num_segments=n)
    dinv = jnp.where(deg > 0, 1.0 / jnp.sqrt(deg), 0.0)
    norm = dinv[src] * dinv[dst]
    msgs = h[src] * norm[:, None]
    out = jax.ops.segment_sum(msgs, dst, num_segments=n)
    return out + b


def reference(base_feat, event_vector, edge_index, W_ep, b_ep, W_gcn, b_gcn, W_gate, b_gate, W_fus, b_fus):
    event_feat = jax.nn.relu(event_vector @ W_ep + b_ep)
    diffused_event = jax.nn.relu(_gcn_conv(event_feat, edge_index, W_gcn, b_gcn))
    gate_in = jnp.concatenate([base_feat, diffused_event], axis=-1)
    gate_value = jax.nn.sigmoid(gate_in @ W_gate + b_gate)
    corrected_feat = base_feat * (1.0 - gate_value) + diffused_event * gate_value
    fus_in = jnp.concatenate([base_feat, corrected_feat], axis=-1)
    out_feat = jax.nn.relu(fus_in @ W_fus + b_fus)
    return out_feat

if __name__ == "__main__":
    import jax
    _d = setup_inputs()
    print(jax.jit(kernel)(*tuple(_d.values())))

</pallas_src>

<mosaic_0001>
#map = affine_map<(d0, d1) -> (0, 0, 0)>
#map1 = affine_map<(d0, d1) -> (0)>
module attributes {stable_mosaic.version = 14 : i64} {
  func.func @_deg_kernel(%arg0: i32, %arg1: i32, %arg2: memref<32x100x100xi32, #tpu.memory_space<hbm>>, %arg3: memref<20000xf32, #tpu.memory_space<hbm>>, %arg4: memref<10000xf32, #tpu.memory_space<vmem_shared>>, %arg5: memref<100x100xi32, #tpu.memory_space<vmem>>, %arg6: memref<112xf32, #tpu.memory_space<vmem>>, %arg7: memref<!tpu.dma_semaphore, #tpu.memory_space<semaphore_mem>>, %arg8: memref<1008xf32, #tpu.memory_space<vmem>>) attributes {dimension_semantics = [#tpu.dimension_semantics<core_parallel>, #tpu.dimension_semantics<subcore_parallel>], iteration_bounds = array<i64: 2, 16>, scalar_prefetch = 0 : i64, scratch_operands = 5 : i64, tpu.core_type = #tpu.core_type<sc_vector_subcore>, window_params = [{transform_indices = #map}, {transform_indices = #map1}]} {
    %mul3A = arith.constant 2 : i32
    %mul3A_0 = arith.muli %arg1, %mul3A : i32
    %add3A = arith.addi %mul3A_0, %arg0 : i32
    %dma_start3A = arith.constant 0 : i32
    %dma_start3A_1 = arith.constant 0 : i32
    %dma_start3A_2 = tpu.memref_slice %arg2[%add3A, %dma_start3A, %dma_start3A_1] : memref<32x100x100xi32, #tpu.memory_space<hbm>> -> memref<1x100x100xi32, #tpu.memory_space<hbm>>
    %dma_start3A_3 = tpu.memref_squeeze %dma_start3A_2 : memref<1x100x100xi32, #tpu.memory_space<hbm>> -> memref<100x100xi32, #tpu.memory_space<hbm>>
    %dma_start3A_4 = arith.constant 0 : i32
    %dma_start3A_5 = arith.constant 0 : i32
    %dma_start3A_6 = tpu.memref_slice %arg2[%add3A, %dma_start3A_4, %dma_start3A_5] : memref<32x100x100xi32, #tpu.memory_space<hbm>> -> memref<1x100x100xi32, #tpu.memory_space<hbm>>
    %dma_start3A_7 = tpu.memref_squeeze %dma_start3A_6 : memref<1x100x100xi32, #tpu.memory_space<hbm>> -> memref<100x100xi32, #tpu.memory_space<hbm>>
    tpu.enqueue_dma source(%dma_start3A_7 : memref<100x100xi32, #tpu.memory_space<hbm>>) target(%arg5 : memref<100x100xi32, #tpu.memory_space<vmem>>) target_semaphore(%arg7 : memref<!tpu.dma_semaphore, #tpu.memory_space<semaphore_mem>>)
    %broadcast_in_dim3A = arith.constant 1.000000e+00 : f32
    %broadcast_in_dim3A_8 = vector.broadcast %broadcast_in_dim3A : f32 to vector<16xf32>
    %swap3A = arith.constant 0 : index
    %swap3A_9 = tpu.vector_load %arg6[%swap3A] {strides = array<i32>} : memref<112xf32, #tpu.memory_space<vmem>>, vector<16xf32>,
    %swap3A_10 = vector.shape_cast %swap3A_9 : vector<16xf32> to vector<16xf32>
    %swap3A_11 = vector.shape_cast %broadcast_in_dim3A_8 : vector<16xf32> to vector<16xf32>
    tpu.vector_store %arg6[%swap3A], %swap3A_11 {strides = array<i32>} : memref<112xf32, #tpu.memory_space<vmem>>, vector<16xf32>,
    %swap3A_12 = arith.constant 16 : index
    %swap3A_13 = tpu.vector_load %arg6[%swap3A_12] {strides = array<i32>} : memref<112xf32, #tpu.memory_space<vmem>>, vector<16xf32>,
    %swap3A_14 = vector.shape_cast %swap3A_13 : vector<16xf32> to vector<16xf32>
    %swap3A_15 = vector.shape_cast %broadcast_in_dim3A_8 : vector<16xf32> to vector<16xf32>
    tpu.vector_store %arg6[%swap3A_12], %swap3A_15 {strides = array<i32>} : memref<112xf32, #tpu.memory_space<vmem>>, vector<16xf32>,
    %swap3A_16 = arith.constant 32 : index
    %swap3A_17 = tpu.vector_load %arg6[%swap3A_16] {strides = array<i32>} : memref<112xf32, #tpu.memory_space<vmem>>, vector<16xf32>,
    %swap3A_18 = vector.shape_cast %swap3A_17 : vector<16xf32> to vector<16xf32>
    %swap3A_19 = vector.shape_cast %broadcast_in_dim3A_8 : vector<16xf32> to vector<16xf32>
    tpu.vector_store %arg6[%swap3A_16], %swap3A_19 {strides = array<i32>} : memref<112xf32, #tpu.memory_space<vmem>>, vector<16xf32>,
    %swap3A_20 = arith.constant 48 : index
    %swap3A_21 = tpu.vector_load %arg6[%swap3A_20] {strides = array<i32>} : memref<112xf32, #tpu.memory_space<vmem>>, vector<16xf32>,
    %swap3A_22 = vector.shape_cast %swap3A_21 : vector<16xf32> to vector<16xf32>
    %swap3A_23 = vector.shape_cast %broadcast_in_dim3A_8 : vector<16xf32> to vector<16xf32>
    tpu.vector_store %arg6[%swap3A_20], %swap3A_23 {strides = array<i32>} : memref<112xf32, #tpu.memory_space<vmem>>, vector<16xf32>,
    %swap3A_24 = arith.constant 64 : index
    %swap3A_25 = tpu.vector_load %arg6[%swap3A_24] {strides = array<i32>} : memref<112xf32, #tpu.memory_space<vmem>>, vector<16xf32>,
    %swap3A_26 = vector.shape_cast %swap3A_25 : vector<16xf32> to vector<16xf32>
    %swap3A_27 = vector.shape_cast %broadcast_in_dim3A_8 : vector<16xf32> to vector<16xf32>
    tpu.vector_store %arg6[%swap3A_24], %swap3A_27 {strides = array<i32>} : memref<112xf32, #tpu.memory_space<vmem>>, vector<16xf32>,
    %swap3A_28 = arith.constant 80 : index
    %swap3A_29 = tpu.vector_load %arg6[%swap3A_28] {strides = array<i32>} : memref<112xf32, #tpu.memory_space<vmem>>, vector<16xf32>,
    %swap3A_30 = vector.shape_cast %swap3A_29 : vector<16xf32> to vector<16xf32>
    %swap3A_31 = vector.shape_cast %broadcast_in_dim3A_8 : vector<16xf32> to vector<16xf32>
    tpu.vector_store %arg6[%swap3A_28], %swap3A_31 {strides = array<i32>} : memref<112xf32, #tpu.memory_space<vmem>>, vector<16xf32>,
    %swap3A_32 = arith.constant 96 : index
    %swap3A_33 = tpu.vector_load %arg6[%swap3A_32] {strides = array<i32>} : memref<112xf32, #tpu.memory_space<vmem>>, vector<16xf32>,
    %swap3A_34 = vector.shape_cast %swap3A_33 : vector<16xf32> to vector<16xf32>
    %swap3A_35 = vector.shape_cast %broadcast_in_dim3A_8 : vector<16xf32> to vector<16xf32>
    tpu.vector_store %arg6[%swap3A_32], %swap3A_35 {strides = array<i32>} : memref<112xf32, #tpu.memory_space<vmem>>, vector<16xf32>,
    %broadcast_in_dim3A_36 = arith.constant 0.000000e+00 : f32
    %broadcast_in_dim3A_37 = vector.broadcast %broadcast_in_dim3A_36 : f32 to vector<16xf32>
    %scan3A = arith.constant 0 : i32
    %scan3A_38 = arith.constant 0 : i32
    %scan3A_39 = arith.constant 63 : i32
    %scan3A_40 = arith.addi %scan3A_38, %scan3A_39 : i32
    %scan3A_41 = arith.constant 1 : i32
    %scan3A_42 = scf.for %scan3A_66 = %scan3A_38 to %scan3A_40 step %scan3A_41 iter_args(%scan3A_67 = %scan3A) -> (i32)  : i32 {
      %mul3A_68 = arith.constant 16 : i32
      %mul3A_69 = arith.muli %scan3A_66, %mul3A_68 : i32
      %swap3A_70 = arith.index_cast %mul3A_69 : i32 to index
      %swap3A_71 = tpu.vector_load %arg8[%swap3A_70] {strides = array<i32>} : memref<1008xf32, #tpu.memory_space<vmem>>, vector<16xf32>,
      %swap3A_72 = vector.shape_cast %swap3A_71 : vector<16xf32> to vector<16xf32>
      %swap3A_73 = vector.shape_cast %broadcast_in_dim3A_37 : vector<16xf32> to vector<16xf32>
      tpu.vector_store %arg8[%swap3A_70], %swap3A_73 {strides = array<i32>} : memref<1008xf32, #tpu.memory_space<vmem>>, vector<16xf32>,
      %scan3A_74 = arith.constant 0 : i32
      scf.yield %scan3A_74 : i32
    }
    %scan3A_43 = arith.constant 63 : i32
    %lt3A = arith.constant 10 : i32
    %lt3A_44 = arith.cmpi slt, %arg1, %lt3A : i32
    %convert_element_type3A = arith.extui %lt3A_44 : i1 to i32
    %cond3A = arith.constant 0 : i32
    %cond3A_45 = arith.cmpi ne, %convert_element_type3A, %cond3A : i32
    scf.if %cond3A_45 {
      %mul3A_66 = arith.constant 1000 : i32
      %mul3A_67 = arith.muli %arg1, %mul3A_66 : i32
      %multiple_of3A = tpu.assume_multiple %mul3A_67, 8 : i32
      "tpu.region"() ({
        %run_scoped3A = tpu.sem_alloc : memref<!tpu.dma_semaphore, #tpu.memory_space<semaphore_mem>>
        %dma_start3A_68 = arith.constant 0 : i32
        %dma_start3A_69 = tpu.memref_slice %arg8[%dma_start3A_68] : memref<1008xf32, #tpu.memory_space<vmem>> -> memref<1000xf32, #tpu.memory_space<vmem>>
        %dma_start3A_70 = tpu.memref_slice %arg4[%multiple_of3A] : memref<10000xf32, #tpu.memory_space<vmem_shared>> -> memref<1000xf32, #tpu.memory_space<vmem_shared>>
        %dma_start3A_71 = tpu.memref_slice %arg4[%multiple_of3A] : memref<10000xf32, #tpu.memory_space<vmem_shared>> -> memref<1000xf32, #tpu.memory_space<vmem_shared>>
        %dma_start3A_72 = arith.constant 0 : i32
        %dma_start3A_73 = tpu.memref_slice %arg8[%dma_start3A_72] : memref<1008xf32, #tpu.memory_space<vmem>> -> memref<1000xf32, #tpu.memory_space<vmem>>
        tpu.enqueue_dma source(%dma_start3A_73 : memref<1000xf32, #tpu.memory_space<vmem>>) target(%dma_start3A_71 : memref<1000xf32, #tpu.memory_space<vmem_shared>>) target_semaphore(%run_scoped3A : memref<!tpu.dma_semaphore, #tpu.memory_space<semaphore_mem>>)
        %dma_wait3A_74 = arith.constant 0 : i32
        %dma_wait3A_75 = tpu.memref_slice %arg8[%dma_wait3A_74] : memref<1008xf32, #tpu.memory_space<vmem>> -> memref<1000xf32, #tpu.memory_space<vmem>>
        %dma_wait3A_76 = tpu.memref_slice %arg4[%multiple_of3A] : memref<10000xf32, #tpu.memory_space<vmem_shared>> -> memref<1000xf32, #tpu.memory_space<vmem_shared>>
        %dma_wait3A_77 = tpu.memref_slice %arg4[%multiple_of3A] : memref<10000xf32, #tpu.memory_space<vmem_shared>> -> memref<1000xf32, #tpu.memory_space<vmem_shared>>
        %dma_wait3A_78 = arith.constant 0 : i32
        %dma_wait3A_79 = tpu.memref_slice %arg8[%dma_wait3A_78] : memref<1008xf32, #tpu.memory_space<vmem>> -> memref<1000xf32, #tpu.memory_space<vmem>>
        tpu.wait_dma2 semaphore(%run_scoped3A : memref<!tpu.dma_semaphore, #tpu.memory_space<semaphore_mem>>) src(%dma_wait3A_79 : memref<1000xf32, #tpu.memory_space<vmem>>) dst(%dma_wait3A_77 : memref<1000xf32, #tpu.memory_space<vmem_shared>>)
        tpu.yield
      }) : () -> ()
    } else {
    }
    %dma_wait3A = arith.constant 0 : i32
    %dma_wait3A_46 = arith.constant 0 : i32
    %dma_wait3A_47 = tpu.memref_slice %arg2[%add3A, %dma_wait3A, %dma_wait3A_46] : memref<32x100x100xi32, #tpu.memory_space<hbm>> -> memref<1x100x100xi32, #tpu.memory_space<hbm>>
    %dma_wait3A_48 = tpu.memref_squeeze %dma_wait3A_47 : memref<1x100x100xi32, #tpu.memory_space<hbm>> -> memref<100x100xi32, #tpu.memory_space<hbm>>
    %dma_wait3A_49 = arith.constant 0 : i32
    %dma_wait3A_50 = arith.constant 0 : i32
    %dma_wait3A_51 = tpu.memref_slice %arg2[%add3A, %dma_wait3A_49, %dma_wait3A_50] : memref<32x100x100xi32, #tpu.memory_space<hbm>> -> memref<1x100x100xi32, #tpu.memory_space<hbm>>
    %dma_wait3A_52 = tpu.memref_squeeze %dma_wait3A_51 : memref<1x100x100xi32, #tpu.memory_space<hbm>> -> memref<100x100xi32, #tpu.memory_space<hbm>>
    tpu.wait_dma2 semaphore(%arg7 : memref<!tpu.dma_semaphore, #tpu.memory_space<semaphore_mem>>) src(%dma_wait3A_52 : memref<100x100xi32, #tpu.memory_space<hbm>>) dst(%arg5 : memref<100x100xi32, #tpu.memory_space<vmem>>)
    %barrier3A = arith.constant 0 : index
    tpu.barrier barrier_id(%barrier3A)
    %scan3A_53 = arith.constant 0 : i32
    %scan3A_54 = arith.constant 0 : i32
    %scan3A_55 = arith.constant 5 : i32
    %scan3A_56 = arith.addi %scan3A_54, %scan3A_55 : i32
    %scan3A_57 = arith.constant 1 : i32
    %scan3A_58 = scf.for %scan3A_66 = %scan3A_54 to %scan3A_56 step %scan3A_57 iter_args(%scan3A_67 = %scan3A_53) -> (i32)  : i32 {
      %mul3A_68 = arith.constant 20 : i32
      %mul3A_69 = arith.muli %scan3A_66, %mul3A_68 : i32
      %add3A_70 = arith.constant 0 : i32
      %add3A_71 = arith.addi %mul3A_69, %add3A_70 : i32
      %dma_start3A_72 = arith.constant 0 : i32
      %dma_start3A_73 = tpu.memref_slice %arg6[%dma_start3A_72] : memref<112xf32, #tpu.memory_space<vmem>> -> memref<100xf32, #tpu.memory_space<vmem>>
      %dma_start3A_74 = arith.constant 0 : i32
      %dma_start3A_75 = tpu.memref_slice %arg5[%add3A_71, %dma_start3A_74] : memref<100x100xi32, #tpu.memory_space<vmem>> -> memref<1x100xi32, #tpu.memory_space<vmem>>
      %dma_start3A_76 = tpu.memref_squeeze %dma_start3A_75 : memref<1x100xi32, #tpu.memory_space<vmem>> -> memref<100xi32, #tpu.memory_space<vmem>>
      %dma_start3A_77 = arith.constant 0 : i32
      %dma_start3A_78 = tpu.memref_slice %arg4[%dma_start3A_77] : memref<10000xf32, #tpu.memory_space<vmem_shared>> -> memref<10000xf32, #tpu.memory_space<vmem_shared>>
      tpu.enqueue_indirect_dma source(%dma_start3A_73 : memref<100xf32, #tpu.memory_space<vmem>>) target(%dma_start3A_78 : memref<10000xf32, #tpu.memory_space<vmem_shared>>) offsets(%dma_start3A_76 : memref<100xi32, #tpu.memory_space<vmem>>) semaphore(%arg7 : memref<!tpu.dma_semaphore, #tpu.memory_space<semaphore_mem>>) {add = true}
      %mul3A_79 = arith.constant 20 : i32
      %mul3A_80 = arith.muli %scan3A_66, %mul3A_79 : i32
      %add3A_81 = arith.constant 1 : i32
      %add3A_82 = arith.addi %mul3A_80, %add3A_81 : i32
      %dma_start3A_83 = arith.constant 0 : i32
      %dma_start3A_84 = tpu.memref_slice %arg6[%dma_start3A_83] : memref<112xf32, #tpu.memory_space<vmem>> -> memref<100xf32, #tpu.memory_space<vmem>>
      %dma_start3A_85 = arith.constant 0 : i32
      %dma_start3A_86 = tpu.memref_slice %arg5[%add3A_82, %dma_start3A_85] : memref<100x100xi32, #tpu.memory_space<vmem>> -> memref<1x100xi32, #tpu.memory_space<vmem>>
      %dma_start3A_87 = tpu.memref_squeeze %dma_start3A_86 : memref<1x100xi32, #tpu.memory_space<vmem>> -> memref<100xi32, #tpu.memory_space<vmem>>
      %dma_start3A_88 = arith.constant 0 : i32
      %dma_start3A_89 = tpu.memref_slice %arg4[%dma_start3A_88] : memref<10000xf32, #tpu.memory_space<vmem_shared>> -> memref<10000xf32, #tpu.memory_space<vmem_shared>>
      tpu.enqueue_indirect_dma source(%dma_start3A_84 : memref<100xf32, #tpu.memory_space<vmem>>) target(%dma_start3A_89 : memref<10000xf32, #tpu.memory_space<vmem_shared>>) offsets(%dma_start3A_87 : memref<100xi32, #tpu.memory_space<vmem>>) semaphore(%arg7 : memref<!tpu.dma_semaphore, #tpu.memory_space<semaphore_mem>>) {add = true}
      %mul3A_90 = arith.constant 20 : i32
      %mul3A_91 = arith.muli %scan3A_66, %mul3A_90 : i32
      %add3A_92 = arith.constant 2 : i32
      %add3A_93 = arith.addi %mul3A_91, %add3A_92 : i32
      %dma_start3A_94 = arith.constant 0 : i32
      %dma_start3A_95 = tpu.memref_slice %arg6[%dma_start3A_94] : memref<112xf32, #tpu.memory_space<vmem>> -> memref<100xf32, #tpu.memory_space<vmem>>
      %dma_start3A_96 = arith.constant 0 : i32
      %dma_start3A_97 = tpu.memref_slice %arg5[%add3A_93, %dma_start3A_96] : memref<100x100xi32, #tpu.memory_space<vmem>> -> memref<1x100xi32, #tpu.memory_space<vmem>>
      %dma_start3A_98 = tpu.memref_squeeze %dma_start3A_97 : memref<1x100xi32, #tpu.memory_space<vmem>> -> memref<100xi32, #tpu.memory_space<vmem>>
      %dma_start3A_99 = arith.constant 0 : i32
      %dma_start3A_100 = tpu.memref_slice %arg4[%dma_start3A_99] : memref<10000xf32, #tpu.memory_space<vmem_shared>> -> memref<10000xf32, #tpu.memory_space<vmem_shared>>
      tpu.enqueue_indirect_dma source(%dma_start3A_95 : memref<100xf32, #tpu.memory_space<vmem>>) target(%dma_start3A_100 : memref<10000xf32, #tpu.memory_space<vmem_shared>>) offsets(%dma_start3A_98 : memref<100xi32, #tpu.memory_space<vmem>>) semaphore(%arg7 : memref<!tpu.dma_semaphore, #tpu.memory_space<semaphore_mem>>) {add = true}
      %mul3A_101 = arith.constant 20 : i32
      %mul3A_102 = arith.muli %scan3A_66, %mul3A_101 : i32
      %add3A_103 = arith.constant 3 : i32
      %add3A_104 = arith.addi %mul3A_102, %add3A_103 : i32
      %dma_start3A_105 = arith.constant 0 : i32
      %dma_start3A_106 = tpu.memref_slice %arg6[%dma_start3A_105] : memref<112xf32, #tpu.memory_space<vmem>> -> memref<100xf32, #tpu.memory_space<vmem>>
      %dma_start3A_107 = arith.constant 0 : i32
      %dma_start3A_108 = tpu.memref_slice %arg5[%add3A_104, %dma_start3A_107] : memref<100x100xi32, #tpu.memory_space<vmem>> -> memref<1x100xi32, #tpu.memory_space<vmem>>
      %dma_start3A_109 = tpu.memref_squeeze %dma_start3A_108 : memref<1x100xi32, #tpu.memory_space<vmem>> -> memref<100xi32, #tpu.memory_space<vmem>>
      %dma_start3A_110 = arith.constant 0 : i32
      %dma_start3A_111 = tpu.memref_slice %arg4[%dma_start3A_110] : memref<10000xf32, #tpu.memory_space<vmem_shared>> -> memref<10000xf32, #tpu.memory_space<vmem_shared>>
      tpu.enqueue_indirect_dma source(%dma_start3A_106 : memref<100xf32, #tpu.memory_space<vmem>>) target(%dma_start3A_111 : memref<10000xf32, #tpu.memory_space<vmem_shared>>) offsets(%dma_start3A_109 : memref<100xi32, #tpu.memory_space<vmem>>) semaphore(%arg7 : memref<!tpu.dma_semaphore, #tpu.memory_space<semaphore_mem>>) {add = true}
      %mul3A_112 = arith.constant 20 : i32
      %mul3A_113 = arith.muli %scan3A_66, %mul3A_112 : i32
      %add3A_114 = arith.constant 4 : i32
      %add3A_115 = arith.addi %mul3A_113, %add3A_114 : i32
      %dma_start3A_116 = arith.constant 0 : i32
      %dma_start3A_117 = tpu.memref_slice %arg6[%dma_start3A_116] : memref<112xf32, #tpu.memory_space<vmem>> -> memref<100xf32, #tpu.memory_space<vmem>>
      %dma_start3A_118 = arith.constant 0 : i32
      %dma_start3A_119 = tpu.memref_slice %arg5[%add3A_115, %dma_start3A_118] : memref<100x100xi32, #tpu.memory_space<vmem>> -> memref<1x100xi32, #tpu.memory_space<vmem>>
      %dma_start3A_120 = tpu.memref_squeeze %dma_start3A_119 : memref<1x100xi32, #tpu.memory_space<vmem>> -> memref<100xi32, #tpu.memory_space<vmem>>
      %dma_start3A_121 = arith.constant 0 : i32
      %dma_start3A_122 = tpu.memref_slice %arg4[%dma_start3A_121] : memref<10000xf32, #tpu.memory_space<vmem_shared>> -> memref<10000xf32, #tpu.memory_space<vmem_shared>>
      tpu.enqueue_indirect_dma source(%dma_start3A_117 : memref<100xf32, #tpu.memory_space<vmem>>) target(%dma_start3A_122 : memref<10000xf32, #tpu.memory_space<vmem_shared>>) offsets(%dma_start3A_120 : memref<100xi32, #tpu.memory_space<vmem>>) semaphore(%arg7 : memref<!tpu.dma_semaphore, #tpu.memory_space<semaphore_mem>>) {add = true}
      %mul3A_123 = arith.constant 20 : i32
      %mul3A_124 = arith.muli %scan3A_66, %mul3A_123 : i32
      %add3A_125 = arith.constant 5 : i32
      %add3A_126 = arith.addi %mul3A_124, %add3A_125 : i32
      %dma_start3A_127 = arith.constant 0 : i32
      %dma_start3A_128 = tpu.memref_slice %arg6[%dma_start3A_127] : memref<112xf32, #tpu.memory_space<vmem>> -> memref<100xf32, #tpu.memory_space<vmem>>
      %dma_start3A_129 = arith.constant 0 : i32
      %dma_start3A_130 = tpu.memref_slice %arg5[%add3A_126, %dma_start3A_129] : memref<100x100xi32, #tpu.memory_space<vmem>> -> memref<1x100xi32, #tpu.memory_space<vmem>>
      %dma_start3A_131 = tpu.memref_squeeze %dma_start3A_130 : memref<1x100xi32, #tpu.memory_space<vmem>> -> memref<100xi32, #tpu.memory_space<vmem>>
      %dma_start3A_132 = arith.constant 0 : i32
      %dma_start3A_133 = tpu.memref_slice %arg4[%dma_start3A_132] : memref<10000xf32, #tpu.memory_space<vmem_shared>> -> memref<10000xf32, #tpu.memory_space<vmem_shared>>
      tpu.enqueue_indirect_dma source(%dma_start3A_128 : memref<100xf32, #tpu.memory_space<vmem>>) target(%dma_start3A_133 : memref<10000xf32, #tpu.memory_space<vmem_shared>>) offsets(%dma_start3A_131 : memref<100xi32, #tpu.memory_space<vmem>>) semaphore(%arg7 : memref<!tpu.dma_semaphore, #tpu.memory_space<semaphore_mem>>) {add = true}
      %mul3A_134 = arith.constant 20 : i32
      %mul3A_135 = arith.muli %scan3A_66, %mul3A_134 : i32
      %add3A_136 = arith.constant 6 : i32
      %add3A_137 = arith.addi %mul3A_135, %add3A_136 : i32
      %dma_start3A_138 = arith.constant 0 : i32
      %dma_start3A_139 = tpu.memref_slice %arg6[%dma_start3A_138] : memref<112xf32, #tpu.memory_space<vmem>> -> memref<100xf32, #tpu.memory_space<vmem>>
      %dma_start3A_140 = arith.constant 0 : i32
      %dma_start3A_141 = tpu.memref_slice %arg5[%add3A_137, %dma_start3A_140] : memref<100x100xi32, #tpu.memory_space<vmem>> -> memref<1x100xi32, #tpu.memory_space<vmem>>
      %dma_start3A_142 = tpu.memref_squeeze %dma_start3A_141 : memref<1x100xi32, #tpu.memory_space<vmem>> -> memref<100xi32, #tpu.memory_space<vmem>>
      %dma_start3A_143 = arith.constant 0 : i32
      %dma_start3A_144 = tpu.memref_slice %arg4[%dma_start3A_143] : memref<10000xf32, #tpu.memory_space<vmem_shared>> -> memref<10000xf32, #tpu.memory_space<vmem_shared>>
      tpu.enqueue_indirect_dma source(%dma_start3A_139 : memref<100xf32, #tpu.memory_space<vmem>>) target(%dma_start3A_144 : memref<10000xf32, #tpu.memory_space<vmem_shared>>) offsets(%dma_start3A_142 : memref<100xi32, #tpu.memory_space<vmem>>) semaphore(%arg7 : memref<!tpu.dma_semaphore, #tpu.memory_space<semaphore_mem>>) {add = true}
      %mul3A_145 = arith.constant 20 : i32
      %mul3A_146 = arith.muli %scan3A_66, %mul3A_145 : i32
      %add3A_147 = arith.constant 7 : i32
      %add3A_148 = arith.addi %mul3A_146, %add3A_147 : i32
      %dma_start3A_149 = arith.constant 0 : i32
      %dma_start3A_150 = tpu.memref_slice %arg6[%dma_start3A_149] : memref<112xf32, #tpu.memory_space<vmem>> -> memref<100xf32, #tpu.memory_space<vmem>>
      %dma_start3A_151 = arith.constant 0 : i32
      %dma_start3A_152 = tpu.memref_slice %arg5[%add3A_148, %dma_start3A_151] : memref<100x100xi32, #tpu.memory_space<vmem>> -> memref<1x100xi32, #tpu.memory_space<vmem>>
      %dma_start3A_153 = tpu.memref_squeeze %dma_start3A_152 : memref<1x100xi32, #tpu.memory_space<vmem>> -> memref<100xi32, #tpu.memory_space<vmem>>
      %dma_start3A_154 = arith.constant 0 : i32
      %dma_start3A_155 = tpu.memref_slice %arg4[%dma_start3A_154] : memref<10000xf32, #tpu.memory_space<vmem_shared>> -> memref<10000xf32, #tpu.memory_space<vmem_shared>>
      tpu.enqueue_indirect_dma source(%dma_start3A_150 : memref<100xf32, #tpu.memory_space<vmem>>) target(%dma_start3A_155 : memref<10000xf32, #tpu.memory_space<vmem_shared>>) offsets(%dma_start3A_153 : memref<100xi32, #tpu.memory_space<vmem>>) semaphore(%arg7 : memref<!tpu.dma_semaphore, #tpu.memory_space<semaphore_mem>>) {add = true}
      %mul3A_156 = arith.constant 20 : i32
      %mul3A_157 = arith.muli %scan3A_66, %mul3A_156 : i32
      %add3A_158 = arith.constant 8 : i32
      %add3A_159 = arith.addi %mul3A_157, %add3A_158 : i32
      %dma_start3A_160 = arith.constant 0 : i32
      %dma_start3A_161 = tpu.memref_slice %arg6[%dma_start3A_160] : memref<112xf32, #tpu.memory_space<vmem>> -> memref<100xf32, #tpu.memory_space<vmem>>
      %dma_start3A_162 = arith.constant 0 : i32
      %dma_start3A_163 = tpu.memref_slice %arg5[%add3A_159, %dma_start3A_162] : memref<100x100xi32, #tpu.memory_space<vmem>> -> memref<1x100xi32, #tpu.memory_space<vmem>>
      %dma_start3A_164 = tpu.memref_squeeze %dma_start3A_163 : memref<1x100xi32, #tpu.memory_space<vmem>> -> memref<100xi32, #tpu.memory_space<vmem>>
      %dma_start3A_165 = arith.constant 0 : i32
      %dma_start3A_166 = tpu.memref_slice %arg4[%dma_start3A_165] : memref<10000xf32, #tpu.memory_space<vmem_shared>> -> memref<10000xf32, #tpu.memory_space<vmem_shared>>
      tpu.enqueue_indirect_dma source(%dma_start3A_161 : memref<100xf32, #tpu.memory_space<vmem>>) target(%dma_start3A_166 : memref<10000xf32, #tpu.memory_space<vmem_shared>>) offsets(%dma_start3A_164 : memref<100xi32, #tpu.memory_space<vmem>>) semaphore(%arg7 : memref<!tpu.dma_semaphore, #tpu.memory_space<semaphore_mem>>) {add = true}
      %mul3A_167 = arith.constant 20 : i32
      %mul3A_168 = arith.muli %scan3A_66, %mul3A_167 : i32
      %add3A_169 = arith.constant 9 : i32
      %add3A_170 = arith.addi %mul3A_168, %add3A_169 : i32
      %dma_start3A_171 = arith.constant 0 : i32
      %dma_start3A_172 = tpu.memref_slice %arg6[%dma_start3A_171] : memref<112xf32, #tpu.memory_space<vmem>> -> memref<100xf32, #tpu.memory_space<vmem>>
      %dma_start3A_173 = arith.constant 0 : i32
      %dma_start3A_174 = tpu.memref_slice %arg5[%add3A_170, %dma_start3A_173] : memref<100x100xi32, #tpu.memory_space<vmem>> -> memref<1x100xi32, #tpu.memory_space<vmem>>
      %dma_start3A_175 = tpu.memref_squeeze %dma_start3A_174 : memref<1x100xi32, #tpu.memory_space<vmem>> -> memref<100xi32, #tpu.memory_space<vmem>>
      %dma_start3A_176 = arith.constant 0 : i32
      %dma_start3A_177 = tpu.memref_slice %arg4[%dma_start3A_176] : memref<10000xf32, #tpu.memory_space<vmem_shared>> -> memref<10000xf32, #tpu.memory_space<vmem_shared>>
      tpu.enqueue_indirect_dma source(%dma_start3A_172 : memref<100xf32, #tpu.memory_space<vmem>>) target(%dma_start3A_177 : memref<10000xf32, #tpu.memory_space<vmem_shared>>) offsets(%dma_start3A_175 : memref<100xi32, #tpu.memory_space<vmem>>) semaphore(%arg7 : memref<!tpu.dma_semaphore, #tpu.memory_space<semaphore_mem>>) {add = true}
      %mul3A_178 = arith.constant 20 : i32
      %mul3A_179 = arith.muli %scan3A_66, %mul3A_178 : i32
      %add3A_180 = arith.constant 10 : i32
      %add3A_181 = arith.addi %mul3A_179, %add3A_180 : i32
      %dma_start3A_182 = arith.constant 0 : i32
      %dma_start3A_183 = tpu.memref_slice %arg6[%dma_start3A_182] : memref<112xf32, #tpu.memory_space<vmem>> -> memref<100xf32, #tpu.memory_space<vmem>>
      %dma_start3A_184 = arith.constant 0 : i32
      %dma_start3A_185 = tpu.memref_slice %arg5[%add3A_181, %dma_start3A_184] : memref<100x100xi32, #tpu.memory_space<vmem>> -> memref<1x100xi32, #tpu.memory_space<vmem>>
      %dma_start3A_186 = tpu.memref_squeeze %dma_start3A_185 : memref<1x100xi32, #tpu.memory_space<vmem>> -> memref<100xi32, #tpu.memory_space<vmem>>
      %dma_start3A_187 = arith.constant 0 : i32
      %dma_start3A_188 = tpu.memref_slice %arg4[%dma_start3A_187] : memref<10000xf32, #tpu.memory_space<vmem_shared>> -> memref<10000xf32, #tpu.memory_space<vmem_shared>>
      tpu.enqueue_indirect_dma source(%dma_start3A_183 : memref<100xf32, #tpu.memory_space<vmem>>) target(%dma_start3A_188 : memref<10000xf32, #tpu.memory_space<vmem_shared>>) offsets(%dma_start3A_186 : memref<100xi32, #tpu.memory_space<vmem>>) semaphore(%arg7 : memref<!tpu.dma_semaphore, #tpu.memory_space<semaphore_mem>>) {add = true}
      %mul3A_189 = arith.constant 20 : i32
      %mul3A_190 = arith.muli %scan3A_66, %mul3A_189 : i32
      %add3A_191 = arith.constant 11 : i32
      %add3A_192 = arith.addi %mul3A_190, %add3A_191 : i32
      %dma_start3A_193 = arith.constant 0 : i32
      %dma_start3A_194 = tpu.memref_slice %arg6[%dma_start3A_193] : memref<112xf32, #tpu.memory_space<vmem>> -> memref<100xf32, #tpu.memory_space<vmem>>
      %dma_start3A_195 = arith.constant 0 : i32
      %dma_start3A_196 = tpu.memref_slice %arg5[%add3A_192, %dma_start3A_195] : memref<100x100xi32, #tpu.memory_space<vmem>> -> memref<1x100xi32, #tpu.memory_space<vmem>>
      %dma_start3A_197 = tpu.memref_squeeze %dma_start3A_196 : memref<1x100xi32, #tpu.memory_space<vmem>> -> memref<100xi32, #tpu.memory_space<vmem>>
      %dma_start3A_198 = arith.constant 0 : i32
      %dma_start3A_199 = tpu.memref_slice %arg4[%dma_start3A_198] : memref<10000xf32, #tpu.memory_space<vmem_shared>> -> memref<10000xf32, #tpu.memory_space<vmem_shared>>
      tpu.enqueue_indirect_dma source(%dma_start3A_194 : memref<100xf32, #tpu.memory_space<vmem>>) target(%dma_start3A_199 : memref<10000xf32, #tpu.memory_space<vmem_shared>>) offsets(%dma_start3A_197 : memref<100xi32, #tpu.memory_space<vmem>>) semaphore(%arg7 : memref<!tpu.dma_semaphore, #tpu.memory_space<semaphore_mem>>) {add = true}
      %mul3A_200 = arith.constant 20 : i32
      %mul3A_201 = arith.muli %scan3A_66, %mul3A_200 : i32
      %add3A_202 = arith.constant 12 : i32
      %add3A_203 = arith.addi %mul3A_201, %add3A_202 : i32
      %dma_start3A_204 = arith.constant 0 : i32
      %dma_start3A_205 = tpu.memref_slice %arg6[%dma_start3A_204] : memref<112xf32, #tpu.memory_space<vmem>> -> memref<100xf32, #tpu.memory_space<vmem>>
      %dma_start3A_206 = arith.constant 0 : i32
      %dma_start3A_207 = tpu.memref_slice %arg5[%add3A_203, %dma_start3A_206] : memref<100x100xi32, #tpu.memory_space<vmem>> -> memref<1x100xi32, #tpu.memory_space<vmem>>
      %dma_start3A_208 = tpu.memref_squeeze %dma_start3A_207 : memref<1x100xi32, #tpu.memory_space<vmem>> -> memref<100xi32, #tpu.memory_space<vmem>>
      %dma_start3A_209 = arith.constant 0 : i32
      %dma_start3A_210 = tpu.memref_slice %arg4[%dma_start3A_209] : memref<10000xf32, #tpu.memory_space<vmem_shared>> -> memref<10000xf32, #tpu.memory_space<vmem_shared>>
      tpu.enqueue_indirect_dma source(%dma_start3A_205 : memref<100xf32, #tpu.memory_space<vmem>>) target(%dma_start3A_210 : memref<10000xf32, #tpu.memory_space<vmem_shared>>) offsets(%dma_start3A_208 : memref<100xi32, #tpu.memory_space<vmem>>) semaphore(%arg7 : memref<!tpu.dma_semaphore, #tpu.memory_space<semaphore_mem>>) {add = true}
      %mul3A_211 = arith.constant 20 : i32
      %mul3A_212 = arith.muli %scan3A_66, %mul3A_211 : i32
      %add3A_213 = arith.constant 13 : i32
      %add3A_214 = arith.addi %mul3A_212, %add3A_213 : i32
      %dma_start3A_215 = arith.constant 0 : i32
      %dma_start3A_216 = tpu.memref_slice %arg6[%dma_start3A_215] : memref<112xf32, #tpu.memory_space<vmem>> -> memref<100xf32, #tpu.memory_space<vmem>>
      %dma_start3A_217 = arith.constant 0 : i32
      %dma_start3A_218 = tpu.memref_slice %arg5[%add3A_214, %dma_start3A_217] : memref<100x100xi32, #tpu.memory_space<vmem>> -> memref<1x100xi32, #tpu.memory_space<vmem>>
      %dma_start3A_219 = tpu.memref_squeeze %dma_start3A_218 : memref<1x100xi32, #tpu.memory_space<vmem>> -> memref<100xi32, #tpu.memory_space<vmem>>
      %dma_start3A_220 = arith.constant 0 : i32
      %dma_start3A_221 = tpu.memref_slice %arg4[%dma_start3A_220] : memref<10000xf32, #tpu.memory_space<vmem_shared>> -> memref<10000xf32, #tpu.memory_space<vmem_shared>>
      tpu.enqueue_indirect_dma source(%dma_start3A_216 : memref<100xf32, #tpu.memory_space<vmem>>) target(%dma_start3A_221 : memref<10000xf32, #tpu.memory_space<vmem_shared>>) offsets(%dma_start3A_219 : memref<100xi32, #tpu.memory_space<vmem>>) semaphore(%arg7 : memref<!tpu.dma_semaphore, #tpu.memory_space<semaphore_mem>>) {add = true}
      %mul3A_222 = arith.constant 20 : i32
      %mul3A_223 = arith.muli %scan3A_66, %mul3A_222 : i32
      %add3A_224 = arith.constant 14 : i32
      %add3A_225 = arith.addi %mul3A_223, %add3A_224 : i32
      %dma_start3A_226 = arith.constant 0 : i32
      %dma_start3A_227 = tpu.memref_slice %arg6[%dma_start3A_226] : memref<112xf32, #tpu.memory_space<vmem>> -> memref<100xf32, #tpu.memory_space<vmem>>
      %dma_start3A_228 = arith.constant 0 : i32
      %dma_start3A_229 = tpu.memref_slice %arg5[%add3A_225, %dma_start3A_228] : memref<100x100xi32, #tpu.memory_space<vmem>> -> memref<1x100xi32, #tpu.memory_space<vmem>>
      %dma_start3A_230 = tpu.memref_squeeze %dma_start3A_229 : memref<1x100xi32, #tpu.memory_space<vmem>> -> memref<100xi32, #tpu.memory_space<vmem>>
      %dma_start3A_231 = arith.constant 0 : i32
      %dma_start3A_232 = tpu.memref_slice %arg4[%dma_start3A_231] : memref<10000xf32, #tpu.memory_space<vmem_shared>> -> memref<10000xf32, #tpu.memory_space<vmem_shared>>
      tpu.enqueue_indirect_dma source(%dma_start3A_227 : memref<100xf32, #tpu.memory_space<vmem>>) target(%dma_start3A_232 : memref<10000xf32, #tpu.memory_space<vmem_shared>>) offsets(%dma_start3A_230 : memref<100xi32, #tpu.memory_space<vmem>>) semaphore(%arg7 : memref<!tpu.dma_semaphore, #tpu.memory_space<semaphore_mem>>) {add = true}
      %mul3A_233 = arith.constant 20 : i32
      %mul3A_234 = arith.muli %scan3A_66, %mul3A_233 : i32
      %add3A_235 = arith.constant 15 : i32
      %add3A_236 = arith.addi %mul3A_234, %add3A_235 : i32
      %dma_start3A_237 = arith.constant 0 : i32
      %dma_start3A_238 = tpu.memref_slice %arg6[%dma_start3A_237] : memref<112xf32, #tpu.memory_space<vmem>> -> memref<100xf32, #tpu.memory_space<vmem>>
      %dma_start3A_239 = arith.constant 0 : i32
      %dma_start3A_240 = tpu.memref_slice %arg5[%add3A_236, %dma_start3A_239] : memref<100x100xi32, #tpu.memory_space<vmem>> -> memref<1x100xi32, #tpu.memory_space<vmem>>
      %dma_start3A_241 = tpu.memref_squeeze %dma_start3A_240 : memref<1x100xi32, #tpu.memory_space<vmem>> -> memref<100xi32, #tpu.memory_space<vmem>>
      %dma_start3A_242 = arith.constant 0 : i32
      %dma_start3A_243 = tpu.memref_slice %arg4[%dma_start3A_242] : memref<10000xf32, #tpu.memory_space<vmem_shared>> -> memref<10000xf32, #tpu.memory_space<vmem_shared>>
      tpu.enqueue_indirect_dma source(%dma_start3A_238 : memref<100xf32, #tpu.memory_space<vmem>>) target(%dma_start3A_243 : memref<10000xf32, #tpu.memory_space<vmem_shared>>) offsets(%dma_start3A_241 : memref<100xi32, #tpu.memory_space<vmem>>) semaphore(%arg7 : memref<!tpu.dma_semaphore, #tpu.memory_space<semaphore_mem>>) {add = true}
      %mul3A_244 = arith.constant 20 : i32
      %mul3A_245 = arith.muli %scan3A_66, %mul3A_244 : i32
      %add3A_246 = arith.constant 16 : i32
      %add3A_247 = arith.addi %mul3A_245, %add3A_246 : i32
      %dma_start3A_248 = arith.constant 0 : i32
      %dma_start3A_249 = tpu.memref_slice %arg6[%dma_start3A_248] : memref<112xf32, #tpu.memory_space<vmem>> -> memref<100xf32, #tpu.memory_space<vmem>>
      %dma_start3A_250 = arith.constant 0 : i32
      %dma_start3A_251 = tpu.memref_slice %arg5[%add3A_247, %dma_start3A_250] : memref<100x100xi32, #tpu.memory_space<vmem>> -> memref<1x100xi32, #tpu.memory_space<vmem>>
      %dma_start3A_252 = tpu.memref_squeeze %dma_start3A_251 : memref<1x100xi32, #tpu.memory_space<vmem>> -> memref<100xi32, #tpu.memory_space<vmem>>
      %dma_start3A_253 = arith.constant 0 : i32
      %dma_start3A_254 = tpu.memref_slice %arg4[%dma_start3A_253] : memref<10000xf32, #tpu.memory_space<vmem_shared>> -> memref<10000xf32, #tpu.memory_space<vmem_shared>>
      tpu.enqueue_indirect_dma source(%dma_start3A_249 : memref<100xf32, #tpu.memory_space<vmem>>) target(%dma_start3A_254 : memref<10000xf32, #tpu.memory_space<vmem_shared>>) offsets(%dma_start3A_252 : memref<100xi32, #tpu.memory_space<vmem>>) semaphore(%arg7 : memref<!tpu.dma_semaphore, #tpu.memory_space<semaphore_mem>>) {add = true}
      %mul3A_255 = arith.constant 20 : i32
      %mul3A_256 = arith.muli %scan3A_66, %mul3A_255 : i32
      %add3A_257 = arith.constant 17 : i32
      %add3A_258 = arith.addi %mul3A_256, %add3A_257 : i32
      %dma_start3A_259 = arith.constant 0 : i32
      %dma_start3A_260 = tpu.memref_slice %arg6[%dma_start3A_259] : memref<112xf32, #tpu.memory_space<vmem>> -> memref<100xf32, #tpu.memory_space<vmem>>
      %dma_start3A_261 = arith.constant 0 : i32
      %dma_start3A_262 = tpu.memref_slice %arg5[%add3A_258, %dma_start3A_261] : memref<100x100xi32, #tpu.memory_space<vmem>> -> memref<1x100xi32, #tpu.memory_space<vmem>>
      %dma_start3A_263 = tpu.memref_squeeze %dma_start3A_262 : memref<1x100xi32, #tpu.memory_space<vmem>> -> memref<100xi32, #tpu.memory_space<vmem>>
      %dma_start3A_264 = arith.constant 0 : i32
      %dma_start3A_265 = tpu.memref_slice %arg4[%dma_start3A_264] : memref<10000xf32, #tpu.memory_space<vmem_shared>> -> memref<10000xf32, #tpu.memory_space<vmem_shared>>
      tpu.enqueue_indirect_dma source(%dma_start3A_260 : memref<100xf32, #tpu.memory_space<vmem>>) target(%dma_start3A_265 : memref<10000xf32, #tpu.memory_space<vmem_shared>>) offsets(%dma_start3A_263 : memref<100xi32, #tpu.memory_space<vmem>>) semaphore(%arg7 : memref<!tpu.dma_semaphore, #tpu.memory_space<semaphore_mem>>) {add = true}
      %mul3A_266 = arith.constant 20 : i32
      %mul3A_267 = arith.muli %scan3A_66, %mul3A_266 : i32
      %add3A_268 = arith.constant 18 : i32
      %add3A_269 = arith.addi %mul3A_267, %add3A_268 : i32
      %dma_start3A_270 = arith.constant 0 : i32
      %dma_start3A_271 = tpu.memref_slice %arg6[%dma_start3A_270] : memref<112xf32, #tpu.memory_space<vmem>> -> memref<100xf32, #tpu.memory_space<vmem>>
      %dma_start3A_272 = arith.constant 0 : i32
      %dma_start3A_273 = tpu.memref_slice %arg5[%add3A_269, %dma_start3A_272] : memref<100x100xi32, #tpu.memory_space<vmem>> -> memref<1x100xi32, #tpu.memory_space<vmem>>
      %dma_start3A_274 = tpu.memref_squeeze %dma_start3A_273 : memref<1x100xi32, #tpu.memory_space<vmem>> -> memref<100xi32, #tpu.memory_space<vmem>>
      %dma_start3A_275 = arith.constant 0 : i32
      %dma_start3A_276 = tpu.memref_slice %arg4[%dma_start3A_275] : memref<10000xf32, #tpu.memory_space<vmem_shared>> -> memref<10000xf32, #tpu.memory_space<vmem_shared>>
      tpu.enqueue_indirect_dma source(%dma_start3A_271 : memref<100xf32, #tpu.memory_space<vmem>>) target(%dma_start3A_276 : memref<10000xf32, #tpu.memory_space<vmem_shared>>) offsets(%dma_start3A_274 : memref<100xi32, #tpu.memory_space<vmem>>) semaphore(%arg7 : memref<!tpu.dma_semaphore, #tpu.memory_space<semaphore_mem>>) {add = true}
      %mul3A_277 = arith.constant 20 : i32
      %mul3A_278 = arith.muli %scan3A_66, %mul3A_277 : i32
      %add3A_279 = arith.constant 19 : i32
      %add3A_280 = arith.addi %mul3A_278, %add3A_279 : i32
      %dma_start3A_281 = arith.constant 0 : i32
      %dma_start3A_282 = tpu.memref_slice %arg6[%dma_start3A_281] : memref<112xf32, #tpu.memory_space<vmem>> -> memref<100xf32, #tpu.memory_space<vmem>>
      %dma_start3A_283 = arith.constant 0 : i32
      %dma_start3A_284 = tpu.memref_slice %arg5[%add3A_280, %dma_start3A_283] : memref<100x100xi32, #tpu.memory_space<vmem>> -> memref<1x100xi32, #tpu.memory_space<vmem>>
      %dma_start3A_285 = tpu.memref_squeeze %dma_start3A_284 : memref<1x100xi32, #tpu.memory_space<vmem>> -> memref<100xi32, #tpu.memory_space<vmem>>
      %dma_start3A_286 = arith.constant 0 : i32
      %dma_start3A_287 = tpu.memref_slice %arg4[%dma_start3A_286] : memref<10000xf32, #tpu.memory_space<vmem_shared>> -> memref<10000xf32, #tpu.memory_space<vmem_shared>>
      tpu.enqueue_indirect_dma source(%dma_start3A_282 : memref<100xf32, #tpu.memory_space<vmem>>) target(%dma_start3A_287 : memref<10000xf32, #tpu.memory_space<vmem_shared>>) offsets(%dma_start3A_285 : memref<100xi32, #tpu.memory_space<vmem>>) semaphore(%arg7 : memref<!tpu.dma_semaphore, #tpu.memory_space<semaphore_mem>>) {add = true}
      %dma_wait3A_288 = arith.constant 0 : i32
      %dma_wait3A_289 = arith.constant 0 : i32
      %dma_wait3A_290 = tpu.memref_slice %arg6[%dma_wait3A_289] : memref<112xf32, #tpu.memory_space<vmem>> -> memref<100xf32, #tpu.memory_space<vmem>>
      %dma_wait3A_291 = arith.constant 0 : i32
      %dma_wait3A_292 = tpu.memref_slice %arg5[%dma_wait3A_288, %dma_wait3A_291] : memref<100x100xi32, #tpu.memory_space<vmem>> -> memref<1x100xi32, #tpu.memory_space<vmem>>
      %dma_wait3A_293 = tpu.memref_squeeze %dma_wait3A_292 : memref<1x100xi32, #tpu.memory_space<vmem>> -> memref<100xi32, #tpu.memory_space<vmem>>
      %dma_wait3A_294 = arith.constant 0 : i32
      %dma_wait3A_295 = tpu.memref_slice %arg4[%dma_wait3A_294] : memref<10000xf32, #tpu.memory_space<vmem_shared>> -> memref<10000xf32, #tpu.memory_space<vmem_shared>>
      tpu.wait_indirect_dma semaphore(%arg7 : memref<!tpu.dma_semaphore, #tpu.memory_space<semaphore_mem>>) src(%dma_wait3A_290 : memref<100xf32, #tpu.memory_space<vmem>>) dst(%dma_wait3A_295 : memref<10000xf32, #tpu.memory_space<vmem_shared>>)
      %dma_wait3A_296 = arith.constant 0 : i32
      %dma_wait3A_297 = arith.constant 0 : i32
      %dma_wait3A_298 = tpu.memref_slice %arg6[%dma_wait3A_297] : memref<112xf32, #tpu.memory_space<vmem>> -> memref<100xf32, #tpu.memory_space<vmem>>
      %dma_wait3A_299 = arith.constant 0 : i32
      %dma_wait3A_300 = tpu.memref_slice %arg5[%dma_wait3A_296, %dma_wait3A_299] : memref<100x100xi32, #tpu.memory_space<vmem>> -> memref<1x100xi32, #tpu.memory_space<vmem>>
      %dma_wait3A_301 = tpu.memref_squeeze %dma_wait3A_300 : memref<1x100xi32, #tpu.memory_space<vmem>> -> memref<100xi32, #tpu.memory_space<vmem>>
      %dma_wait3A_302 = arith.constant 0 : i32
      %dma_wait3A_303 = tpu.memref_slice %arg4[%dma_wait3A_302] : memref<10000xf32, #tpu.memory_space<vmem_shared>> -> memref<10000xf32, #tpu.memory_space<vmem_shared>>
      tpu.wait_indirect_dma semaphore(%arg7 : memref<!tpu.dma_semaphore, #tpu.memory_space<semaphore_mem>>) src(%dma_wait3A_298 : memref<100xf32, #tpu.memory_space<vmem>>) dst(%dma_wait3A_303 : memref<10000xf32, #tpu.memory_space<vmem_shared>>)
      %dma_wait3A_304 = arith.constant 0 : i32
      %dma_wait3A_305 = arith.constant 0 : i32
      %dma_wait3A_306 = tpu.memref_slice %arg6[%dma_wait3A_305] : memref<112xf32, #tpu.memory_space<vmem>> -> memref<100xf32, #tpu.memory_space<vmem>>
      %dma_wait3A_307 = arith.constant 0 : i32
      %dma_wait3A_308 = tpu.memref_slice %arg5[%dma_wait3A_304, %dma_wait3A_307] : memref<100x100xi32, #tpu.memory_space<vmem>> -> memref<1x100xi32, #tpu.memory_space<vmem>>
      %dma_wait3A_309 = tpu.memref_squeeze %dma_wait3A_308 : memref<1x100xi32, #tpu.memory_space<vmem>> -> memref<100xi32, #tpu.memory_space<vmem>>
      %dma_wait3A_310 = arith.constant 0 : i32
      %dma_wait3A_311 = tpu.memref_slice %arg4[%dma_wait3A_310] : memref<10000xf32, #tpu.memory_space<vmem_shared>> -> memref<10000xf32, #tpu.memory_space<vmem_shared>>
      tpu.wait_indirect_dma semaphore(%arg7 : memref<!tpu.dma_semaphore, #tpu.memory_space<semaphore_mem>>) src(%dma_wait3A_306 : memref<100xf32, #tpu.memory_space<vmem>>) dst(%dma_wait3A_311 : memref<10000xf32, #tpu.memory_space<vmem_shared>>)
      %dma_wait3A_312 = arith.constant 0 : i32
      %dma_wait3A_313 = arith.constant 0 : i32
      %dma_wait3A_314 = tpu.memref_slice %arg6[%dma_wait3A_313] : memref<112xf32, #tpu.memory_space<vmem>> -> memref<100xf32, #tpu.memory_space<vmem>>
      %dma_wait3A_315 = arith.constant 0 : i32
      %dma_wait3A_316 = tpu.memref_slice %arg5[%dma_wait3A_312, %dma_wait3A_315] : memref<100x100xi32, #tpu.memory_space<vmem>> -> memref<1x100xi32, #tpu.memory_space<vmem>>
      %dma_wait3A_317 = tpu.memref_squeeze %dma_wait3A_316 : memref<1x100xi32, #tpu.memory_space<vmem>> -> memref<100xi32, #tpu.memory_space<vmem>>
      %dma_wait3A_318 = arith.constant 0 : i32
      %dma_wait3A_319 = tpu.memref_slice %arg4[%dma_wait3A_318] : memref<10000xf32, #tpu.memory_space<vmem_shared>> -> memref<10000xf32, #tpu.memory_space<vmem_shared>>
      tpu.wait_indirect_dma semaphore(%arg7 : memref<!tpu.dma_semaphore, #tpu.memory_space<semaphore_mem>>) src(%dma_wait3A_314 : memref<100xf32, #tpu.memory_space<vmem>>) dst(%dma_wait3A_319 : memref<10000xf32, #tpu.memory_space<vmem_shared>>)
      %dma_wait3A_320 = arith.constant 0 : i32
      %dma_wait3A_321 = arith.constant 0 : i32
      %dma_wait3A_322 = tpu.memref_slice %arg6[%dma_wait3A_321] : memref<112xf32, #tpu.memory_space<vmem>> -> memref<100xf32, #tpu.memory_space<vmem>>
      %dma_wait3A_323 = arith.constant 0 : i32
      %dma_wait3A_324 = tpu.memref_slice %arg5[%dma_wait3A_320, %dma_wait3A_323] : memref<100x100xi32, #tpu.memory_space<vmem>> -> memref<1x100xi32, #tpu.memory_space<vmem>>
      %dma_wait3A_325 = tpu.memref_squeeze %dma_wait3A_324 : memref<1x100xi32, #tpu.memory_space<vmem>> -> memref<100xi32, #tpu.memory_space<vmem>>
      %dma_wait3A_326 = arith.constant 0 : i32
      %dma_wait3A_327 = tpu.memref_slice %arg4[%dma_wait3A_326] : memref<10000xf32, #tpu.memory_space<vmem_shared>> -> memref<10000xf32, #tpu.memory_space<vmem_shared>>
      tpu.wait_indirect_dma semaphore(%arg7 : memref<!tpu.dma_semaphore, #tpu.memory_space<semaphore_mem>>) src(%dma_wait3A_322 : memref<100xf32, #tpu.memory_space<vmem>>) dst(%dma_wait3A_327 : memref<10000xf32, #tpu.memory_space<vmem_shared>>)
      %dma_wait3A_328 = arith.constant 0 : i32
      %dma_wait3A_329 = arith.constant 0 : i32
      %dma_wait3A_330 = tpu.memref_slice %arg6[%dma_wait3A_329] : memref<112xf32, #tpu.memory_space<vmem>> -> memref<100xf32, #tpu.memory_space<vmem>>
      %dma_wait3A_331 = arith.constant 0 : i32
      %dma_wait3A_332 = tpu.memref_slice %arg5[%dma_wait3A_328, %dma_wait3A_331] : memref<100x100xi32, #tpu.memory_space<vmem>> -> memref<1x100xi32, #tpu.memory_space<vmem>>
      %dma_wait3A_333 = tpu.memref_squeeze %dma_wait3A_332 : memref<1x100xi32, #tpu.memory_space<vmem>> -> memref<100xi32, #tpu.memory_space<vmem>>
      %dma_wait3A_334 = arith.constant 0 : i32
      %dma_wait3A_335 = tpu.memref_slice %arg4[%dma_wait3A_334] : memref<10000xf32, #tpu.memory_space<vmem_shared>> -> memref<10000xf32, #tpu.memory_space<vmem_shared>>
      tpu.wait_indirect_dma semaphore(%arg7 : memref<!tpu.dma_semaphore, #tpu.memory_space<semaphore_mem>>) src(%dma_wait3A_330 : memref<100xf32, #tpu.memory_space<vmem>>) dst(%dma_wait3A_335 : memref<10000xf32, #tpu.memory_space<vmem_shared>>)
      %dma_wait3A_336 = arith.constant 0 : i32
      %dma_wait3A_337 = arith.constant 0 : i32
      %dma_wait3A_338 = tpu.memref_slice %arg6[%dma_wait3A_337] : memref<112xf32, #tpu.memory_space<vmem>> -> memref<100xf32, #tpu.memory_space<vmem>>
      %dma_wait3A_339 = arith.constant 0 : i32
      %dma_wait3A_340 = tpu.memref_slice %arg5[%dma_wait3A_336, %dma_wait3A_339] : memref<100x100xi32, #tpu.memory_space<vmem>> -> memref<1x100xi32, #tpu.memory_space<vmem>>
      %dma_wait3A_341 = tpu.memref_squeeze %dma_wait3A_340 : memref<1x100xi32, #tpu.memory_space<vmem>> -> memref<100xi32, #tpu.memory_space<vmem>>
      %dma_wait3A_342 = arith.constant 0 : i32
      %dma_wait3A_343 = tpu.memref_slice %arg4[%dma_wait3A_342] : memref<10000xf32, #tpu.memory_space<vmem_shared>> -> memref<10000xf32, #tpu.memory_space<vmem_shared>>
      tpu.wait_indirect_dma semaphore(%arg7 : memref<!tpu.dma_semaphore, #tpu.memory_space<semaphore_mem>>) src(%dma_wait3A_338 : memref<100xf32, #tpu.memory_space<vmem>>) dst(%dma_wait3A_343 : memref<10000xf32, #tpu.memory_space<vmem_shared>>)
      %dma_wait3A_344 = arith.constant 0 : i32
      %dma_wait3A_345 = arith.constant 0 : i32
      %dma_wait3A_346 = tpu.memref_slice %arg6[%dma_wait3A_345] : memref<112xf32, #tpu.memory_space<vmem>> -> memref<100xf32, #tpu.memory_space<vmem>>
      %dma_wait3A_347 = arith.constant 0 : i32
      %dma_wait3A_348 = tpu.memref_slice %arg5[%dma_wait3A_344, %dma_wait3A_347] : memref<100x100xi32, #tpu.memory_space<vmem>> -> memref<1x100xi32, #tpu.memory_space<vmem>>
      %dma_wait3A_349 = tpu.memref_squeeze %dma_wait3A_348 : memref<1x100xi32, #tpu.memory_space<vmem>> -> memref<100xi32, #tpu.memory_space<vmem>>
      %dma_wait3A_350 = arith.constant 0 : i32
      %dma_wait3A_351 = tpu.memref_slice %arg4[%dma_wait3A_350] : memref<10000xf32, #tpu.memory_space<vmem_shared>> -> memref<10000xf32, #tpu.memory_space<vmem_shared>>
      tpu.wait_indirect_dma semaphore(%arg7 : memref<!tpu.dma_semaphore, #tpu.memory_space<semaphore_mem>>) src(%dma_wait3A_346 : memref<100xf32, #tpu.memory_space<vmem>>) dst(%dma_wait3A_351 : memref<10000xf32, #tpu.memory_space<vmem_shared>>)
      %dma_wait3A_352 = arith.constant 0 : i32
      %dma_wait3A_353 = arith.constant 0 : i32
      %dma_wait3A_354 = tpu.memref_slice %arg6[%dma_wait3A_353] : memref<112xf32, #tpu.memory_space<vmem>> -> memref<100xf32, #tpu.memory_space<vmem>>
      %dma_wait3A_355 = arith.constant 0 : i32
      %dma_wait3A_356 = tpu.memref_slice %arg5[%dma_wait3A_352, %dma_wait3A_355] : memref<100x100xi32, #tpu.memory_space<vmem>> -> memref<1x100xi32, #tpu.memory_space<vmem>>
      %dma_wait3A_357 = tpu.memref_squeeze %dma_wait3A_356 : memref<1x100xi32, #tpu.memory_space<vmem>> -> memref<100xi32, #tpu.memory_space<vmem>>
      %dma_wait3A_358 = arith.constant 0 : i32
      %dma_wait3A_359 = tpu.memref_slice %arg4[%dma_wait3A_358] : memref<10000xf32, #tpu.memory_space<vmem_shared>> -> memref<10000xf32, #tpu.memory_space<vmem_shared>>
      tpu.wait_indirect_dma semaphore(%arg7 : memref<!tpu.dma_semaphore, #tpu.memory_space<semaphore_mem>>) src(%dma_wait3A_354 : memref<100xf32, #tpu.memory_space<vmem>>) dst(%dma_wait3A_359 : memref<10000xf32, #tpu.memory_space<vmem_shared>>)
      %dma_wait3A_360 = arith.constant 0 : i32
      %dma_wait3A_361 = arith.constant 0 : i32
      %dma_wait3A_362 = tpu.memref_slice %arg6[%dma_wait3A_361] : memref<112xf32, #tpu.memory_space<vmem>> -> memref<100xf32, #tpu.memory_space<vmem>>
      %dma_wait3A_363 = arith.constant 0 : i32
      %dma_wait3A_364 = tpu.memref_slice %arg5[%dma_wait3A_360, %dma_wait3A_363] : memref<100x100xi32, #tpu.memory_space<vmem>> -> memref<1x100xi32, #tpu.memory_space<vmem>>
      %dma_wait3A_365 = tpu.memref_squeeze %dma_wait3A_364 : memref<1x100xi32, #tpu.memory_space<vmem>> -> memref<100xi32, #tpu.memory_space<vmem>>
      %dma_wait3A_366 = arith.constant 0 : i32
      %dma_wait3A_367 = tpu.memref_slice %arg4[%dma_wait3A_366] : memref<10000xf32, #tpu.memory_space<vmem_shared>> -> memref<10000xf32, #tpu.memory_space<vmem_shared>>
      tpu.wait_indirect_dma semaphore(%arg7 : memref<!tpu.dma_semaphore, #tpu.memory_space<semaphore_mem>>) src(%dma_wait3A_362 : memref<100xf32, #tpu.memory_space<vmem>>) dst(%dma_wait3A_367 : memref<10000xf32, #tpu.memory_space<vmem_shared>>)
      %dma_wait3A_368 = arith.constant 0 : i32
      %dma_wait3A_369 = arith.constant 0 : i32
      %dma_wait3A_370 = tpu.memref_slice %arg6[%dma_wait3A_369] : memref<112xf32, #tpu.memory_space<vmem>> -> memref<100xf32, #tpu.memory_space<vmem>>
      %dma_wait3A_371 = arith.constant 0 : i32
      %dma_wait3A_372 = tpu.memref_slice %arg5[%dma_wait3A_368, %dma_wait3A_371] : memref<100x100xi32, #tpu.memory_space<vmem>> -> memref<1x100xi32, #tpu.memory_space<vmem>>
      %dma_wait3A_373 = tpu.memref_squeeze %dma_wait3A_372 : memref<1x100xi32, #tpu.memory_space<vmem>> -> memref<100xi32, #tpu.memory_space<vmem>>
      %dma_wait3A_374 = arith.constant 0 : i32
      %dma_wait3A_375 = tpu.memref_slice %arg4[%dma_wait3A_374] : memref<10000xf32, #tpu.memory_space<vmem_shared>> -> memref<10000xf32, #tpu.memory_space<vmem_shared>>
      tpu.wait_indirect_dma semaphore(%arg7 : memref<!tpu.dma_semaphore, #tpu.memory_space<semaphore_mem>>) src(%dma_wait3A_370 : memref<100xf32, #tpu.memory_space<vmem>>) dst(%dma_wait3A_375 : memref<10000xf32, #tpu.memory_space<vmem_shared>>)
      %dma_wait3A_376 = arith.constant 0 : i32
      %dma_wait3A_377 = arith.constant 0 : i32
      %dma_wait3A_378 = tpu.memref_slice %arg6[%dma_wait3A_377] : memref<112xf32, #tpu.memory_space<vmem>> -> memref<100xf32, #tpu.memory_space<vmem>>
      %dma_wait3A_379 = arith.constant 0 : i32
      %dma_wait3A_380 = tpu.memref_slice %arg5[%dma_wait3A_376, %dma_wait3A_379] : memref<100x100xi32, #tpu.memory_space<vmem>> -> memref<1x100xi32, #tpu.memory_space<vmem>>
      %dma_wait3A_381 = tpu.memref_squeeze %dma_wait3A_380 : memref<1x100xi32, #tpu.memory_space<vmem>> -> memref<100xi32, #tpu.memory_space<vmem>>
      %dma_wait3A_382 = arith.constant 0 : i32
      %dma_wait3A_383 = tpu.memref_slice %arg4[%dma_wait3A_382] : memref<10000xf32, #tpu.memory_space<vmem_shared>> -> memref<10000xf32, #tpu.memory_space<vmem_shared>>
      tpu.wait_indirect_dma semaphore(%arg7 : memref<!tpu.dma_semaphore, #tpu.memory_space<semaphore_mem>>) src(%dma_wait3A_378 : memref<100xf32, #tpu.memory_space<vmem>>) dst(%dma_wait3A_383 : memref<10000xf32, #tpu.memory_space<vmem_shared>>)
      %dma_wait3A_384 = arith.constant 0 : i32
      %dma_wait3A_385 = arith.constant 0 : i32
      %dma_wait3A_386 = tpu.memref_slice %arg6[%dma_wait3A_385] : memref<112xf32, #tpu.memory_space<vmem>> -> memref<100xf32, #tpu.memory_space<vmem>>
      %dma_wait3A_387 = arith.constant 0 : i32
      %dma_wait3A_388 = tpu.memref_slice %arg5[%dma_wait3A_384, %dma_wait3A_387] : memref<100x100xi32, #tpu.memory_space<vmem>> -> memref<1x100xi32, #tpu.memory_space<vmem>>
      %dma_wait3A_389 = tpu.memref_squeeze %dma_wait3A_388 : memref<1x100xi32, #tpu.memory_space<vmem>> -> memref<100xi32, #tpu.memory_space<vmem>>
      %dma_wait3A_390 = arith.constant 0 : i32
      %dma_wait3A_391 = tpu.memref_slice %arg4[%dma_wait3A_390] : memref<10000xf32, #tpu.memory_space<vmem_shared>> -> memref<10000xf32, #tpu.memory_space<vmem_shared>>
      tpu.wait_indirect_dma semaphore(%arg7 : memref<!tpu.dma_semaphore, #tpu.memory_space<semaphore_mem>>) src(%dma_wait3A_386 : memref<100xf32, #tpu.memory_space<vmem>>) dst(%dma_wait3A_391 : memref<10000xf32, #tpu.memory_space<vmem_shared>>)
      %dma_wait3A_392 = arith.constant 0 : i32
      %dma_wait3A_393 = arith.constant 0 : i32
      %dma_wait3A_394 = tpu.memref_slice %arg6[%dma_wait3A_393] : memref<112xf32, #tpu.memory_space<vmem>> -> memref<100xf32, #tpu.memory_space<vmem>>
      %dma_wait3A_395 = arith.constant 0 : i32
      %dma_wait3A_396 = tpu.memref_slice %arg5[%dma_wait3A_392, %dma_wait3A_395] : memref<100x100xi32, #tpu.memory_space<vmem>> -> memref<1x100xi32, #tpu.memory_space<vmem>>
      %dma_wait3A_397 = tpu.memref_squeeze %dma_wait3A_396 : memref<1x100xi32, #tpu.memory_space<vmem>> -> memref<100xi32, #tpu.memory_space<vmem>>
      %dma_wait3A_398 = arith.constant 0 : i32
      %dma_wait3A_399 = tpu.memref_slice %arg4[%dma_wait3A_398] : memref<10000xf32, #tpu.memory_space<vmem_shared>> -> memref<10000xf32, #tpu.memory_space<vmem_shared>>
      tpu.wait_indirect_dma semaphore(%arg7 : memref<!tpu.dma_semaphore, #tpu.memory_space<semaphore_mem>>) src(%dma_wait3A_394 : memref<100xf32, #tpu.memory_space<vmem>>) dst(%dma_wait3A_399 : memref<10000xf32, #tpu.memory_space<vmem_shared>>)
      %dma_wait3A_400 = arith.constant 0 : i32
      %dma_wait3A_401 = arith.constant 0 : i32
      %dma_wait3A_402 = tpu.memref_slice %arg6[%dma_wait3A_401] : memref<112xf32, #tpu.memory_space<vmem>> -> memref<100xf32, #tpu.memory_space<vmem>>
      %dma_wait3A_403 = arith.constant 0 : i32
      %dma_wait3A_404 = tpu.memref_slice %arg5[%dma_wait3A_400, %dma_wait3A_403] : memref<100x100xi32, #tpu.memory_space<vmem>> -> memref<1x100xi32, #tpu.memory_space<vmem>>
      %dma_wait3A_405 = tpu.memref_squeeze %dma_wait3A_404 : memref<1x100xi32, #tpu.memory_space<vmem>> -> memref<100xi32, #tpu.memory_space<vmem>>
      %dma_wait3A_406 = arith.constant 0 : i32
      %dma_wait3A_407 = tpu.memref_slice %arg4[%dma_wait3A_406] : memref<10000xf32, #tpu.memory_space<vmem_shared>> -> memref<10000xf32, #tpu.memory_space<vmem_shared>>
      tpu.wait_indirect_dma semaphore(%arg7 : memref<!tpu.dma_semaphore, #tpu.memory_space<semaphore_mem>>) src(%dma_wait3A_402 : memref<100xf32, #tpu.memory_space<vmem>>) dst(%dma_wait3A_407 : memref<10000xf32, #tpu.memory_space<vmem_shared>>)
      %dma_wait3A_408 = arith.constant 0 : i32
      %dma_wait3A_409 = arith.constant 0 : i32
      %dma_wait3A_410 = tpu.memref_slice %arg6[%dma_wait3A_409] : memref<112xf32, #tpu.memory_space<vmem>> -> memref<100xf32, #tpu.memory_space<vmem>>
      %dma_wait3A_411 = arith.constant 0 : i32
      %dma_wait3A_412 = tpu.memref_slice %arg5[%dma_wait3A_408, %dma_wait3A_411] : memref<100x100xi32, #tpu.memory_space<vmem>> -> memref<1x100xi32, #tpu.memory_space<vmem>>
      %dma_wait3A_413 = tpu.memref_squeeze %dma_wait3A_412 : memref<1x100xi32, #tpu.memory_space<vmem>> -> memref<100xi32, #tpu.memory_space<vmem>>
      %dma_wait3A_414 = arith.constant 0 : i32
      %dma_wait3A_415 = tpu.memref_slice %arg4[%dma_wait3A_414] : memref<10000xf32, #tpu.memory_space<vmem_shared>> -> memref<10000xf32, #tpu.memory_space<vmem_shared>>
      tpu.wait_indirect_dma semaphore(%arg7 : memref<!tpu.dma_semaphore, #tpu.memory_space<semaphore_mem>>) src(%dma_wait3A_410 : memref<100xf32, #tpu.memory_space<vmem>>) dst(%dma_wait3A_415 : memref<10000xf32, #tpu.memory_space<vmem_shared>>)
      %dma_wait3A_416 = arith.constant 0 : i32
      %dma_wait3A_417 = arith.constant 0 : i32
      %dma_wait3A_418 = tpu.memref_slice %arg6[%dma_wait3A_417] : memref<112xf32, #tpu.memory_space<vmem>> -> memref<100xf32, #tpu.memory_space<vmem>>
      %dma_wait3A_419 = arith.constant 0 : i32
      %dma_wait3A_420 = tpu.memref_slice %arg5[%dma_wait3A_416, %dma_wait3A_419] : memref<100x100xi32, #tpu.memory_space<vmem>> -> memref<1x100xi32, #tpu.memory_space<vmem>>
      %dma_wait3A_421 = tpu.memref_squeeze %dma_wait3A_420 : memref<1x100xi32, #tpu.memory_space<vmem>> -> memref<100xi32, #tpu.memory_space<vmem>>
      %dma_wait3A_422 = arith.constant 0 : i32
      %dma_wait3A_423 = tpu.memref_slice %arg4[%dma_wait3A_422] : memref<10000xf32, #tpu.memory_space<vmem_shared>> -> memref<10000xf32, #tpu.memory_space<vmem_shared>>
      tpu.wait_indirect_dma semaphore(%arg7 : memref<!tpu.dma_semaphore, #tpu.memory_space<semaphore_mem>>) src(%dma_wait3A_418 : memref<100xf32, #tpu.memory_space<vmem>>) dst(%dma_wait3A_423 : memref<10000xf32, #tpu.memory_space<vmem_shared>>)
      %dma_wait3A_424 = arith.constant 0 : i32
      %dma_wait3A_425 = arith.constant 0 : i32
      %dma_wait3A_426 = tpu.memref_slice %arg6[%dma_wait3A_425] : memref<112xf32, #tpu.memory_space<vmem>> -> memref<100xf32, #tpu.memory_space<vmem>>
      %dma_wait3A_427 = arith.constant 0 : i32
      %dma_wait3A_428 = tpu.memref_slice %arg5[%dma_wait3A_424, %dma_wait3A_427] : memref<100x100xi32, #tpu.memory_space<vmem>> -> memref<1x100xi32, #tpu.memory_space<vmem>>
      %dma_wait3A_429 = tpu.memref_squeeze %dma_wait3A_428 : memref<1x100xi32, #tpu.memory_space<vmem>> -> memref<100xi32, #tpu.memory_space<vmem>>
      %dma_wait3A_430 = arith.constant 0 : i32
      %dma_wait3A_431 = tpu.memref_slice %arg4[%dma_wait3A_430] : memref<10000xf32, #tpu.memory_space<vmem_shared>> -> memref<10000xf32, #tpu.memory_space<vmem_shared>>
      tpu.wait_indirect_dma semaphore(%arg7 : memref<!tpu.dma_semaphore, #tpu.memory_space<semaphore_mem>>) src(%dma_wait3A_426 : memref<100xf32, #tpu.memory_space<vmem>>) dst(%dma_wait3A_431 : memref<10000xf32, #tpu.memory_space<vmem_shared>>)
      %dma_wait3A_432 = arith.constant 0 : i32
      %dma_wait3A_433 = arith.constant 0 : i32
      %dma_wait3A_434 = tpu.memref_slice %arg6[%dma_wait3A_433] : memref<112xf32, #tpu.memory_space<vmem>> -> memref<100xf32, #tpu.memory_space<vmem>>
      %dma_wait3A_435 = arith.constant 0 : i32
      %dma_wait3A_436 = tpu.memref_slice %arg5[%dma_wait3A_432, %dma_wait3A_435] : memref<100x100xi32, #tpu.memory_space<vmem>> -> memref<1x100xi32, #tpu.memory_space<vmem>>
      %dma_wait3A_437 = tpu.memref_squeeze %dma_wait3A_436 : memref<1x100xi32, #tpu.memory_space<vmem>> -> memref<100xi32, #tpu.memory_space<vmem>>
      %dma_wait3A_438 = arith.constant 0 : i32
      %dma_wait3A_439 = tpu.memref_slice %arg4[%dma_wait3A_438] : memref<10000xf32, #tpu.memory_space<vmem_shared>> -> memref<10000xf32, #tpu.memory_space<vmem_shared>>
      tpu.wait_indirect_dma semaphore(%arg7 : memref<!tpu.dma_semaphore, #tpu.memory_space<semaphore_mem>>) src(%dma_wait3A_434 : memref<100xf32, #tpu.memory_space<vmem>>) dst(%dma_wait3A_439 : memref<10000xf32, #tpu.memory_space<vmem_shared>>)
      %dma_wait3A_440 = arith.constant 0 : i32
      %dma_wait3A_441 = arith.constant 0 : i32
      %dma_wait3A_442 = tpu.memref_slice %arg6[%dma_wait3A_441] : memref<112xf32, #tpu.memory_space<vmem>> -> memref<100xf32, #tpu.memory_space<vmem>>
      %dma_wait3A_443 = arith.constant 0 : i32
      %dma_wait3A_444 = tpu.memref_slice %arg5[%dma_wait3A_440, %dma_wait3A_443] : memref<100x100xi32, #tpu.memory_space<vmem>> -> memref<1x100xi32, #tpu.memory_space<vmem>>
      %dma_wait3A_445 = tpu.memref_squeeze %dma_wait3A_444 : memref<1x100xi32, #tpu.memory_space<vmem>> -> memref<100xi32, #tpu.memory_space<vmem>>
      %dma_wait3A_446 = arith.constant 0 : i32
      %dma_wait3A_447 = tpu.memref_slice %arg4[%dma_wait3A_446] : memref<10000xf32, #tpu.memory_space<vmem_shared>> -> memref<10000xf32, #tpu.memory_space<vmem_shared>>
      tpu.wait_indirect_dma semaphore(%arg7 : memref<!tpu.dma_semaphore, #tpu.memory_space<semaphore_mem>>) src(%dma_wait3A_442 : memref<100xf32, #tpu.memory_space<vmem>>) dst(%dma_wait3A_447 : memref<10000xf32, #tpu.memory_space<vmem_shared>>)
      %scan3A_448 = arith.constant 0 : i32
      scf.yield %scan3A_448 : i32
    }
    %scan3A_59 = arith.constant 5 : i32
    %barrier3A_60 = arith.constant 0 : index
    tpu.barrier barrier_id(%barrier3A_60)
    %lt3A_61 = arith.constant 10 : i32
    %lt3A_62 = arith.cmpi slt, %arg1, %lt3A_61 : i32
    %convert_element_type3A_63 = arith.extui %lt3A_62 : i1 to i32
    %cond3A_64 = arith.constant 0 : i32
    %cond3A_65 = arith.cmpi ne, %convert_element_type3A_63, %cond3A_64 : i32
    scf.if %cond3A_65 {
      %mul3A_66 = arith.constant 1000 : i32
      %mul3A_67 = arith.muli %arg1, %mul3A_66 : i32
      %multiple_of3A = tpu.assume_multiple %mul3A_67, 8 : i32
      %mul3A_68 = arith.constant 10000 : i32
      %mul3A_69 = arith.muli %arg0, %mul3A_68 : i32
      %mul3A_70 = arith.constant 1000 : i32
      %mul3A_71 = arith.muli %arg1, %mul3A_70 : i32
      %add3A_72 = arith.addi %mul3A_69, %mul3A_71 : i32
      %multiple_of3A_73 = tpu.assume_multiple %add3A_72, 8 : i32
      "tpu.region"() ({
        %run_scoped3A = tpu.sem_alloc : memref<!tpu.dma_semaphore, #tpu.memory_space<semaphore_mem>>
        %dma_start3A_74 = arith.constant 0 : i32
        %dma_start3A_75 = tpu.memref_slice %arg8[%dma_start3A_74] : memref<1008xf32, #tpu.memory_space<vmem>> -> memref<1000xf32, #tpu.memory_space<vmem>>
        %dma_start3A_76 = tpu.memref_slice %arg4[%multiple_of3A] : memref<10000xf32, #tpu.memory_space<vmem_shared>> -> memref<1000xf32, #tpu.memory_space<vmem_shared>>
        %dma_start3A_77 = arith.constant 0 : i32
        %dma_start3A_78 = tpu.memref_slice %arg8[%dma_start3A_77] : memref<1008xf32, #tpu.memory_space<vmem>> -> memref<1000xf32, #tpu.memory_space<vmem>>
        %dma_start3A_79 = tpu.memref_slice %arg4[%multiple_of3A] : memref<10000xf32, #tpu.memory_space<vmem_shared>> -> memref<1000xf32, #tpu.memory_space<vmem_shared>>
        tpu.enqueue_dma source(%dma_start3A_79 : memref<1000xf32, #tpu.memory_space<vmem_shared>>) target(%dma_start3A_78 : memref<1000xf32, #tpu.memory_space<vmem>>) target_semaphore(%run_scoped3A : memref<!tpu.dma_semaphore, #tpu.memory_space<semaphore_mem>>)
        %dma_wait3A_80 = arith.constant 0 : i32
        %dma_wait3A_81 = tpu.memref_slice %arg8[%dma_wait3A_80] : memref<1008xf32, #tpu.memory_space<vmem>> -> memref<1000xf32, #tpu.memory_space<vmem>>
        %dma_wait3A_82 = tpu.memref_slice %arg4[%multiple_of3A] : memref<10000xf32, #tpu.memory_space<vmem_shared>> -> memref<1000xf32, #tpu.memory_space<vmem_shared>>
        %dma_wait3A_83 = arith.constant 0 : i32
        %dma_wait3A_84 = tpu.memref_slice %arg8[%dma_wait3A_83] : memref<1008xf32, #tpu.memory_space<vmem>> -> memref<1000xf32, #tpu.memory_space<vmem>>
        %dma_wait3A_85 = tpu.memref_slice %arg4[%multiple_of3A] : memref<10000xf32, #tpu.memory_space<vmem_shared>> -> memref<1000xf32, #tpu.memory_space<vmem_shared>>
        tpu.wait_dma2 semaphore(%run_scoped3A : memref<!tpu.dma_semaphore, #tpu.memory_space<semaphore_mem>>) src(%dma_wait3A_85 : memref<1000xf32, #tpu.memory_space<vmem_shared>>) dst(%dma_wait3A_84 : memref<1000xf32, #tpu.memory_space<vmem>>)
        tpu.yield
      }) : () -> ()
      "tpu.region"() ({
        %run_scoped3A = tpu.sem_alloc : memref<!tpu.dma_semaphore, #tpu.memory_space<semaphore_mem>>
        %dma_start3A_74 = arith.constant 0 : i32
        %dma_start3A_75 = tpu.memref_slice %arg8[%dma_start3A_74] : memref<1008xf32, #tpu.memory_space<vmem>> -> memref<1000xf32, #tpu.memory_space<vmem>>
        %dma_start3A_76 = tpu.memref_slice %arg3[%multiple_of3A_73] : memref<20000xf32, #tpu.memory_space<hbm>> -> memref<1000xf32, #tpu.memory_space<hbm>>
        %dma_start3A_77 = tpu.memref_slice %arg3[%multiple_of3A_73] : memref<20000xf32, #tpu.memory_space<hbm>> -> memref<1000xf32, #tpu.memory_space<hbm>>
        %dma_start3A_78 = arith.constant 0 : i32
        %dma_start3A_79 = tpu.memref_slice %arg8[%dma_start3A_78] : memref<1008xf32, #tpu.memory_space<vmem>> -> memref<1000xf32, #tpu.memory_space<vmem>>
        tpu.enqueue_dma source(%dma_start3A_79 : memref<1000xf32, #tpu.memory_space<vmem>>) target(%dma_start3A_77 : memref<1000xf32, #tpu.memory_space<hbm>>) target_semaphore(%run_scoped3A : memref<!tpu.dma_semaphore, #tpu.memory_space<semaphore_mem>>)
        %dma_wait3A_80 = arith.constant 0 : i32
        %dma_wait3A_81 = tpu.memref_slice %arg8[%dma_wait3A_80] : memref<1008xf32, #tpu.memory_space<vmem>> -> memref<1000xf32, #tpu.memory_space<vmem>>
        %dma_wait3A_82 = tpu.memref_slice %arg3[%multiple_of3A_73] : memref<20000xf32, #tpu.memory_space<hbm>> -> memref<1000xf32, #tpu.memory_space<hbm>>
        %dma_wait3A_83 = tpu.memref_slice %arg3[%multiple_of3A_73] : memref<20000xf32, #tpu.memory_space<hbm>> -> memref<1000xf32, #tpu.memory_space<hbm>>
        %dma_wait3A_84 = arith.constant 0 : i32
        %dma_wait3A_85 = tpu.memref_slice %arg8[%dma_wait3A_84] : memref<1008xf32, #tpu.memory_space<vmem>> -> memref<1000xf32, #tpu.memory_space<vmem>>
        tpu.wait_dma2 semaphore(%run_scoped3A : memref<!tpu.dma_semaphore, #tpu.memory_space<semaphore_mem>>) src(%dma_wait3A_85 : memref<1000xf32, #tpu.memory_space<vmem>>) dst(%dma_wait3A_83 : memref<1000xf32, #tpu.memory_space<hbm>>)
        tpu.yield
      }) : () -> ()
    } else {
    }
    return
  }
}

#map = affine_map<(d0, d1) -> (0, 0, 0, 0)>
#map1 = affine_map<(d0, d1) -> (0, 0)>
#map2 = affine_map<(d0, d1) -> (0, 0, 0)>
module attributes {stable_mosaic.version = 14 : i64} {
  func.func @_scatter_kernel(%arg0: i32, %arg1: i32, %arg2: memref<32x2x50x100xi32, #tpu.memory_space<hbm>>, %arg3: memref<32x2x50x100xi32, #tpu.memory_space<hbm>>, %arg4: memref<10000x128xf32, #tpu.memory_space<hbm>>, %arg5: memref<2x10000x128xf32, #tpu.memory_space<hbm>>, %arg6: memref<10000x128xf32, #tpu.memory_space<vmem_shared>>, %arg7: memref<100x128xf32, #tpu.memory_space<vmem>>, %arg8: memref<100x128xf32, #tpu.memory_space<vmem>>, %arg9: memref<50x100xi32, #tpu.memory_space<vmem>>, %arg10: memref<!tpu.dma_semaphore, #tpu.memory_space<semaphore_mem>>, %arg11: memref<!tpu.dma_semaphore, #tpu.memory_space<semaphore_mem>>, %arg12: memref<50x100xi32, #tpu.memory_space<vmem>>) attributes {dimension_semantics = [#tpu.dimension_semantics<core_parallel>, #tpu.dimension_semantics<subcore_parallel>], iteration_bounds = array<i64: 2, 16>, scalar_prefetch = 0 : i64, scratch_operands = 7 : i64, tpu.core_type = #tpu.core_type<sc_vector_subcore>, window_params = [{transform_indices = #map}, {transform_indices = #map}, {transform_indices = #map1}, {transform_indices = #map2}]} {
    %mul3A = arith.constant 2 : i32
    %mul3A_0 = arith.muli %arg1, %mul3A : i32
    %add3A = arith.addi %mul3A_0, %arg0 : i32
    %dma_start3A = arith.constant 0 : i32
    %dma_start3A_1 = arith.constant 0 : i32
    %dma_start3A_2 = arith.constant 0 : i32
    %dma_start3A_3 = tpu.memref_slice %arg2[%add3A, %dma_start3A, %dma_start3A_1, %dma_start3A_2] : memref<32x2x50x100xi32, #tpu.memory_space<hbm>> -> memref<1x1x50x100xi32, #tpu.memory_space<hbm>>
    %dma_start3A_4 = tpu.memref_squeeze %dma_start3A_3 : memref<1x1x50x100xi32, #tpu.memory_space<hbm>> -> memref<50x100xi32, #tpu.memory_space<hbm>>
    %dma_start3A_5 = arith.constant 0 : i32
    %dma_start3A_6 = arith.constant 0 : i32
    %dma_start3A_7 = tpu.memref_slice %arg2[%add3A, %dma_start3A, %dma_start3A_5, %dma_start3A_6] : memref<32x2x50x100xi32, #tpu.memory_space<hbm>> -> memref<1x1x50x100xi32, #tpu.memory_space<hbm>>
    %dma_start3A_8 = tpu.memref_squeeze %dma_start3A_7 : memref<1x1x50x100xi32, #tpu.memory_space<hbm>> -> memref<50x100xi32, #tpu.memory_space<hbm>>
    tpu.enqueue_dma source(%dma_start3A_8 : memref<50x100xi32, #tpu.memory_space<hbm>>) target(%arg12 : memref<50x100xi32, #tpu.memory_space<vmem>>) target_semaphore(%arg11 : memref<!tpu.dma_semaphore, #tpu.memory_space<semaphore_mem>>)
    %dma_start3A_9 = arith.constant 0 : i32
    %dma_start3A_10 = arith.constant 0 : i32
    %dma_start3A_11 = arith.constant 0 : i32
    %dma_start3A_12 = tpu.memref_slice %arg3[%add3A, %dma_start3A_9, %dma_start3A_10, %dma_start3A_11] : memref<32x2x50x100xi32, #tpu.memory_space<hbm>> -> memref<1x1x50x100xi32, #tpu.memory_space<hbm>>
    %dma_start3A_13 = tpu.memref_squeeze %dma_start3A_12 : memref<1x1x50x100xi32, #tpu.memory_space<hbm>> -> memref<50x100xi32, #tpu.memory_space<hbm>>
    %dma_start3A_14 = arith.constant 0 : i32
    %dma_start3A_15 = arith.constant 0 : i32
    %dma_start3A_16 = tpu.memref_slice %arg3[%add3A, %dma_start3A_9, %dma_start3A_14, %dma_start3A_15] : memref<32x2x50x100xi32, #tpu.memory_space<hbm>> -> memref<1x1x50x100xi32, #tpu.memory_space<hbm>>
    %dma_start3A_17 = tpu.memref_squeeze %dma_start3A_16 : memref<1x1x50x100xi32, #tpu.memory_space<hbm>> -> memref<50x100xi32, #tpu.memory_space<hbm>>
    tpu.enqueue_dma source(%dma_start3A_17 : memref<50x100xi32, #tpu.memory_space<hbm>>) target(%arg9 : memref<50x100xi32, #tpu.memory_space<vmem>>) target_semaphore(%arg11 : memref<!tpu.dma_semaphore, #tpu.memory_space<semaphore_mem>>)
    %broadcast_in_dim3A = arith.constant 0.000000e+00 : f32
    %broadcast_in_dim3A_18 = vector.broadcast %broadcast_in_dim3A : f32 to vector<16xf32>
    %scan3A = arith.constant 0 : i32
    %scan3A_19 = arith.constant 0 : i32
    %scan3A_20 = arith.constant 100 : i32
    %scan3A_21 = arith.addi %scan3A_19, %scan3A_20 : i32
    %scan3A_22 = arith.constant 1 : i32
    %scan3A_23 = scf.for %scan3A_79 = %scan3A_19 to %scan3A_21 step %scan3A_22 iter_args(%scan3A_80 = %scan3A) -> (i32)  : i32 {
      %swap3A = arith.index_cast %scan3A_79 : i32 to index
      %swap3A_81 = arith.constant 0 : index
      %swap3A_82 = tpu.vector_load %arg7[%swap3A, %swap3A_81] {strides = array<i32>} : memref<100x128xf32, #tpu.memory_space<vmem>>, vector<1x16xf32>,
      %swap3A_83 = vector.shape_cast %swap3A_82 : vector<1x16xf32> to vector<16xf32>
      %swap3A_84 = vector.shape_cast %broadcast_in_dim3A_18 : vector<16xf32> to vector<1x16xf32>
      tpu.vector_store %arg7[%swap3A, %swap3A_81], %swap3A_84 {strides = array<i32>} : memref<100x128xf32, #tpu.memory_space<vmem>>, vector<1x16xf32>,
      %swap3A_85 = arith.index_cast %scan3A_79 : i32 to index
      %swap3A_86 = arith.constant 16 : index
      %swap3A_87 = tpu.vector_load %arg7[%swap3A_85, %swap3A_86] {strides = array<i32>} : memref<100x128xf32, #tpu.memory_space<vmem>>, vector<1x16xf32>,
      %swap3A_88 = vector.shape_cast %swap3A_87 : vector<1x16xf32> to vector<16xf32>
      %swap3A_89 = vector.shape_cast %broadcast_in_dim3A_18 : vector<16xf32> to vector<1x16xf32>
      tpu.vector_store %arg7[%swap3A_85, %swap3A_86], %swap3A_89 {strides = array<i32>} : memref<100x128xf32, #tpu.memory_space<vmem>>, vector<1x16xf32>,
      %swap3A_90 = arith.index_cast %scan3A_79 : i32 to index
      %swap3A_91 = arith.constant 32 : index
      %swap3A_92 = tpu.vector_load %arg7[%swap3A_90, %swap3A_91] {strides = array<i32>} : memref<100x128xf32, #tpu.memory_space<vmem>>, vector<1x16xf32>,
      %swap3A_93 = vector.shape_cast %swap3A_92 : vector<1x16xf32> to vector<16xf32>
      %swap3A_94 = vector.shape_cast %broadcast_in_dim3A_18 : vector<16xf32> to vector<1x16xf32>
      tpu.vector_store %arg7[%swap3A_90, %swap3A_91], %swap3A_94 {strides = array<i32>} : memref<100x128xf32, #tpu.memory_space<vmem>>, vector<1x16xf32>,
      %swap3A_95 = arith.index_cast %scan3A_79 : i32 to index
      %swap3A_96 = arith.constant 48 : index
      %swap3A_97 = tpu.vector_load %arg7[%swap3A_95, %swap3A_96] {strides = array<i32>} : memref<100x128xf32, #tpu.memory_space<vmem>>, vector<1x16xf32>,
      %swap3A_98 = vector.shape_cast %swap3A_97 : vector<1x16xf32> to vector<16xf32>
      %swap3A_99 = vector.shape_cast %broadcast_in_dim3A_18 : vector<16xf32> to vector<1x16xf32>
      tpu.vector_store %arg7[%swap3A_95, %swap3A_96], %swap3A_99 {strides = array<i32>} : memref<100x128xf32, #tpu.memory_space<vmem>>, vector<1x16xf32>,
      %swap3A_100 = arith.index_cast %scan3A_79 : i32 to index
      %swap3A_101 = arith.constant 64 : index
      %swap3A_102 = tpu.vector_load %arg7[%swap3A_100, %swap3A_101] {strides = array<i32>} : memref<100x128xf32, #tpu.memory_space<vmem>>, vector<1x16xf32>,
      %swap3A_103 = vector.shape_cast %swap3A_102 : vector<1x16xf32> to vector<16xf32>
      %swap3A_104 = vector.shape_cast %broadcast_in_dim3A_18 : vector<16xf32> to vector<1x16xf32>
      tpu.vector_store %arg7[%swap3A_100, %swap3A_101], %swap3A_104 {strides = array<i32>} : memref<100x128xf32, #tpu.memory_space<vmem>>, vector<1x16xf32>,
      %swap3A_105 = arith.index_cast %scan3A_79 : i32 to index
      %swap3A_106 = arith.constant 80 : index
      %swap3A_107 = tpu.vector_load %arg7[%swap3A_105, %swap3A_106] {strides = array<i32>} : memref<100x128xf32, #tpu.memory_space<vmem>>, vector<1x16xf32>,
      %swap3A_108 = vector.shape_cast %swap3A_107 : vector<1x16xf32> to vector<16xf32>
      %swap3A_109 = vector.shape_cast %broadcast_in_dim3A_18 : vector<16xf32> to vector<1x16xf32>
      tpu.vector_store %arg7[%swap3A_105, %swap3A_106], %swap3A_109 {strides = array<i32>} : memref<100x128xf32, #tpu.memory_space<vmem>>, vector<1x16xf32>,
      %swap3A_110 = arith.index_cast %scan3A_79 : i32 to index
      %swap3A_111 = arith.constant 96 : index
      %swap3A_112 = tpu.vector_load %arg7[%swap3A_110, %swap3A_111] {strides = array<i32>} : memref<100x128xf32, #tpu.memory_space<vmem>>, vector<1x16xf32>,
      %swap3A_113 = vector.shape_cast %swap3A_112 : vector<1x16xf32> to vector<16xf32>
      %swap3A_114 = vector.shape_cast %broadcast_in_dim3A_18 : vector<16xf32> to vector<1x16xf32>
      tpu.vector_store %arg7[%swap3A_110, %swap3A_111], %swap3A_114 {strides = array<i32>} : memref<100x128xf32, #tpu.memory_space<vmem>>, vector<1x16xf32>,
      %swap3A_115 = arith.index_cast %scan3A_79 : i32 to index
      %swap3A_116 = arith.constant 112 : index
      %swap3A_117 = tpu.vector_load %arg7[%swap3A_115, %swap3A_116] {strides = array<i32>} : memref<100x128xf32, #tpu.memory_space<vmem>>, vector<1x16xf32>,
      %swap3A_118 = vector.shape_cast %swap3A_117 : vector<1x16xf32> to vector<16xf32>
      %swap3A_119 = vector.shape_cast %broadcast_in_dim3A_18 : vector<16xf32> to vector<1x16xf32>
      tpu.vector_store %arg7[%swap3A_115, %swap3A_116], %swap3A_119 {strides = array<i32>} : memref<100x128xf32, #tpu.memory_space<vmem>>, vector<1x16xf32>,
      %scan3A_120 = arith.constant 0 : i32
      scf.yield %scan3A_120 : i32
    }
    %scan3A_24 = arith.constant 100 : i32
    %lt3A = arith.constant 10 : i32
    %lt3A_25 = arith.cmpi slt, %arg1, %lt3A : i32
    %convert_element_type3A = arith.extui %lt3A_25 : i1 to i32
    %cond3A = arith.constant 0 : i32
    %cond3A_26 = arith.cmpi ne, %convert_element_type3A, %cond3A : i32
    scf.if %cond3A_26 {
      %mul3A_79 = arith.constant 1000 : i32
      %mul3A_80 = arith.muli %arg1, %mul3A_79 : i32
      %multiple_of3A = tpu.assume_multiple %mul3A_80, 8 : i32
      %add3A_81 = arith.constant 0 : i32
      %add3A_82 = arith.addi %multiple_of3A, %add3A_81 : i32
      %dma_start3A_83 = arith.constant 0 : i32
      %dma_start3A_84 = arith.constant 0 : i32
      %dma_start3A_85 = tpu.memref_slice %arg7[%dma_start3A_83, %dma_start3A_84] : memref<100x128xf32, #tpu.memory_space<vmem>> -> memref<96x128xf32, #tpu.memory_space<vmem>>
      %dma_start3A_86 = arith.constant 0 : i32
      %dma_start3A_87 = tpu.memref_slice %arg6[%add3A_82, %dma_start3A_86] : memref<10000x128xf32, #tpu.memory_space<vmem_shared>> -> memref<96x128xf32, #tpu.memory_space<vmem_shared>>
      %dma_start3A_88 = arith.constant 0 : i32
      %dma_start3A_89 = tpu.memref_slice %arg6[%add3A_82, %dma_start3A_88] : memref<10000x128xf32, #tpu.memory_space<vmem_shared>> -> memref<96x128xf32, #tpu.memory_space<vmem_shared>>
      %dma_start3A_90 = arith.constant 0 : i32
      %dma_start3A_91 = arith.constant 0 : i32
      %dma_start3A_92 = tpu.memref_slice %arg7[%dma_start3A_90, %dma_start3A_91] : memref<100x128xf32, #tpu.memory_space<vmem>> -> memref<96x128xf32, #tpu.memory_space<vmem>>
      tpu.enqueue_dma source(%dma_start3A_92 : memref<96x128xf32, #tpu.memory_space<vmem>>) target(%dma_start3A_89 : memref<96x128xf32, #tpu.memory_space<vmem_shared>>) target_semaphore(%arg10 : memref<!tpu.dma_semaphore, #tpu.memory_space<semaphore_mem>>)
      %add3A_93 = arith.constant 96 : i32
      %add3A_94 = arith.addi %multiple_of3A, %add3A_93 : i32
      %dma_start3A_95 = arith.constant 0 : i32
      %dma_start3A_96 = arith.constant 0 : i32
      %dma_start3A_97 = tpu.memref_slice %arg7[%dma_start3A_95, %dma_start3A_96] : memref<100x128xf32, #tpu.memory_space<vmem>> -> memref<96x128xf32, #tpu.memory_space<vmem>>
      %dma_start3A_98 = arith.constant 0 : i32
      %dma_start3A_99 = tpu.memref_slice %arg6[%add3A_94, %dma_start3A_98] : memref<10000x128xf32, #tpu.memory_space<vmem_shared>> -> memref<96x128xf32, #tpu.memory_space<vmem_shared>>
      %dma_start3A_100 = arith.constant 0 : i32
      %dma_start3A_101 = tpu.memref_slice %arg6[%add3A_94, %dma_start3A_100] : memref<10000x128xf32, #tpu.memory_space<vmem_shared>> -> memref<96x128xf32, #tpu.memory_space<vmem_shared>>
      %dma_start3A_102 = arith.constant 0 : i32
      %dma_start3A_103 = arith.constant 0 : i32
      %dma_start3A_104 = tpu.memref_slice %arg7[%dma_start3A_102, %dma_start3A_103] : memref<100x128xf32, #tpu.memory_space<vmem>> -> memref<96x128xf32, #tpu.memory_space<vmem>>
      tpu.enqueue_dma source(%dma_start3A_104 : memref<96x128xf32, #tpu.memory_space<vmem>>) target(%dma_start3A_101 : memref<96x128xf32, #tpu.memory_space<vmem_shared>>) target_semaphore(%arg10 : memref<!tpu.dma_semaphore, #tpu.memory_space<semaphore_mem>>)
      %add3A_105 = arith.constant 192 : i32
      %add3A_106 = arith.addi %multiple_of3A, %add3A_105 : i32
      %dma_start3A_107 = arith.constant 0 : i32
      %dma_start3A_108 = arith.constant 0 : i32
      %dma_start3A_109 = tpu.memref_slice %arg7[%dma_start3A_107, %dma_start3A_108] : memref<100x128xf32, #tpu.memory_space<vmem>> -> memref<96x128xf32, #tpu.memory_space<vmem>>
      %dma_start3A_110 = arith.constant 0 : i32
      %dma_start3A_111 = tpu.memref_slice %arg6[%add3A_106, %dma_start3A_110] : memref<10000x128xf32, #tpu.memory_space<vmem_shared>> -> memref<96x128xf32, #tpu.memory_space<vmem_shared>>
      %dma_start3A_112 = arith.constant 0 : i32
      %dma_start3A_113 = tpu.memref_slice %arg6[%add3A_106, %dma_start3A_112] : memref<10000x128xf32, #tpu.memory_space<vmem_shared>> -> memref<96x128xf32, #tpu.memory_space<vmem_shared>>
      %dma_start3A_114 = arith.constant 0 : i32
      %dma_start3A_115 = arith.constant 0 : i32
      %dma_start3A_116 = tpu.memref_slice %arg7[%dma_start3A_114, %dma_start3A_115] : memref<100x128xf32, #tpu.memory_space<vmem>> -> memref<96x128xf32, #tpu.memory_space<vmem>>
      tpu.enqueue_dma source(%dma_start3A_116 : memref<96x128xf32, #tpu.memory_space<vmem>>) target(%dma_start3A_113 : memref<96x128xf32, #tpu.memory_space<vmem_shared>>) target_semaphore(%arg10 : memref<!tpu.dma_semaphore, #tpu.memory_space<semaphore_mem>>)
      %add3A_117 = arith.constant 288 : i32
      %add3A_118 = arith.addi %multiple_of3A, %add3A_117 : i32
      %dma_start3A_119 = arith.constant 0 : i32
      %dma_start3A_120 = arith.constant 0 : i32
      %dma_start3A_121 = tpu.memref_slice %arg7[%dma_start3A_119, %dma_start3A_120] : memref<100x128xf32, #tpu.memory_space<vmem>> -> memref<96x128xf32, #tpu.memory_space<vmem>>
      %dma_start3A_122 = arith.constant 0 : i32
      %dma_start3A_123 = tpu.memref_slice %arg6[%add3A_118, %dma_start3A_122] : memref<10000x128xf32, #tpu.memory_space<vmem_shared>> -> memref<96x128xf32, #tpu.memory_space<vmem_shared>>
      %dma_start3A_124 = arith.constant 0 : i32
      %dma_start3A_125 = tpu.memref_slice %arg6[%add3A_118, %dma_start3A_124] : memref<10000x128xf32, #tpu.memory_space<vmem_shared>> -> memref<96x128xf32, #tpu.memory_space<vmem_shared>>
      %dma_start3A_126 = arith.constant 0 : i32
      %dma_start3A_127 = arith.constant 0 : i32
      %dma_start3A_128 = tpu.memref_slice %arg7[%dma_start3A_126, %dma_start3A_127] : memref<100x128xf32, #tpu.memory_space<vmem>> -> memref<96x128xf32, #tpu.memory_space<vmem>>
      tpu.enqueue_dma source(%dma_start3A_128 : memref<96x128xf32, #tpu.memory_space<vmem>>) target(%dma_start3A_125 : memref<96x128xf32, #tpu.memory_space<vmem_shared>>) target_semaphore(%arg10 : memref<!tpu.dma_semaphore, #tpu.memory_space<semaphore_mem>>)
      %add3A_129 = arith.constant 384 : i32
      %add3A_130 = arith.addi %multiple_of3A, %add3A_129 : i32
      %dma_start3A_131 = arith.constant 0 : i32
      %dma_start3A_132 = arith.constant 0 : i32
      %dma_start3A_133 = tpu.memref_slice %arg7[%dma_start3A_131, %dma_start3A_132] : memref<100x128xf32, #tpu.memory_space<vmem>> -> memref<96x128xf32, #tpu.memory_space<vmem>>
      %dma_start3A_134 = arith.constant 0 : i32
      %dma_start3A_135 = tpu.memref_slice %arg6[%add3A_130, %dma_start3A_134] : memref<10000x128xf32, #tpu.memory_space<vmem_shared>> -> memref<96x128xf32, #tpu.memory_space<vmem_shared>>
      %dma_start3A_136 = arith.constant 0 : i32
      %dma_start3A_137 = tpu.memref_slice %arg6[%add3A_130, %dma_start3A_136] : memref<10000x128xf32, #tpu.memory_space<vmem_shared>> -> memref<96x128xf32, #tpu.memory_space<vmem_shared>>
      %dma_start3A_138 = arith.constant 0 : i32
      %dma_start3A_139 = arith.constant 0 : i32
      %dma_start3A_140 = tpu.memref_slice %arg7[%dma_start3A_138, %dma_start3A_139] : memref<100x128xf32, #tpu.memory_space<vmem>> -> memref<96x128xf32, #tpu.memory_space<vmem>>
      tpu.enqueue_dma source(%dma_start3A_140 : memref<96x128xf32, #tpu.memory_space<vmem>>) target(%dma_start3A_137 : memref<96x128xf32, #tpu.memory_space<vmem_shared>>) target_semaphore(%arg10 : memref<!tpu.dma_semaphore, #tpu.memory_space<semaphore_mem>>)
      %add3A_141 = arith.constant 480 : i32
      %add3A_142 = arith.addi %multiple_of3A, %add3A_141 : i32
      %dma_start3A_143 = arith.constant 0 : i32
      %dma_start3A_144 = arith.constant 0 : i32
      %dma_start3A_145 = tpu.memref_slice %arg7[%dma_start3A_143, %dma_start3A_144] : memref<100x128xf32, #tpu.memory_space<vmem>> -> memref<96x128xf32, #tpu.memory_space<vmem>>
      %dma_start3A_146 = arith.constant 0 : i32
      %dma_start3A_147 = tpu.memref_slice %arg6[%add3A_142, %dma_start3A_146] : memref<10000x128xf32, #tpu.memory_space<vmem_shared>> -> memref<96x128xf32, #tpu.memory_space<vmem_shared>>
      %dma_start3A_148 = arith.constant 0 : i32
      %dma_start3A_149 = tpu.memref_slice %arg6[%add3A_142, %dma_start3A_148] : memref<10000x128xf32, #tpu.memory_space<vmem_shared>> -> memref<96x128xf32, #tpu.memory_space<vmem_shared>>
      %dma_start3A_150 = arith.constant 0 : i32
      %dma_start3A_151 = arith.constant 0 : i32
      %dma_start3A_152 = tpu.memref_slice %arg7[%dma_start3A_150, %dma_start3A_151] : memref<100x128xf32, #tpu.memory_space<vmem>> -> memref<96x128xf32, #tpu.memory_space<vmem>>
      tpu.enqueue_dma source(%dma_start3A_152 : memref<96x128xf32, #tpu.memory_space<vmem>>) target(%dma_start3A_149 : memref<96x128xf32, #tpu.memory_space<vmem_shared>>) target_semaphore(%arg10 : memref<!tpu.dma_semaphore, #tpu.memory_space<semaphore_mem>>)
      %add3A_153 = arith.constant 576 : i32
      %add3A_154 = arith.addi %multiple_of3A, %add3A_153 : i32
      %dma_start3A_155 = arith.constant 0 : i32
      %dma_start3A_156 = arith.constant 0 : i32
      %dma_start3A_157 = tpu.memref_slice %arg7[%dma_start3A_155, %dma_start3A_156] : memref<100x128xf32, #tpu.memory_space<vmem>> -> memref<96x128xf32, #tpu.memory_space<vmem>>
      %dma_start3A_158 = arith.constant 0 : i32
      %dma_start3A_159 = tpu.memref_slice %arg6[%add3A_154, %dma_start3A_158] : memref<10000x128xf32, #tpu.memory_space<vmem_shared>> -> memref<96x128xf32, #tpu.memory_space<vmem_shared>>
      %dma_start3A_160 = arith.constant 0 : i32
      %dma_start3A_161 = tpu.memref_slice %arg6[%add3A_154, %dma_start3A_160] : memref<10000x128xf32, #tpu.memory_space<vmem_shared>> -> memref<96x128xf32, #tpu.memory_space<vmem_shared>>
      %dma_start3A_162 = arith.constant 0 : i32
      %dma_start3A_163 = arith.constant 0 : i32
      %dma_start3A_164 = tpu.memref_slice %arg7[%dma_start3A_162, %dma_start3A_163] : memref<100x128xf32, #tpu.memory_space<vmem>> -> memref<96x128xf32, #tpu.memory_space<vmem>>
      tpu.enqueue_dma source(%dma_start3A_164 : memref<96x128xf32, #tpu.memory_space<vmem>>) target(%dma_start3A_161 : memref<96x128xf32, #tpu.memory_space<vmem_shared>>) target_semaphore(%arg10 : memref<!tpu.dma_semaphore, #tpu.memory_space<semaphore_mem>>)
      %add3A_165 = arith.constant 672 : i32
      %add3A_166 = arith.addi %multiple_of3A, %add3A_165 : i32
      %dma_start3A_167 = arith.constant 0 : i32
      %dma_start3A_168 = arith.constant 0 : i32
      %dma_start3A_169 = tpu.memref_slice %arg7[%dma_start3A_167, %dma_start3A_168] : memref<100x128xf32, #tpu.memory_space<vmem>> -> memref<96x128xf32, #tpu.memory_space<vmem>>
      %dma_start3A_170 = arith.constant 0 : i32
      %dma_start3A_171 = tpu.memref_slice %arg6[%add3A_166, %dma_start3A_170] : memref<10000x128xf32, #tpu.memory_space<vmem_shared>> -> memref<96x128xf32, #tpu.memory_space<vmem_shared>>
      %dma_start3A_172 = arith.constant 0 : i32
      %dma_start3A_173 = tpu.memref_slice %arg6[%add3A_166, %dma_start3A_172] : memref<10000x128xf32, #tpu.memory_space<vmem_shared>> -> memref<96x128xf32, #tpu.memory_space<vmem_shared>>
      %dma_start3A_174 = arith.constant 0 : i32
      %dma_start3A_175 = arith.constant 0 : i32
      %dma_start3A_176 = tpu.memref_slice %arg7[%dma_start3A_174, %dma_start3A_175] : memref<100x128xf32, #tpu.memory_space<vmem>> -> memref<96x128xf32, #tpu.memory_space<vmem>>
      tpu.enqueue_dma source(%dma_start3A_176 : memref<96x128xf32, #tpu.memory_space<vmem>>) target(%dma_start3A_173 : memref<96x128xf32, #tpu.memory_space<vmem_shared>>) target_semaphore(%arg10 : memref<!tpu.dma_semaphore, #tpu.memory_space<semaphore_mem>>)
      %add3A_177 = arith.constant 768 : i32
      %add3A_178 = arith.addi %multiple_of3A, %add3A_177 : i32
      %dma_start3A_179 = arith.constant 0 : i32
      %dma_start3A_180 = arith.constant 0 : i32
      %dma_start3A_181 = tpu.memref_slice %arg7[%dma_start3A_179, %dma_start3A_180] : memref<100x128xf32, #tpu.memory_space<vmem>> -> memref<96x128xf32, #tpu.memory_space<vmem>>
      %dma_start3A_182 = arith.constant 0 : i32
      %dma_start3A_183 = tpu.memref_slice %arg6[%add3A_178, %dma_start3A_182] : memref<10000x128xf32, #tpu.memory_space<vmem_shared>> -> memref<96x128xf32, #tpu.memory_space<vmem_shared>>
      %dma_start3A_184 = arith.constant 0 : i32
      %dma_start3A_185 = tpu.memref_slice %arg6[%add3A_178, %dma_start3A_184] : memref<10000x128xf32, #tpu.memory_space<vmem_shared>> -> memref<96x128xf32, #tpu.memory_space<vmem_shared>>
      %dma_start3A_186 = arith.constant 0 : i32
      %dma_start3A_187 = arith.constant 0 : i32
      %dma_start3A_188 = tpu.memref_slice %arg7[%dma_start3A_186, %dma_start3A_187] : memref<100x128xf32, #tpu.memory_space<vmem>> -> memref<96x128xf32, #tpu.memory_space<vmem>>
      tpu.enqueue_dma source(%dma_start3A_188 : memref<96x128xf32, #tpu.memory_space<vmem>>) target(%dma_start3A_185 : memref<96x128xf32, #tpu.memory_space<vmem_shared>>) target_semaphore(%arg10 : memref<!tpu.dma_semaphore, #tpu.memory_space<semaphore_mem>>)
      %add3A_189 = arith.constant 864 : i32
      %add3A_190 = arith.addi %multiple_of3A, %add3A_189 : i32
      %dma_start3A_191 = arith.constant 0 : i32
      %dma_start3A_192 = arith.constant 0 : i32
      %dma_start3A_193 = tpu.memref_slice %arg7[%dma_start3A_191, %dma_start3A_192] : memref<100x128xf32, #tpu.memory_space<vmem>> -> memref<96x128xf32, #tpu.memory_space<vmem>>
      %dma_start3A_194 = arith.constant 0 : i32
      %dma_start3A_195 = tpu.memref_slice %arg6[%add3A_190, %dma_start3A_194] : memref<10000x128xf32, #tpu.memory_space<vmem_shared>> -> memref<96x128xf32, #tpu.memory_space<vmem_shared>>
      %dma_start3A_196 = arith.constant 0 : i32
      %dma_start3A_197 = tpu.memref_slice %arg6[%add3A_190, %dma_start3A_196] : memref<10000x128xf32, #tpu.memory_space<vmem_shared>> -> memref<96x128xf32, #tpu.memory_space<vmem_shared>>
      %dma_start3A_198 = arith.constant 0 : i32
      %dma_start3A_199 = arith.constant 0 : i32
      %dma_start3A_200 = tpu.memref_slice %arg7[%dma_start3A_198, %dma_start3A_199] : memref<100x128xf32, #tpu.memory_space<vmem>> -> memref<96x128xf32, #tpu.memory_space<vmem>>
      tpu.enqueue_dma source(%dma_start3A_200 : memref<96x128xf32, #tpu.memory_space<vmem>>) target(%dma_start3A_197 : memref<96x128xf32, #tpu.memory_space<vmem_shared>>) target_semaphore(%arg10 : memref<!tpu.dma_semaphore, #tpu.memory_space<semaphore_mem>>)
      %add3A_201 = arith.constant 960 : i32
      %add3A_202 = arith.addi %multiple_of3A, %add3A_201 : i32
      %multiple_of3A_203 = tpu.assume_multiple %add3A_202, 8 : i32
      %dma_start3A_204 = arith.constant 0 : i32
      %dma_start3A_205 = arith.constant 0 : i32
      %dma_start3A_206 = tpu.memref_slice %arg7[%dma_start3A_204, %dma_start3A_205] : memref<100x128xf32, #tpu.memory_space<vmem>> -> memref<40x128xf32, #tpu.memory_space<vmem>>
      %dma_start3A_207 = arith.constant 0 : i32
      %dma_start3A_208 = tpu.memref_slice %arg6[%multiple_of3A_203, %dma_start3A_207] : memref<10000x128xf32, #tpu.memory_space<vmem_shared>> -> memref<40x128xf32, #tpu.memory_space<vmem_shared>>
      %dma_start3A_209 = arith.constant 0 : i32
      %dma_start3A_210 = tpu.memref_slice %arg6[%multiple_of3A_203, %dma_start3A_209] : memref<10000x128xf32, #tpu.memory_space<vmem_shared>> -> memref<40x128xf32, #tpu.memory_space<vmem_shared>>
      %dma_start3A_211 = arith.constant 0 : i32
      %dma_start3A_212 = arith.constant 0 : i32
      %dma_start3A_213 = tpu.memref_slice %arg7[%dma_start3A_211, %dma_start3A_212] : memref<100x128xf32, #tpu.memory_space<vmem>> -> memref<40x128xf32, #tpu.memory_space<vmem>>
      tpu.enqueue_dma source(%dma_start3A_213 : memref<40x128xf32, #tpu.memory_space<vmem>>) target(%dma_start3A_210 : memref<40x128xf32, #tpu.memory_space<vmem_shared>>) target_semaphore(%arg10 : memref<!tpu.dma_semaphore, #tpu.memory_space<semaphore_mem>>)
      %dma_wait3A_214 = arith.constant 0 : i32
      %dma_wait3A_215 = arith.constant 0 : i32
      %dma_wait3A_216 = tpu.memref_slice %arg7[%dma_wait3A_214, %dma_wait3A_215] : memref<100x128xf32, #tpu.memory_space<vmem>> -> memref<96x128xf32, #tpu.memory_space<vmem>>
      %dma_wait3A_217 = arith.constant 0 : i32
      %dma_wait3A_218 = tpu.memref_slice %arg6[%multiple_of3A, %dma_wait3A_217] : memref<10000x128xf32, #tpu.memory_space<vmem_shared>> -> memref<96x128xf32, #tpu.memory_space<vmem_shared>>
      %dma_wait3A_219 = arith.constant 0 : i32
      %dma_wait3A_220 = tpu.memref_slice %arg6[%multiple_of3A, %dma_wait3A_219] : memref<10000x128xf32, #tpu.memory_space<vmem_shared>> -> memref<96x128xf32, #tpu.memory_space<vmem_shared>>
      %dma_wait3A_221 = arith.constant 0 : i32
      %dma_wait3A_222 = arith.constant 0 : i32
      %dma_wait3A_223 = tpu.memref_slice %arg7[%dma_wait3A_221, %dma_wait3A_222] : memref<100x128xf32, #tpu.memory_space<vmem>> -> memref<96x128xf32, #tpu.memory_space<vmem>>
      tpu.wait_dma2 semaphore(%arg10 : memref<!tpu.dma_semaphore, #tpu.memory_space<semaphore_mem>>) src(%dma_wait3A_223 : memref<96x128xf32, #tpu.memory_space<vmem>>) dst(%dma_wait3A_220 : memref<96x128xf32, #tpu.memory_space<vmem_shared>>)
      %dma_wait3A_224 = arith.constant 0 : i32
      %dma_wait3A_225 = arith.constant 0 : i32
      %dma_wait3A_226 = tpu.memref_slice %arg7[%dma_wait3A_224, %dma_wait3A_225] : memref<100x128xf32, #tpu.memory_space<vmem>> -> memref<96x128xf32, #tpu.memory_space<vmem>>
      %dma_wait3A_227 = arith.constant 0 : i32
      %dma_wait3A_228 = tpu.memref_slice %arg6[%multiple_of3A, %dma_wait3A_227] : memref<10000x128xf32, #tpu.memory_space<vmem_shared>> -> memref<96x128xf32, #tpu.memory_space<vmem_shared>>
      %dma_wait3A_229 = arith.constant 0 : i32
      %dma_wait3A_230 = tpu.memref_slice %arg6[%multiple_of3A, %dma_wait3A_229] : memref<10000x128xf32, #tpu.memory_space<vmem_shared>> -> memref<96x128xf32, #tpu.memory_space<vmem_shared>>
      %dma_wait3A_231 = arith.constant 0 : i32
      %dma_wait3A_232 = arith.constant 0 : i32
      %dma_wait3A_233 = tpu.memref_slice %arg7[%dma_wait3A_231, %dma_wait3A_232] : memref<100x128xf32, #tpu.memory_space<vmem>> -> memref<96x128xf32, #tpu.memory_space<vmem>>
      tpu.wait_dma2 semaphore(%arg10 : memref<!tpu.dma_semaphore, #tpu.memory_space<semaphore_mem>>) src(%dma_wait3A_233 : memref<96x128xf32, #tpu.memory_space<vmem>>) dst(%dma_wait3A_230 : memref<96x128xf32, #tpu.memory_space<vmem_shared>>)
      %dma_wait3A_234 = arith.constant 0 : i32
      %dma_wait3A_235 = arith.constant 0 : i32
      %dma_wait3A_236 = tpu.memref_slice %arg7[%dma_wait3A_234, %dma_wait3A_235] : memref<100x128xf32, #tpu.memory_space<vmem>> -> memref<96x128xf32, #tpu.memory_space<vmem>>
      %dma_wait3A_237 = arith.constant 0 : i32
      %dma_wait3A_238 = tpu.memref_slice %arg6[%multiple_of3A, %dma_wait3A_237] : memref<10000x128xf32, #tpu.memory_space<vmem_shared>> -> memref<96x128xf32, #tpu.memory_space<vmem_shared>>
      %dma_wait3A_239 = arith.constant 0 : i32
      %dma_wait3A_240 = tpu.memref_slice %arg6[%multiple_of3A, %dma_wait3A_239] : memref<10000x128xf32, #tpu.memory_space<vmem_shared>> -> memref<96x128xf32, #tpu.memory_space<vmem_shared>>
      %dma_wait3A_241 = arith.constant 0 : i32
      %dma_wait3A_242 = arith.constant 0 : i32
      %dma_wait3A_243 = tpu.memref_slice %arg7[%dma_wait3A_241, %dma_wait3A_242] : memref<100x128xf32, #tpu.memory_space<vmem>> -> memref<96x128xf32, #tpu.memory_space<vmem>>
      tpu.wait_dma2 semaphore(%arg10 : memref<!tpu.dma_semaphore, #tpu.memory_space<semaphore_mem>>) src(%dma_wait3A_243 : memref<96x128xf32, #tpu.memory_space<vmem>>) dst(%dma_wait3A_240 : memref<96x128xf32, #tpu.memory_space<vmem_shared>>)
      %dma_wait3A_244 = arith.constant 0 : i32
      %dma_wait3A_245 = arith.constant 0 : i32
      %dma_wait3A_246 = tpu.memref_slice %arg7[%dma_wait3A_244, %dma_wait3A_245] : memref<100x128xf32, #tpu.memory_space<vmem>> -> memref<96x128xf32, #tpu.memory_space<vmem>>
      %dma_wait3A_247 = arith.constant 0 : i32
      %dma_wait3A_248 = tpu.memref_slice %arg6[%multiple_of3A, %dma_wait3A_247] : memref<10000x128xf32, #tpu.memory_space<vmem_shared>> -> memref<96x128xf32, #tpu.memory_space<vmem_shared>>
      %dma_wait3A_249 = arith.constant 0 : i32
      %dma_wait3A_250 = tpu.memref_slice %arg6[%multiple_of3A, %dma_wait3A_249] : memref<10000x128xf32, #tpu.memory_space<vmem_shared>> -> memref<96x128xf32, #tpu.memory_space<vmem_shared>>
      %dma_wait3A_251 = arith.constant 0 : i32
      %dma_wait3A_252 = arith.constant 0 : i32
      %dma_wait3A_253 = tpu.memref_slice %arg7[%dma_wait3A_251, %dma_wait3A_252] : memref<100x128xf32, #tpu.memory_space<vmem>> -> memref<96x128xf32, #tpu.memory_space<vmem>>
      tpu.wait_dma2 semaphore(%arg10 : memref<!tpu.dma_semaphore, #tpu.memory_space<semaphore_mem>>) src(%dma_wait3A_253 : memref<96x128xf32, #tpu.memory_space<vmem>>) dst(%dma_wait3A_250 : memref<96x128xf32, #tpu.memory_space<vmem_shared>>)
      %dma_wait3A_254 = arith.constant 0 : i32
      %dma_wait3A_255 = arith.constant 0 : i32
      %dma_wait3A_256 = tpu.memref_slice %arg7[%dma_wait3A_254, %dma_wait3A_255] : memref<100x128xf32, #tpu.memory_space<vmem>> -> memref<96x128xf32, #tpu.memory_space<vmem>>
      %dma_wait3A_257 = arith.constant 0 : i32
      %dma_wait3A_258 = tpu.memref_slice %arg6[%multiple_of3A, %dma_wait3A_257] : memref<10000x128xf32, #tpu.memory_space<vmem_shared>> -> memref<96x128xf32, #tpu.memory_space<vmem_shared>>
      %dma_wait3A_259 = arith.constant 0 : i32
      %dma_wait3A_260 = tpu.memref_slice %arg6[%multiple_of3A, %dma_wait3A_259] : memref<10000x128xf32, #tpu.memory_space<vmem_shared>> -> memref<96x128xf32, #tpu.memory_space<vmem_shared>>
      %dma_wait3A_261 = arith.constant 0 : i32
      %dma_wait3A_262 = arith.constant 0 : i32
      %dma_wait3A_263 = tpu.memref_slice %arg7[%dma_wait3A_261, %dma_wait3A_262] : memref<100x128xf32, #tpu.memory_space<vmem>> -> memref<96x128xf32, #tpu.memory_space<vmem>>
      tpu.wait_dma2 semaphore(%arg10 : memref<!tpu.dma_semaphore, #tpu.memory_space<semaphore_mem>>) src(%dma_wait3A_263 : memref<96x128xf32, #tpu.memory_space<vmem>>) dst(%dma_wait3A_260 : memref<96x128xf32, #tpu.memory_space<vmem_shared>>)
      %dma_wait3A_264 = arith.constant 0 : i32
      %dma_wait3A_265 = arith.constant 0 : i32
      %dma_wait3A_266 = tpu.memref_slice %arg7[%dma_wait3A_264, %dma_wait3A_265] : memref<100x128xf32, #tpu.memory_space<vmem>> -> memref<96x128xf32, #tpu.memory_space<vmem>>
      %dma_wait3A_267 = arith.constant 0 : i32
      %dma_wait3A_268 = tpu.memref_slice %arg6[%multiple_of3A, %dma_wait3A_267] : memref<10000x128xf32, #tpu.memory_space<vmem_shared>> -> memref<96x128xf32, #tpu.memory_space<vmem_shared>>
      %dma_wait3A_269 = arith.constant 0 : i32
      %dma_wait3A_270 = tpu.memref_slice %arg6[%multiple_of3A, %dma_wait3A_269] : memref<10000x128xf32, #tpu.memory_space<vmem_shared>> -> memref<96x128xf32, #tpu.memory_space<vmem_shared>>
      %dma_wait3A_271 = arith.constant 0 : i32
      %dma_wait3A_272 = arith.constant 0 : i32
      %dma_wait3A_273 = tpu.memref_slice %arg7[%dma_wait3A_271, %dma_wait3A_272] : memref<100x128xf32, #tpu.memory_space<vmem>> -> memref<96x128xf32, #tpu.memory_space<vmem>>
      tpu.wait_dma2 semaphore(%arg10 : memref<!tpu.dma_semaphore, #tpu.memory_space<semaphore_mem>>) src(%dma_wait3A_273 : memref<96x128xf32, #tpu.memory_space<vmem>>) dst(%dma_wait3A_270 : memref<96x128xf32, #tpu.memory_space<vmem_shared>>)
      %dma_wait3A_274 = arith.constant 0 : i32
      %dma_wait3A_275 = arith.constant 0 : i32
      %dma_wait3A_276 = tpu.memref_slice %arg7[%dma_wait3A_274, %dma_wait3A_275] : memref<100x128xf32, #tpu.memory_space<vmem>> -> memref<96x128xf32, #tpu.memory_space<vmem>>
      %dma_wait3A_277 = arith.constant 0 : i32
      %dma_wait3A_278 = tpu.memref_slice %arg6[%multiple_of3A, %dma_wait3A_277] : memref<10000x128xf32, #tpu.memory_space<vmem_shared>> -> memref<96x128xf32, #tpu.memory_space<vmem_shared>>
      %dma_wait3A_279 = arith.constant 0 : i32
      %dma_wait3A_280 = tpu.memref_slice %arg6[%multiple_of3A, %dma_wait3A_279] : memref<10000x128xf32, #tpu.memory_space<vmem_shared>> -> memref<96x128xf32, #tpu.memory_space<vmem_shared>>
      %dma_wait3A_281 = arith.constant 0 : i32
      %dma_wait3A_282 = arith.constant 0 : i32
      %dma_wait3A_283 = tpu.memref_slice %arg7[%dma_wait3A_281, %dma_wait3A_282] : memref<100x128xf32, #tpu.memory_space<vmem>> -> memref<96x128xf32, #tpu.memory_space<vmem>>
      tpu.wait_dma2 semaphore(%arg10 : memref<!tpu.dma_semaphore, #tpu.memory_space<semaphore_mem>>) src(%dma_wait3A_283 : memref<96x128xf32, #tpu.memory_space<vmem>>) dst(%dma_wait3A_280 : memref<96x128xf32, #tpu.memory_space<vmem_shared>>)
      %dma_wait3A_284 = arith.constant 0 : i32
      %dma_wait3A_285 = arith.constant 0 : i32
      %dma_wait3A_286 = tpu.memref_slice %arg7[%dma_wait3A_284, %dma_wait3A_285] : memref<100x128xf32, #tpu.memory_space<vmem>> -> memref<96x128xf32, #tpu.memory_space<vmem>>
      %dma_wait3A_287 = arith.constant 0 : i32
      %dma_wait3A_288 = tpu.memref_slice %arg6[%multiple_of3A, %dma_wait3A_287] : memref<10000x128xf32, #tpu.memory_space<vmem_shared>> -> memref<96x128xf32, #tpu.memory_space<vmem_shared>>
      %dma_wait3A_289 = arith.constant 0 : i32
      %dma_wait3A_290 = tpu.memref_slice %arg6[%multiple_of3A, %dma_wait3A_289] : memref<10000x128xf32, #tpu.memory_space<vmem_shared>> -> memref<96x128xf32, #tpu.memory_space<vmem_shared>>
      %dma_wait3A_291 = arith.constant 0 : i32
      %dma_wait3A_292 = arith.constant 0 : i32
      %dma_wait3A_293 = tpu.memref_slice %arg7[%dma_wait3A_291, %dma_wait3A_292] : memref<100x128xf32, #tpu.memory_space<vmem>> -> memref<96x128xf32, #tpu.memory_space<vmem>>
      tpu.wait_dma2 semaphore(%arg10 : memref<!tpu.dma_semaphore, #tpu.memory_space<semaphore_mem>>) src(%dma_wait3A_293 : memref<96x128xf32, #tpu.memory_space<vmem>>) dst(%dma_wait3A_290 : memref<96x128xf32, #tpu.memory_space<vmem_shared>>)
      %dma_wait3A_294 = arith.constant 0 : i32
      %dma_wait3A_295 = arith.constant 0 : i32
      %dma_wait3A_296 = tpu.memref_slice %arg7[%dma_wait3A_294, %dma_wait3A_295] : memref<100x128xf32, #tpu.memory_space<vmem>> -> memref<96x128xf32, #tpu.memory_space<vmem>>
      %dma_wait3A_297 = arith.constant 0 : i32
      %dma_wait3A_298 = tpu.memref_slice %arg6[%multiple_of3A, %dma_wait3A_297] : memref<10000x128xf32, #tpu.memory_space<vmem_shared>> -> memref<96x128xf32, #tpu.memory_space<vmem_shared>>
      %dma_wait3A_299 = arith.constant 0 : i32
      %dma_wait3A_300 = tpu.memref_slice %arg6[%multiple_of3A, %dma_wait3A_299] : memref<10000x128xf32, #tpu.memory_space<vmem_shared>> -> memref<96x128xf32, #tpu.memory_space<vmem_shared>>
      %dma_wait3A_301 = arith.constant 0 : i32
      %dma_wait3A_302 = arith.constant 0 : i32
      %dma_wait3A_303 = tpu.memref_slice %arg7[%dma_wait3A_301, %dma_wait3A_302] : memref<100x128xf32, #tpu.memory_space<vmem>> -> memref<96x128xf32, #tpu.memory_space<vmem>>
      tpu.wait_dma2 semaphore(%arg10 : memref<!tpu.dma_semaphore, #tpu.memory_space<semaphore_mem>>) src(%dma_wait3A_303 : memref<96x128xf32, #tpu.memory_space<vmem>>) dst(%dma_wait3A_300 : memref<96x128xf32, #tpu.memory_space<vmem_shared>>)
      %dma_wait3A_304 = arith.constant 0 : i32
      %dma_wait3A_305 = arith.constant 0 : i32
      %dma_wait3A_306 = tpu.memref_slice %arg7[%dma_wait3A_304, %dma_wait3A_305] : memref<100x128xf32, #tpu.memory_space<vmem>> -> memref<96x128xf32, #tpu.memory_space<vmem>>
      %dma_wait3A_307 = arith.constant 0 : i32
      %dma_wait3A_308 = tpu.memref_slice %arg6[%multiple_of3A, %dma_wait3A_307] : memref<10000x128xf32, #tpu.memory_space<vmem_shared>> -> memref<96x128xf32, #tpu.memory_space<vmem_shared>>
      %dma_wait3A_309 = arith.constant 0 : i32
      %dma_wait3A_310 = tpu.memref_slice %arg6[%multiple_of3A, %dma_wait3A_309] : memref<10000x128xf32, #tpu.memory_space<vmem_shared>> -> memref<96x128xf32, #tpu.memory_space<vmem_shared>>
      %dma_wait3A_311 = arith.constant 0 : i32
      %dma_wait3A_312 = arith.constant 0 : i32
      %dma_wait3A_313 = tpu.memref_slice %arg7[%dma_wait3A_311, %dma_wait3A_312] : memref<100x128xf32, #tpu.memory_space<vmem>> -> memref<96x128xf32, #tpu.memory_space<vmem>>
      tpu.wait_dma2 semaphore(%arg10 : memref<!tpu.dma_semaphore, #tpu.memory_space<semaphore_mem>>) src(%dma_wait3A_313 : memref<96x128xf32, #tpu.memory_space<vmem>>) dst(%dma_wait3A_310 : memref<96x128xf32, #tpu.memory_space<vmem_shared>>)
      %dma_wait3A_314 = arith.constant 0 : i32
      %dma_wait3A_315 = arith.constant 0 : i32
      %dma_wait3A_316 = tpu.memref_slice %arg7[%dma_wait3A_314, %dma_wait3A_315] : memref<100x128xf32, #tpu.memory_space<vmem>> -> memref<40x128xf32, #tpu.memory_space<vmem>>
      %dma_wait3A_317 = arith.constant 0 : i32
      %dma_wait3A_318 = tpu.memref_slice %arg6[%multiple_of3A, %dma_wait3A_317] : memref<10000x128xf32, #tpu.memory_space<vmem_shared>> -> memref<40x128xf32, #tpu.memory_space<vmem_shared>>
      %dma_wait3A_319 = arith.constant 0 : i32
      %dma_wait3A_320 = tpu.memref_slice %arg6[%multiple_of3A, %dma_wait3A_319] : memref<10000x128xf32, #tpu.memory_space<vmem_shared>> -> memref<40x128xf32, #tpu.memory_space<vmem_shared>>
      %dma_wait3A_321 = arith.constant 0 : i32
      %dma_wait3A_322 = arith.constant 0 : i32
      %dma_wait3A_323 = tpu.memref_slice %arg7[%dma_wait3A_321, %dma_wait3A_322] : memref<100x128xf32, #tpu.memory_space<vmem>> -> memref<40x128xf32, #tpu.memory_space<vmem>>
      tpu.wait_dma2 semaphore(%arg10 : memref<!tpu.dma_semaphore, #tpu.memory_space<semaphore_mem>>) src(%dma_wait3A_323 : memref<40x128xf32, #tpu.memory_space<vmem>>) dst(%dma_wait3A_320 : memref<40x128xf32, #tpu.memory_space<vmem_shared>>)
    } else {
    }
    %barrier3A = arith.constant 0 : index
    tpu.barrier barrier_id(%barrier3A)
    %dma_wait3A = arith.constant 0 : i32
    %dma_wait3A_27 = arith.constant 0 : i32
    %dma_wait3A_28 = arith.constant 0 : i32
    %dma_wait3A_29 = tpu.memref_slice %arg2[%add3A, %dma_wait3A, %dma_wait3A_27, %dma_wait3A_28] : memref<32x2x50x100xi32, #tpu.memory_space<hbm>> -> memref<1x1x50x100xi32, #tpu.memory_space<hbm>>
    %dma_wait3A_30 = tpu.memref_squeeze %dma_wait3A_29 : memref<1x1x50x100xi32, #tpu.memory_space<hbm>> -> memref<50x100xi32, #tpu.memory_space<hbm>>
    %dma_wait3A_31 = arith.constant 0 : i32
    %dma_wait3A_32 = arith.constant 0 : i32
    %dma_wait3A_33 = tpu.memref_slice %arg2[%add3A, %dma_wait3A, %dma_wait3A_31, %dma_wait3A_32] : memref<32x2x50x100xi32, #tpu.memory_space<hbm>> -> memref<1x1x50x100xi32, #tpu.memory_space<hbm>>
    %dma_wait3A_34 = tpu.memref_squeeze %dma_wait3A_33 : memref<1x1x50x100xi32, #tpu.memory_space<hbm>> -> memref<50x100xi32, #tpu.memory_space<hbm>>
    tpu.wait_dma2 semaphore(%arg11 : memref<!tpu.dma_semaphore, #tpu.memory_space<semaphore_mem>>) src(%dma_wait3A_34 : memref<50x100xi32, #tpu.memory_space<hbm>>) dst(%arg12 : memref<50x100xi32, #tpu.memory_space<vmem>>)
    %dma_wait3A_35 = arith.constant 0 : i32
    %dma_wait3A_36 = arith.constant 0 : i32
    %dma_wait3A_37 = arith.constant 0 : i32
    %dma_wait3A_38 = tpu.memref_slice %arg3[%add3A, %dma_wait3A_35, %dma_wait3A_36, %dma_wait3A_37] : memref<32x2x50x100xi32, #tpu.memory_space<hbm>> -> memref<1x1x50x100xi32, #tpu.memory_space<hbm>>
    %dma_wait3A_39 = tpu.memref_squeeze %dma_wait3A_38 : memref<1x1x50x100xi32, #tpu.memory_space<hbm>> -> memref<50x100xi32, #tpu.memory_space<hbm>>
    %dma_wait3A_40 = arith.constant 0 : i32
    %dma_wait3A_41 = arith.constant 0 : i32
    %dma_wait3A_42 = tpu.memref_slice %arg3[%add3A, %dma_wait3A_35, %dma_wait3A_40, %dma_wait3A_41] : memref<32x2x50x100xi32, #tpu.memory_space<hbm>> -> memref<1x1x50x100xi32, #tpu.memory_space<hbm>>
    %dma_wait3A_43 = tpu.memref_squeeze %dma_wait3A_42 : memref<1x1x50x100xi32, #tpu.memory_space<hbm>> -> memref<50x100xi32, #tpu.memory_space<hbm>>
    tpu.wait_dma2 semaphore(%arg11 : memref<!tpu.dma_semaphore, #tpu.memory_space<semaphore_mem>>) src(%dma_wait3A_43 : memref<50x100xi32, #tpu.memory_space<hbm>>) dst(%arg9 : memref<50x100xi32, #tpu.memory_space<vmem>>)
    %dma_start3A_44 = arith.constant 0 : i32
    %dma_start3A_45 = arith.constant 0 : i32
    %dma_start3A_46 = tpu.memref_slice %arg12[%dma_start3A_44, %dma_start3A_45] : memref<50x100xi32, #tpu.memory_space<vmem>> -> memref<1x100xi32, #tpu.memory_space<vmem>>
    %dma_start3A_47 = tpu.memref_squeeze %dma_start3A_46 : memref<1x100xi32, #tpu.memory_space<vmem>> -> memref<100xi32, #tpu.memory_space<vmem>>
    %dma_start3A_48 = arith.constant 0 : i32
    %dma_start3A_49 = arith.constant 0 : i32
    %dma_start3A_50 = tpu.memref_slice %arg4[%dma_start3A_48, %dma_start3A_49] : memref<10000x128xf32, #tpu.memory_space<hbm>> -> memref<10000x128xf32, #tpu.memory_space<hbm>>
    tpu.enqueue_indirect_dma source(%dma_start3A_50 : memref<10000x128xf32, #tpu.memory_space<hbm>>) target(%arg7 : memref<100x128xf32, #tpu.memory_space<vmem>>) offsets(%dma_start3A_47 : memref<100xi32, #tpu.memory_space<vmem>>) semaphore(%arg10 : memref<!tpu.dma_semaphore, #tpu.memory_space<semaphore_mem>>)
    %scan3A_51 = arith.constant 0 : i32
    %scan3A_52 = arith.constant 0 : i32
    %scan3A_53 = arith.constant 25 : i32
    %scan3A_54 = arith.addi %scan3A_52, %scan3A_53 : i32
    %scan3A_55 = arith.constant 1 : i32
    %scan3A_56 = scf.for %scan3A_79 = %scan3A_52 to %scan3A_54 step %scan3A_55 iter_args(%scan3A_80 = %scan3A_51) -> (i32)  : i32 {
      %mul3A_81 = arith.constant 2 : i32
      %mul3A_82 = arith.muli %scan3A_79, %mul3A_81 : i32
      %add3A_83 = arith.constant 1 : i32
      %add3A_84 = arith.addi %mul3A_82, %add3A_83 : i32
      %dma_start3A_85 = arith.constant 0 : i32
      %dma_start3A_86 = tpu.memref_slice %arg12[%add3A_84, %dma_start3A_85] : memref<50x100xi32, #tpu.memory_space<vmem>> -> memref<1x100xi32, #tpu.memory_space<vmem>>
      %dma_start3A_87 = tpu.memref_squeeze %dma_start3A_86 : memref<1x100xi32, #tpu.memory_space<vmem>> -> memref<100xi32, #tpu.memory_space<vmem>>
      %dma_start3A_88 = arith.constant 0 : i32
      %dma_start3A_89 = arith.constant 0 : i32
      %dma_start3A_90 = tpu.memref_slice %arg4[%dma_start3A_88, %dma_start3A_89] : memref<10000x128xf32, #tpu.memory_space<hbm>> -> memref<10000x128xf32, #tpu.memory_space<hbm>>
      tpu.enqueue_indirect_dma source(%dma_start3A_90 : memref<10000x128xf32, #tpu.memory_space<hbm>>) target(%arg8 : memref<100x128xf32, #tpu.memory_space<vmem>>) offsets(%dma_start3A_87 : memref<100xi32, #tpu.memory_space<vmem>>) semaphore(%arg11 : memref<!tpu.dma_semaphore, #tpu.memory_space<semaphore_mem>>)
      %dma_wait3A_91 = arith.constant 0 : i32
      %dma_wait3A_92 = tpu.memref_slice %arg12[%mul3A_82, %dma_wait3A_91] : memref<50x100xi32, #tpu.memory_space<vmem>> -> memref<1x100xi32, #tpu.memory_space<vmem>>
      %dma_wait3A_93 = tpu.memref_squeeze %dma_wait3A_92 : memref<1x100xi32, #tpu.memory_space<vmem>> -> memref<100xi32, #tpu.memory_space<vmem>>
      %dma_wait3A_94 = arith.constant 0 : i32
      %dma_wait3A_95 = arith.constant 0 : i32
      %dma_wait3A_96 = tpu.memref_slice %arg4[%dma_wait3A_94, %dma_wait3A_95] : memref<10000x128xf32, #tpu.memory_space<hbm>> -> memref<10000x128xf32, #tpu.memory_space<hbm>>
      tpu.wait_indirect_dma semaphore(%arg10 : memref<!tpu.dma_semaphore, #tpu.memory_space<semaphore_mem>>) src(%dma_wait3A_96 : memref<10000x128xf32, #tpu.memory_space<hbm>>) dst(%arg7 : memref<100x128xf32, #tpu.memory_space<vmem>>)
      "tpu.region"() ({
        %run_scoped3A_109 = tpu.sem_alloc : memref<!tpu.dma_semaphore, #tpu.memory_space<semaphore_mem>>
        %dma_start3A_110 = arith.constant 0 : i32
        %dma_start3A_111 = tpu.memref_slice %arg9[%mul3A_82, %dma_start3A_110] : memref<50x100xi32, #tpu.memory_space<vmem>> -> memref<1x100xi32, #tpu.memory_space<vmem>>
        %dma_start3A_112 = tpu.memref_squeeze %dma_start3A_111 : memref<1x100xi32, #tpu.memory_space<vmem>> -> memref<100xi32, #tpu.memory_space<vmem>>
        %dma_start3A_113 = arith.constant 0 : i32
        %dma_start3A_114 = arith.constant 0 : i32
        %dma_start3A_115 = tpu.memref_slice %arg6[%dma_start3A_113, %dma_start3A_114] : memref<10000x128xf32, #tpu.memory_space<vmem_shared>> -> memref<10000x128xf32, #tpu.memory_space<vmem_shared>>
        tpu.enqueue_indirect_dma source(%arg7 : memref<100x128xf32, #tpu.memory_space<vmem>>) target(%dma_start3A_115 : memref<10000x128xf32, #tpu.memory_space<vmem_shared>>) offsets(%dma_start3A_112 : memref<100xi32, #tpu.memory_space<vmem>>) semaphore(%run_scoped3A_109 : memref<!tpu.dma_semaphore, #tpu.memory_space<semaphore_mem>>) {add = true}
        %dma_wait3A_116 = arith.constant 0 : i32
        %dma_wait3A_117 = tpu.memref_slice %arg9[%mul3A_82, %dma_wait3A_116] : memref<50x100xi32, #tpu.memory_space<vmem>> -> memref<1x100xi32, #tpu.memory_space<vmem>>
        %dma_wait3A_118 = tpu.memref_squeeze %dma_wait3A_117 : memref<1x100xi32, #tpu.memory_space<vmem>> -> memref<100xi32, #tpu.memory_space<vmem>>
        %dma_wait3A_119 = arith.constant 0 : i32
        %dma_wait3A_120 = arith.constant 0 : i32
        %dma_wait3A_121 = tpu.memref_slice %arg6[%dma_wait3A_119, %dma_wait3A_120] : memref<10000x128xf32, #tpu.memory_space<vmem_shared>> -> memref<10000x128xf32, #tpu.memory_space<vmem_shared>>
        tpu.wait_indirect_dma semaphore(%run_scoped3A_109 : memref<!tpu.dma_semaphore, #tpu.memory_space<semaphore_mem>>) src(%arg7 : memref<100x128xf32, #tpu.memory_space<vmem>>) dst(%dma_wait3A_121 : memref<10000x128xf32, #tpu.memory_space<vmem_shared>>)
        tpu.yield
      }) : () -> ()
      %lt3A_97 = arith.constant 24 : i32
      %lt3A_98 = arith.cmpi slt, %scan3A_79, %lt3A_97 : i32
      %convert_element_type3A_99 = arith.extui %lt3A_98 : i1 to i32
      %cond3A_100 = arith.constant 0 : i32
      %cond3A_101 = arith.cmpi ne, %convert_element_type3A_99, %cond3A_100 : i32
      scf.if %cond3A_101 {
        %add3A_109 = arith.constant 2 : i32
        %add3A_110 = arith.addi %mul3A_82, %add3A_109 : i32
        %dma_start3A_111 = arith.constant 0 : i32
        %dma_start3A_112 = tpu.memref_slice %arg12[%add3A_110, %dma_start3A_111] : memref<50x100xi32, #tpu.memory_space<vmem>> -> memref<1x100xi32, #tpu.memory_space<vmem>>
        %dma_start3A_113 = tpu.memref_squeeze %dma_start3A_112 : memref<1x100xi32, #tpu.memory_space<vmem>> -> memref<100xi32, #tpu.memory_space<vmem>>
        %dma_start3A_114 = arith.constant 0 : i32
        %dma_start3A_115 = arith.constant 0 : i32
        %dma_start3A_116 = tpu.memref_slice %arg4[%dma_start3A_114, %dma_start3A_115] : memref<10000x128xf32, #tpu.memory_space<hbm>> -> memref<10000x128xf32, #tpu.memory_space<hbm>>
        tpu.enqueue_indirect_dma source(%dma_start3A_116 : memref<10000x128xf32, #tpu.memory_space<hbm>>) target(%arg7 : memref<100x128xf32, #tpu.memory_space<vmem>>) offsets(%dma_start3A_113 : memref<100xi32, #tpu.memory_space<vmem>>) semaphore(%arg10 : memref<!tpu.dma_semaphore, #tpu.memory_space<semaphore_mem>>)
      } else {
      }
      %dma_wait3A_102 = arith.constant 0 : i32
      %dma_wait3A_103 = tpu.memref_slice %arg12[%add3A_84, %dma_wait3A_102] : memref<50x100xi32, #tpu.memory_space<vmem>> -> memref<1x100xi32, #tpu.memory_space<vmem>>
      %dma_wait3A_104 = tpu.memref_squeeze %dma_wait3A_103 : memref<1x100xi32, #tpu.memory_space<vmem>> -> memref<100xi32, #tpu.memory_space<vmem>>
      %dma_wait3A_105 = arith.constant 0 : i32
      %dma_wait3A_106 = arith.constant 0 : i32
      %dma_wait3A_107 = tpu.memref_slice %arg4[%dma_wait3A_105, %dma_wait3A_106] : memref<10000x128xf32, #tpu.memory_space<hbm>> -> memref<10000x128xf32, #tpu.memory_space<hbm>>
      tpu.wait_indirect_dma semaphore(%arg11 : memref<!tpu.dma_semaphore, #tpu.memory_space<semaphore_mem>>) src(%dma_wait3A_107 : memref<10000x128xf32, #tpu.memory_space<hbm>>) dst(%arg8 : memref<100x128xf32, #tpu.memory_space<vmem>>)
      "tpu.region"() ({
        %run_scoped3A_109 = tpu.sem_alloc : memref<!tpu.dma_semaphore, #tpu.memory_space<semaphore_mem>>
        %dma_start3A_110 = arith.constant 0 : i32
        %dma_start3A_111 = tpu.memref_slice %arg9[%add3A_84, %dma_start3A_110] : memref<50x100xi32, #tpu.memory_space<vmem>> -> memref<1x100xi32, #tpu.memory_space<vmem>>
        %dma_start3A_112 = tpu.memref_squeeze %dma_start3A_111 : memref<1x100xi32, #tpu.memory_space<vmem>> -> memref<100xi32, #tpu.memory_space<vmem>>
        %dma_start3A_113 = arith.constant 0 : i32
        %dma_start3A_114 = arith.constant 0 : i32
        %dma_start3A_115 = tpu.memref_slice %arg6[%dma_start3A_113, %dma_start3A_114] : memref<10000x128xf32, #tpu.memory_space<vmem_shared>> -> memref<10000x128xf32, #tpu.memory_space<vmem_shared>>
        tpu.enqueue_indirect_dma source(%arg8 : memref<100x128xf32, #tpu.memory_space<vmem>>) target(%dma_start3A_115 : memref<10000x128xf32, #tpu.memory_space<vmem_shared>>) offsets(%dma_start3A_112 : memref<100xi32, #tpu.memory_space<vmem>>) semaphore(%run_scoped3A_109 : memref<!tpu.dma_semaphore, #tpu.memory_space<semaphore_mem>>) {add = true}
        %dma_wait3A_116 = arith.constant 0 : i32
        %dma_wait3A_117 = tpu.memref_slice %arg9[%add3A_84, %dma_wait3A_116] : memref<50x100xi32, #tpu.memory_space<vmem>> -> memref<1x100xi32, #tpu.memory_space<vmem>>
        %dma_wait3A_118 = tpu.memref_squeeze %dma_wait3A_117 : memref<1x100xi32, #tpu.memory_space<vmem>> -> memref<100xi32, #tpu.memory_space<vmem>>
        %dma_wait3A_119 = arith.constant 0 : i32
        %dma_wait3A_120 = arith.constant 0 : i32
        %dma_wait3A_121 = tpu.memref_slice %arg6[%dma_wait3A_119, %dma_wait3A_120] : memref<10000x128xf32, #tpu.memory_space<vmem_shared>> -> memref<10000x128xf32, #tpu.memory_space<vmem_shared>>
        tpu.wait_indirect_dma semaphore(%run_scoped3A_109 : memref<!tpu.dma_semaphore, #tpu.memory_space<semaphore_mem>>) src(%arg8 : memref<100x128xf32, #tpu.memory_space<vmem>>) dst(%dma_wait3A_121 : memref<10000x128xf32, #tpu.memory_space<vmem_shared>>)
        tpu.yield
      }) : () -> ()
      %scan3A_108 = arith.constant 0 : i32
      scf.yield %scan3A_108 : i32
    }
    %scan3A_57 = arith.constant 25 : i32
    %run_scoped3A = arith.constant 1 : i32
    "tpu.region"() ({
      %run_scoped3A_79 = tpu.sem_alloc : memref<!tpu.dma_semaphore, #tpu.memory_space<semaphore_mem>>
      %dma_start3A_80 = arith.constant 0 : i32
      %dma_start3A_81 = arith.constant 0 : i32
      %dma_start3A_82 = tpu.memref_slice %arg2[%add3A, %run_scoped3A, %dma_start3A_80, %dma_start3A_81] : memref<32x2x50x100xi32, #tpu.memory_space<hbm>> -> memref<1x1x50x100xi32, #tpu.memory_space<hbm>>
      %dma_start3A_83 = tpu.memref_squeeze %dma_start3A_82 : memref<1x1x50x100xi32, #tpu.memory_space<hbm>> -> memref<50x100xi32, #tpu.memory_space<hbm>>
      %dma_start3A_84 = arith.constant 0 : i32
      %dma_start3A_85 = arith.constant 0 : i32
      %dma_start3A_86 = tpu.memref_slice %arg2[%add3A, %run_scoped3A, %dma_start3A_84, %dma_start3A_85] : memref<32x2x50x100xi32, #tpu.memory_space<hbm>> -> memref<1x1x50x100xi32, #tpu.memory_space<hbm>>
      %dma_start3A_87 = tpu.memref_squeeze %dma_start3A_86 : memref<1x1x50x100xi32, #tpu.memory_space<hbm>> -> memref<50x100xi32, #tpu.memory_space<hbm>>
      tpu.enqueue_dma source(%dma_start3A_87 : memref<50x100xi32, #tpu.memory_space<hbm>>) target(%arg12 : memref<50x100xi32, #tpu.memory_space<vmem>>) target_semaphore(%run_scoped3A_79 : memref<!tpu.dma_semaphore, #tpu.memory_space<semaphore_mem>>)
      %dma_wait3A_88 = arith.constant 0 : i32
      %dma_wait3A_89 = arith.constant 0 : i32
      %dma_wait3A_90 = tpu.memref_slice %arg2[%add3A, %run_scoped3A, %dma_wait3A_88, %dma_wait3A_89] : memref<32x2x50x100xi32, #tpu.memory_space<hbm>> -> memref<1x1x50x100xi32, #tpu.memory_space<hbm>>
      %dma_wait3A_91 = tpu.memref_squeeze %dma_wait3A_90 : memref<1x1x50x100xi32, #tpu.memory_space<hbm>> -> memref<50x100xi32, #tpu.memory_space<hbm>>
      %dma_wait3A_92 = arith.constant 0 : i32
      %dma_wait3A_93 = arith.constant 0 : i32
      %dma_wait3A_94 = tpu.memref_slice %arg2[%add3A, %run_scoped3A, %dma_wait3A_92, %dma_wait3A_93] : memref<32x2x50x100xi32, #tpu.memory_space<hbm>> -> memref<1x1x50x100xi32, #tpu.memory_space<hbm>>
      %dma_wait3A_95 = tpu.memref_squeeze %dma_wait3A_94 : memref<1x1x50x100xi32, #tpu.memory_space<hbm>> -> memref<50x100xi32, #tpu.memory_space<hbm>>
      tpu.wait_dma2 semaphore(%run_scoped3A_79 : memref<!tpu.dma_semaphore, #tpu.memory_space<semaphore_mem>>) src(%dma_wait3A_95 : memref<50x100xi32, #tpu.memory_space<hbm>>) dst(%arg12 : memref<50x100xi32, #tpu.memory_space<vmem>>)
      tpu.yield
    }) : () -> ()
    %run_scoped3A_58 = arith.constant 1 : i32
    "tpu.region"() ({
      %run_scoped3A_79 = tpu.sem_alloc : memref<!tpu.dma_semaphore, #tpu.memory_space<semaphore_mem>>
      %dma_start3A_80 = arith.constant 0 : i32
      %dma_start3A_81 = arith.constant 0 : i32
      %dma_start3A_82 = tpu.memref_slice %arg3[%add3A, %run_scoped3A_58, %dma_start3A_80, %dma_start3A_81] : memref<32x2x50x100xi32, #tpu.memory_space<hbm>> -> memref<1x1x50x100xi32, #tpu.memory_space<hbm>>
      %dma_start3A_83 = tpu.memref_squeeze %dma_start3A_82 : memref<1x1x50x100xi32, #tpu.memory_space<hbm>> -> memref<50x100xi32, #tpu.memory_space<hbm>>
      %dma_start3A_84 = arith.constant 0 : i32
      %dma_start3A_85 = arith.constant 0 : i32
      %dma_start3A_86 = tpu.memref_slice %arg3[%add3A, %run_scoped3A_58, %dma_start3A_84, %dma_start3A_85] : memref<32x2x50x100xi32, #tpu.memory_space<hbm>> -> memref<1x1x50x100xi32, #tpu.memory_space<hbm>>
      %dma_start3A_87 = tpu.memref_squeeze %dma_start3A_86 : memref<1x1x50x100xi32, #tpu.memory_space<hbm>> -> memref<50x100xi32, #tpu.memory_space<hbm>>
      tpu.enqueue_dma source(%dma_start3A_87 : memref<50x100xi32, #tpu.memory_space<hbm>>) target(%arg9 : memref<50x100xi32, #tpu.memory_space<vmem>>) target_semaphore(%run_scoped3A_79 : memref<!tpu.dma_semaphore, #tpu.memory_space<semaphore_mem>>)
      %dma_wait3A_88 = arith.constant 0 : i32
      %dma_wait3A_89 = arith.constant 0 : i32
      %dma_wait3A_90 = tpu.memref_slice %arg3[%add3A, %run_scoped3A_58, %dma_wait3A_88, %dma_wait3A_89] : memref<32x2x50x100xi32, #tpu.memory_space<hbm>> -> memref<1x1x50x100xi32, #tpu.memory_space<hbm>>
      %dma_wait3A_91 = tpu.memref_squeeze %dma_wait3A_90 : memref<1x1x50x100xi32, #tpu.memory_space<hbm>> -> memref<50x100xi32, #tpu.memory_space<hbm>>
      %dma_wait3A_92 = arith.constant 0 : i32
      %dma_wait3A_93 = arith.constant 0 : i32
      %dma_wait3A_94 = tpu.memref_slice %arg3[%add3A, %run_scoped3A_58, %dma_wait3A_92, %dma_wait3A_93] : memref<32x2x50x100xi32, #tpu.memory_space<hbm>> -> memref<1x1x50x100xi32, #tpu.memory_space<hbm>>
      %dma_wait3A_95 = tpu.memref_squeeze %dma_wait3A_94 : memref<1x1x50x100xi32, #tpu.memory_space<hbm>> -> memref<50x100xi32, #tpu.memory_space<hbm>>
      tpu.wait_dma2 semaphore(%run_scoped3A_79 : memref<!tpu.dma_semaphore, #tpu.memory_space<semaphore_mem>>) src(%dma_wait3A_95 : memref<50x100xi32, #tpu.memory_space<hbm>>) dst(%arg9 : memref<50x100xi32, #tpu.memory_space<vmem>>)
      tpu.yield
    }) : () -> ()
    %dma_start3A_59 = arith.constant 0 : i32
    %dma_start3A_60 = arith.constant 0 : i32
    %dma_start3A_61 = tpu.memref_slice %arg12[%dma_start3A_59, %dma_start3A_60] : memref<50x100xi32, #tpu.memory_space<vmem>> -> memref<1x100xi32, #tpu.memory_space<vmem>>
    %dma_start3A_62 = tpu.memref_squeeze %dma_start3A_61 : memref<1x100xi32, #tpu.memory_space<vmem>> -> memref<100xi32, #tpu.memory_space<vmem>>
    %dma_start3A_63 = arith.constant 0 : i32
    %dma_start3A_64 = arith.constant 0 : i32
    %dma_start3A_65 = tpu.memref_slice %arg4[%dma_start3A_63, %dma_start3A_64] : memref<10000x128xf32, #tpu.memory_space<hbm>> -> memref<10000x128xf32, #tpu.memory_space<hbm>>
    tpu.enqueue_indirect_dma source(%dma_start3A_65 : memref<10000x128xf32, #tpu.memory_space<hbm>>) target(%arg7 : memref<100x128xf32, #tpu.memory_space<vmem>>) offsets(%dma_start3A_62 : memref<100xi32, #tpu.memory_space<vmem>>) semaphore(%arg10 : memref<!tpu.dma_semaphore, #tpu.memory_space<semaphore_mem>>)
    %scan3A_66 = arith.constant 0 : i32
    %scan3A_67 = arith.constant 0 : i32
    %scan3A_68 = arith.constant 25 : i32
    %scan3A_69 = arith.addi %scan3A_67, %scan3A_68 : i32
    %scan3A_70 = arith.constant 1 : i32
    %scan3A_71 = scf.for %scan3A_79 = %scan3A_67 to %scan3A_69 step %scan3A_70 iter_args(%scan3A_80 = %scan3A_66) -> (i32)  : i32 {
      %mul3A_81 = arith.constant 2 : i32
      %mul3A_82 = arith.muli %scan3A_79, %mul3A_81 : i32
      %add3A_83 = arith.constant 1 : i32
      %add3A_84 = arith.addi %mul3A_82, %add3A_83 : i32
      %dma_start3A_85 = arith.constant 0 : i32
      %dma_start3A_86 = tpu.memref_slice %arg12[%add3A_84, %dma_start3A_85] : memref<50x100xi32, #tpu.memory_space<vmem>> -> memref<1x100xi32, #tpu.memory_space<vmem>>
      %dma_start3A_87 = tpu.memref_squeeze %dma_start3A_86 : memref<1x100xi32, #tpu.memory_space<vmem>> -> memref<100xi32, #tpu.memory_space<vmem>>
      %dma_start3A_88 = arith.constant 0 : i32
      %dma_start3A_89 = arith.constant 0 : i32
      %dma_start3A_90 = tpu.memref_slice %arg4[%dma_start3A_88, %dma_start3A_89] : memref<10000x128xf32, #tpu.memory_space<hbm>> -> memref<10000x128xf32, #tpu.memory_space<hbm>>
      tpu.enqueue_indirect_dma source(%dma_start3A_90 : memref<10000x128xf32, #tpu.memory_space<hbm>>) target(%arg8 : memref<100x128xf32, #tpu.memory_space<vmem>>) offsets(%dma_start3A_87 : memref<100xi32, #tpu.memory_space<vmem>>) semaphore(%arg11 : memref<!tpu.dma_semaphore, #tpu.memory_space<semaphore_mem>>)
      %dma_wait3A_91 = arith.constant 0 : i32
      %dma_wait3A_92 = tpu.memref_slice %arg12[%mul3A_82, %dma_wait3A_91] : memref<50x100xi32, #tpu.memory_space<vmem>> -> memref<1x100xi32, #tpu.memory_space<vmem>>
      %dma_wait3A_93 = tpu.memref_squeeze %dma_wait3A_92 : memref<1x100xi32, #tpu.memory_space<vmem>> -> memref<100xi32, #tpu.memory_space<vmem>>
      %dma_wait3A_94 = arith.constant 0 : i32
      %dma_wait3A_95 = arith.constant 0 : i32
      %dma_wait3A_96 = tpu.memref_slice %arg4[%dma_wait3A_94, %dma_wait3A_95] : memref<10000x128xf32, #tpu.memory_space<hbm>> -> memref<10000x128xf32, #tpu.memory_space<hbm>>
      tpu.wait_indirect_dma semaphore(%arg10 : memref<!tpu.dma_semaphore, #tpu.memory_space<semaphore_mem>>) src(%dma_wait3A_96 : memref<10000x128xf32, #tpu.memory_space<hbm>>) dst(%arg7 : memref<100x128xf32, #tpu.memory_space<vmem>>)
      "tpu.region"() ({
        %run_scoped3A_109 = tpu.sem_alloc : memref<!tpu.dma_semaphore, #tpu.memory_space<semaphore_mem>>
        %dma_start3A_110 = arith.constant 0 : i32
        %dma_start3A_111 = tpu.memref_slice %arg9[%mul3A_82, %dma_start3A_110] : memref<50x100xi32, #tpu.memory_space<vmem>> -> memref<1x100xi32, #tpu.memory_space<vmem>>
        %dma_start3A_112 = tpu.memref_squeeze %dma_start3A_111 : memref<1x100xi32, #tpu.memory_space<vmem>> -> memref<100xi32, #tpu.memory_space<vmem>>
        %dma_start3A_113 = arith.constant 0 : i32
        %dma_start3A_114 = arith.constant 0 : i32
        %dma_start3A_115 = tpu.memref_slice %arg6[%dma_start3A_113, %dma_start3A_114] : memref<10000x128xf32, #tpu.memory_space<vmem_shared>> -> memref<10000x128xf32, #tpu.memory_space<vmem_shared>>
        tpu.enqueue_indirect_dma source(%arg7 : memref<100x128xf32, #tpu.memory_space<vmem>>) target(%dma_start3A_115 : memref<10000x128xf32, #tpu.memory_space<vmem_shared>>) offsets(%dma_start3A_112 : memref<100xi32, #tpu.memory_space<vmem>>) semaphore(%run_scoped3A_109 : memref<!tpu.dma_semaphore, #tpu.memory_space<semaphore_mem>>) {add = true}
        %dma_wait3A_116 = arith.constant 0 : i32
        %dma_wait3A_117 = tpu.memref_slice %arg9[%mul3A_82, %dma_wait3A_116] : memref<50x100xi32, #tpu.memory_space<vmem>> -> memref<1x100xi32, #tpu.memory_space<vmem>>
        %dma_wait3A_118 = tpu.memref_squeeze %dma_wait3A_117 : memref<1x100xi32, #tpu.memory_space<vmem>> -> memref<100xi32, #tpu.memory_space<vmem>>
        %dma_wait3A_119 = arith.constant 0 : i32
        %dma_wait3A_120 = arith.constant 0 : i32
        %dma_wait3A_121 = tpu.memref_slice %arg6[%dma_wait3A_119, %dma_wait3A_120] : memref<10000x128xf32, #tpu.memory_space<vmem_shared>> -> memref<10000x128xf32, #tpu.memory_space<vmem_shared>>
        tpu.wait_indirect_dma semaphore(%run_scoped3A_109 : memref<!tpu.dma_semaphore, #tpu.memory_space<semaphore_mem>>) src(%arg7 : memref<100x128xf32, #tpu.memory_space<vmem>>) dst(%dma_wait3A_121 : memref<10000x128xf32, #tpu.memory_space<vmem_shared>>)
        tpu.yield
      }) : () -> ()
      %lt3A_97 = arith.constant 24 : i32
      %lt3A_98 = arith.cmpi slt, %scan3A_79, %lt3A_97 : i32
      %convert_element_type3A_99 = arith.extui %lt3A_98 : i1 to i32
      %cond3A_100 = arith.constant 0 : i32
      %cond3A_101 = arith.cmpi ne, %convert_element_type3A_99, %cond3A_100 : i32
      scf.if %cond3A_101 {
        %add3A_109 = arith.constant 2 : i32
        %add3A_110 = arith.addi %mul3A_82, %add3A_109 : i32
        %dma_start3A_111 = arith.constant 0 : i32
        %dma_start3A_112 = tpu.memref_slice %arg12[%add3A_110, %dma_start3A_111] : memref<50x100xi32, #tpu.memory_space<vmem>> -> memref<1x100xi32, #tpu.memory_space<vmem>>
        %dma_start3A_113 = tpu.memref_squeeze %dma_start3A_112 : memref<1x100xi32, #tpu.memory_space<vmem>> -> memref<100xi32, #tpu.memory_space<vmem>>
        %dma_start3A_114 = arith.constant 0 : i32
        %dma_start3A_115 = arith.constant 0 : i32
        %dma_start3A_116 = tpu.memref_slice %arg4[%dma_start3A_114, %dma_start3A_115] : memref<10000x128xf32, #tpu.memory_space<hbm>> -> memref<10000x128xf32, #tpu.memory_space<hbm>>
        tpu.enqueue_indirect_dma source(%dma_start3A_116 : memref<10000x128xf32, #tpu.memory_space<hbm>>) target(%arg7 : memref<100x128xf32, #tpu.memory_space<vmem>>) offsets(%dma_start3A_113 : memref<100xi32, #tpu.memory_space<vmem>>) semaphore(%arg10 : memref<!tpu.dma_semaphore, #tpu.memory_space<semaphore_mem>>)
      } else {
      }
      %dma_wait3A_102 = arith.constant 0 : i32
      %dma_wait3A_103 = tpu.memref_slice %arg12[%add3A_84, %dma_wait3A_102] : memref<50x100xi32, #tpu.memory_space<vmem>> -> memref<1x100xi32, #tpu.memory_space<vmem>>
      %dma_wait3A_104 = tpu.memref_squeeze %dma_wait3A_103 : memref<1x100xi32, #tpu.memory_space<vmem>> -> memref<100xi32, #tpu.memory_space<vmem>>
      %dma_wait3A_105 = arith.constant 0 : i32
      %dma_wait3A_106 = arith.constant 0 : i32
      %dma_wait3A_107 = tpu.memref_slice %arg4[%dma_wait3A_105, %dma_wait3A_106] : memref<10000x128xf32, #tpu.memory_space<hbm>> -> memref<10000x128xf32, #tpu.memory_space<hbm>>
      tpu.wait_indirect_dma semaphore(%arg11 : memref<!tpu.dma_semaphore, #tpu.memory_space<semaphore_mem>>) src(%dma_wait3A_107 : memref<10000x128xf32, #tpu.memory_space<hbm>>) dst(%arg8 : memref<100x128xf32, #tpu.memory_space<vmem>>)
      "tpu.region"() ({
        %run_scoped3A_109 = tpu.sem_alloc : memref<!tpu.dma_semaphore, #tpu.memory_space<semaphore_mem>>
        %dma_start3A_110 = arith.constant 0 : i32
        %dma_start3A_111 = tpu.memref_slice %arg9[%add3A_84, %dma_start3A_110] : memref<50x100xi32, #tpu.memory_space<vmem>> -> memref<1x100xi32, #tpu.memory_space<vmem>>
        %dma_start3A_112 = tpu.memref_squeeze %dma_start3A_111 : memref<1x100xi32, #tpu.memory_space<vmem>> -> memref<100xi32, #tpu.memory_space<vmem>>
        %dma_start3A_113 = arith.constant 0 : i32
        %dma_start3A_114 = arith.constant 0 : i32
        %dma_start3A_115 = tpu.memref_slice %arg6[%dma_start3A_113, %dma_start3A_114] : memref<10000x128xf32, #tpu.memory_space<vmem_shared>> -> memref<10000x128xf32, #tpu.memory_space<vmem_shared>>
        tpu.enqueue_indirect_dma source(%arg8 : memref<100x128xf32, #tpu.memory_space<vmem>>) target(%dma_start3A_115 : memref<10000x128xf32, #tpu.memory_space<vmem_shared>>) offsets(%dma_start3A_112 : memref<100xi32, #tpu.memory_space<vmem>>) semaphore(%run_scoped3A_109 : memref<!tpu.dma_semaphore, #tpu.memory_space<semaphore_mem>>) {add = true}
        %dma_wait3A_116 = arith.constant 0 : i32
        %dma_wait3A_117 = tpu.memref_slice %arg9[%add3A_84, %dma_wait3A_116] : memref<50x100xi32, #tpu.memory_space<vmem>> -> memref<1x100xi32, #tpu.memory_space<vmem>>
        %dma_wait3A_118 = tpu.memref_squeeze %dma_wait3A_117 : memref<1x100xi32, #tpu.memory_space<vmem>> -> memref<100xi32, #tpu.memory_space<vmem>>
        %dma_wait3A_119 = arith.constant 0 : i32
        %dma_wait3A_120 = arith.constant 0 : i32
        %dma_wait3A_121 = tpu.memref_slice %arg6[%dma_wait3A_119, %dma_wait3A_120] : memref<10000x128xf32, #tpu.memory_space<vmem_shared>> -> memref<10000x128xf32, #tpu.memory_space<vmem_shared>>
        tpu.wait_indirect_dma semaphore(%run_scoped3A_109 : memref<!tpu.dma_semaphore, #tpu.memory_space<semaphore_mem>>) src(%arg8 : memref<100x128xf32, #tpu.memory_space<vmem>>) dst(%dma_wait3A_121 : memref<10000x128xf32, #tpu.memory_space<vmem_shared>>)
        tpu.yield
      }) : () -> ()
      %scan3A_108 = arith.constant 0 : i32
      scf.yield %scan3A_108 : i32
    }
    %scan3A_72 = arith.constant 25 : i32
    %barrier3A_73 = arith.constant 0 : index
    tpu.barrier barrier_id(%barrier3A_73)
    %lt3A_74 = arith.constant 10 : i32
    %lt3A_75 = arith.cmpi slt, %arg1, %lt3A_74 : i32
    %convert_element_type3A_76 = arith.extui %lt3A_75 : i1 to i32
    %cond3A_77 = arith.constant 0 : i32
    %cond3A_78 = arith.cmpi ne, %convert_element_type3A_76, %cond3A_77 : i32
    scf.if %cond3A_78 {
      %mul3A_79 = arith.constant 1000 : i32
      %mul3A_80 = arith.muli %arg1, %mul3A_79 : i32
      %multiple_of3A = tpu.assume_multiple %mul3A_80, 8 : i32
      %add3A_81 = arith.constant 0 : i32
      %add3A_82 = arith.addi %multiple_of3A, %add3A_81 : i32
      %multiple_of3A_83 = tpu.assume_multiple %add3A_82, 8 : i32
      %dma_start3A_84 = arith.constant 0 : i32
      %dma_start3A_85 = arith.constant 0 : i32
      %dma_start3A_86 = tpu.memref_slice %arg7[%dma_start3A_84, %dma_start3A_85] : memref<100x128xf32, #tpu.memory_space<vmem>> -> memref<96x128xf32, #tpu.memory_space<vmem>>
      %dma_start3A_87 = arith.constant 0 : i32
      %dma_start3A_88 = tpu.memref_slice %arg6[%multiple_of3A_83, %dma_start3A_87] : memref<10000x128xf32, #tpu.memory_space<vmem_shared>> -> memref<96x128xf32, #tpu.memory_space<vmem_shared>>
      %dma_start3A_89 = arith.constant 0 : i32
      %dma_start3A_90 = arith.constant 0 : i32
      %dma_start3A_91 = tpu.memref_slice %arg7[%dma_start3A_89, %dma_start3A_90] : memref<100x128xf32, #tpu.memory_space<vmem>> -> memref<96x128xf32, #tpu.memory_space<vmem>>
      %dma_start3A_92 = arith.constant 0 : i32
      %dma_start3A_93 = tpu.memref_slice %arg6[%multiple_of3A_83, %dma_start3A_92] : memref<10000x128xf32, #tpu.memory_space<vmem_shared>> -> memref<96x128xf32, #tpu.memory_space<vmem_shared>>
      tpu.enqueue_dma source(%dma_start3A_93 : memref<96x128xf32, #tpu.memory_space<vmem_shared>>) target(%dma_start3A_91 : memref<96x128xf32, #tpu.memory_space<vmem>>) target_semaphore(%arg10 : memref<!tpu.dma_semaphore, #tpu.memory_space<semaphore_mem>>)
      %add3A_94 = arith.constant 96 : i32
      %add3A_95 = arith.addi %multiple_of3A, %add3A_94 : i32
      %multiple_of3A_96 = tpu.assume_multiple %add3A_95, 8 : i32
      %dma_start3A_97 = arith.constant 0 : i32
      %dma_start3A_98 = arith.constant 0 : i32
      %dma_start3A_99 = tpu.memref_slice %arg8[%dma_start3A_97, %dma_start3A_98] : memref<100x128xf32, #tpu.memory_space<vmem>> -> memref<96x128xf32, #tpu.memory_space<vmem>>
      %dma_start3A_100 = arith.constant 0 : i32
      %dma_start3A_101 = tpu.memref_slice %arg6[%multiple_of3A_96, %dma_start3A_100] : memref<10000x128xf32, #tpu.memory_space<vmem_shared>> -> memref<96x128xf32, #tpu.memory_space<vmem_shared>>
      %dma_start3A_102 = arith.constant 0 : i32
      %dma_start3A_103 = arith.constant 0 : i32
      %dma_start3A_104 = tpu.memref_slice %arg8[%dma_start3A_102, %dma_start3A_103] : memref<100x128xf32, #tpu.memory_space<vmem>> -> memref<96x128xf32, #tpu.memory_space<vmem>>
      %dma_start3A_105 = arith.constant 0 : i32
      %dma_start3A_106 = tpu.memref_slice %arg6[%multiple_of3A_96, %dma_start3A_105] : memref<10000x128xf32, #tpu.memory_space<vmem_shared>> -> memref<96x128xf32, #tpu.memory_space<vmem_shared>>
      tpu.enqueue_dma source(%dma_start3A_106 : memref<96x128xf32, #tpu.memory_space<vmem_shared>>) target(%dma_start3A_104 : memref<96x128xf32, #tpu.memory_space<vmem>>) target_semaphore(%arg11 : memref<!tpu.dma_semaphore, #tpu.memory_space<semaphore_mem>>)
      %add3A_107 = arith.constant 0 : i32
      %add3A_108 = arith.addi %multiple_of3A, %add3A_107 : i32
      %multiple_of3A_109 = tpu.assume_multiple %add3A_108, 8 : i32
      %add3A_110 = arith.constant 0 : i32
      %add3A_111 = arith.addi %multiple_of3A, %add3A_110 : i32
      %multiple_of3A_112 = tpu.assume_multiple %add3A_111, 8 : i32
      %dma_wait3A_113 = arith.constant 0 : i32
      %dma_wait3A_114 = arith.constant 0 : i32
      %dma_wait3A_115 = tpu.memref_slice %arg7[%dma_wait3A_113, %dma_wait3A_114] : memref<100x128xf32, #tpu.memory_space<vmem>> -> memref<96x128xf32, #tpu.memory_space<vmem>>
      %dma_wait3A_116 = arith.constant 0 : i32
      %dma_wait3A_117 = tpu.memref_slice %arg6[%multiple_of3A_112, %dma_wait3A_116] : memref<10000x128xf32, #tpu.memory_space<vmem_shared>> -> memref<96x128xf32, #tpu.memory_space<vmem_shared>>
      %dma_wait3A_118 = arith.constant 0 : i32
      %dma_wait3A_119 = arith.constant 0 : i32
      %dma_wait3A_120 = tpu.memref_slice %arg7[%dma_wait3A_118, %dma_wait3A_119] : memref<100x128xf32, #tpu.memory_space<vmem>> -> memref<96x128xf32, #tpu.memory_space<vmem>>
      %dma_wait3A_121 = arith.constant 0 : i32
      %dma_wait3A_122 = tpu.memref_slice %arg6[%multiple_of3A_112, %dma_wait3A_121] : memref<10000x128xf32, #tpu.memory_space<vmem_shared>> -> memref<96x128xf32, #tpu.memory_space<vmem_shared>>
      tpu.wait_dma2 semaphore(%arg10 : memref<!tpu.dma_semaphore, #tpu.memory_space<semaphore_mem>>) src(%dma_wait3A_122 : memref<96x128xf32, #tpu.memory_space<vmem_shared>>) dst(%dma_wait3A_120 : memref<96x128xf32, #tpu.memory_space<vmem>>)
      "tpu.region"() ({
        %run_scoped3A_400 = tpu.sem_alloc : memref<!tpu.dma_semaphore, #tpu.memory_space<semaphore_mem>>
        %dma_start3A_401 = arith.constant 0 : i32
        %dma_start3A_402 = arith.constant 0 : i32
        %dma_start3A_403 = tpu.memref_slice %arg7[%dma_start3A_401, %dma_start3A_402] : memref<100x128xf32, #tpu.memory_space<vmem>> -> memref<96x128xf32, #tpu.memory_space<vmem>>
        %dma_start3A_404 = arith.constant 0 : i32
        %dma_start3A_405 = tpu.memref_slice %arg5[%arg0, %multiple_of3A_109, %dma_start3A_404] : memref<2x10000x128xf32, #tpu.memory_space<hbm>> -> memref<1x96x128xf32, #tpu.memory_space<hbm>>
        %dma_start3A_406 = tpu.memref_squeeze %dma_start3A_405 : memref<1x96x128xf32, #tpu.memory_space<hbm>> -> memref<96x128xf32, #tpu.memory_space<hbm>>
        %dma_start3A_407 = arith.constant 0 : i32
        %dma_start3A_408 = tpu.memref_slice %arg5[%arg0, %multiple_of3A_109, %dma_start3A_407] : memref<2x10000x128xf32, #tpu.memory_space<hbm>> -> memref<1x96x128xf32, #tpu.memory_space<hbm>>
        %dma_start3A_409 = tpu.memref_squeeze %dma_start3A_408 : memref<1x96x128xf32, #tpu.memory_space<hbm>> -> memref<96x128xf32, #tpu.memory_space<hbm>>
        %dma_start3A_410 = arith.constant 0 : i32
        %dma_start3A_411 = arith.constant 0 : i32
        %dma_start3A_412 = tpu.memref_slice %arg7[%dma_start3A_410, %dma_start3A_411] : memref<100x128xf32, #tpu.memory_space<vmem>> -> memref<96x128xf32, #tpu.memory_space<vmem>>
        tpu.enqueue_dma source(%dma_start3A_412 : memref<96x128xf32, #tpu.memory_space<vmem>>) target(%dma_start3A_409 : memref<96x128xf32, #tpu.memory_space<hbm>>) target_semaphore(%run_scoped3A_400 : memref<!tpu.dma_semaphore, #tpu.memory_space<semaphore_mem>>)
        %dma_wait3A_413 = arith.constant 0 : i32
        %dma_wait3A_414 = arith.constant 0 : i32
        %dma_wait3A_415 = tpu.memref_slice %arg7[%dma_wait3A_413, %dma_wait3A_414] : memref<100x128xf32, #tpu.memory_space<vmem>> -> memref<96x128xf32, #tpu.memory_space<vmem>>
        %dma_wait3A_416 = arith.constant 0 : i32
        %dma_wait3A_417 = tpu.memref_slice %arg5[%arg0, %multiple_of3A_109, %dma_wait3A_416] : memref<2x10000x128xf32, #tpu.memory_space<hbm>> -> memref<1x96x128xf32, #tpu.memory_space<hbm>>
        %dma_wait3A_418 = tpu.memref_squeeze %dma_wait3A_417 : memref<1x96x128xf32, #tpu.memory_space<hbm>> -> memref<96x128xf32, #tpu.memory_space<hbm>>
        %dma_wait3A_419 = arith.constant 0 : i32
        %dma_wait3A_420 = tpu.memref_slice %arg5[%arg0, %multiple_of3A_109, %dma_wait3A_419] : memref<2x10000x128xf32, #tpu.memory_space<hbm>> -> memref<1x96x128xf32, #tpu.memory_space<hbm>>
        %dma_wait3A_421 = tpu.memref_squeeze %dma_wait3A_420 : memref<1x96x128xf32, #tpu.memory_space<hbm>> -> memref<96x128xf32, #tpu.memory_space<hbm>>
        %dma_wait3A_422 = arith.constant 0 : i32
        %dma_wait3A_423 = arith.constant 0 : i32
        %dma_wait3A_424 = tpu.memref_slice %arg7[%dma_wait3A_422, %dma_wait3A_423] : memref<100x128xf32, #tpu.memory_space<vmem>> -> memref<96x128xf32, #tpu.memory_space<vmem>>
        tpu.wait_dma2 semaphore(%run_scoped3A_400 : memref<!tpu.dma_semaphore, #tpu.memory_space<semaphore_mem>>) src(%dma_wait3A_424 : memref<96x128xf32, #tpu.memory_space<vmem>>) dst(%dma_wait3A_421 : memref<96x128xf32, #tpu.memory_space<hbm>>)
        tpu.yield
      }) : () -> ()
      %add3A_123 = arith.constant 192 : i32
      %add3A_124 = arith.addi %multiple_of3A, %add3A_123 : i32
      %multiple_of3A_125 = tpu.assume_multiple %add3A_124, 8 : i32
      %dma_start3A_126 = arith.constant 0 : i32
      %dma_start3A_127 = arith.constant 0 : i32
      %dma_start3A_128 = tpu.memref_slice %arg7[%dma_start3A_126, %dma_start3A_127] : memref<100x128xf32, #tpu.memory_space<vmem>> -> memref<96x128xf32, #tpu.memory_space<vmem>>
      %dma_start3A_129 = arith.constant 0 : i32
      %dma_start3A_130 = tpu.memref_slice %arg6[%multiple_of3A_125, %dma_start3A_129] : memref<10000x128xf32, #tpu.memory_space<vmem_shared>> -> memref<96x128xf32, #tpu.memory_space<vmem_shared>>
      %dma_start3A_131 = arith.constant 0 : i32
      %dma_start3A_132 = arith.constant 0 : i32
      %dma_start3A_133 = tpu.memref_slice %arg7[%dma_start3A_131, %dma_start3A_132] : memref<100x128xf32, #tpu.memory_space<vmem>> -> memref<96x128xf32, #tpu.memory_space<vmem>>
      %dma_start3A_134 = arith.constant 0 : i32
      %dma_start3A_135 = tpu.memref_slice %arg6[%multiple_of3A_125, %dma_start3A_134] : memref<10000x128xf32, #tpu.memory_space<vmem_shared>> -> memref<96x128xf32, #tpu.memory_space<vmem_shared>>
      tpu.enqueue_dma source(%dma_start3A_135 : memref<96x128xf32, #tpu.memory_space<vmem_shared>>) target(%dma_start3A_133 : memref<96x128xf32, #tpu.memory_space<vmem>>) target_semaphore(%arg10 : memref<!tpu.dma_semaphore, #tpu.memory_space<semaphore_mem>>)
      %add3A_136 = arith.constant 96 : i32
      %add3A_137 = arith.addi %multiple_of3A, %add3A_136 : i32
      %multiple_of3A_138 = tpu.assume_multiple %add3A_137, 8 : i32
      %add3A_139 = arith.constant 96 : i32
      %add3A_140 = arith.addi %multiple_of3A, %add3A_139 : i32
      %multiple_of3A_141 = tpu.assume_multiple %add3A_140, 8 : i32
      %dma_wait3A_142 = arith.constant 0 : i32
      %dma_wait3A_143 = arith.constant 0 : i32
      %dma_wait3A_144 = tpu.memref_slice %arg8[%dma_wait3A_142, %dma_wait3A_143] : memref<100x128xf32, #tpu.memory_space<vmem>> -> memref<96x128xf32, #tpu.memory_space<vmem>>
      %dma_wait3A_145 = arith.constant 0 : i32
      %dma_wait3A_146 = tpu.memref_slice %arg6[%multiple_of3A_141, %dma_wait3A_145] : memref<10000x128xf32, #tpu.memory_space<vmem_shared>> -> memref<96x128xf32, #tpu.memory_space<vmem_shared>>
      %dma_wait3A_147 = arith.constant 0 : i32
      %dma_wait3A_148 = arith.constant 0 : i32
      %dma_wait3A_149 = tpu.memref_slice %arg8[%dma_wait3A_147, %dma_wait3A_148] : memref<100x128xf32, #tpu.memory_space<vmem>> -> memref<96x128xf32, #tpu.memory_space<vmem>>
      %dma_wait3A_150 = arith.constant 0 : i32
      %dma_wait3A_151 = tpu.memref_slice %arg6[%multiple_of3A_141, %dma_wait3A_150] : memref<10000x128xf32, #tpu.memory_space<vmem_shared>> -> memref<96x128xf32, #tpu.memory_space<vmem_shared>>
      tpu.wait_dma2 semaphore(%arg11 : memref<!tpu.dma_semaphore, #tpu.memory_space<semaphore_mem>>) src(%dma_wait3A_151 : memref<96x128xf32, #tpu.memory_space<vmem_shared>>) dst(%dma_wait3A_149 : memref<96x128xf32, #tpu.memory_space<vmem>>)
      "tpu.region"() ({
        %run_scoped3A_400 = tpu.sem_alloc : memref<!tpu.dma_semaphore, #tpu.memory_space<semaphore_mem>>
        %dma_start3A_401 = arith.constant 0 : i32
        %dma_start3A_402 = arith.constant 0 : i32
        %dma_start3A_403 = tpu.memref_slice %arg8[%dma_start3A_401, %dma_start3A_402] : memref<100x128xf32, #tpu.memory_space<vmem>> -> memref<96x128xf32, #tpu.memory_space<vmem>>
        %dma_start3A_404 = arith.constant 0 : i32
        %dma_start3A_405 = tpu.memref_slice %arg5[%arg0, %multiple_of3A_138, %dma_start3A_404] : memref<2x10000x128xf32, #tpu.memory_space<hbm>> -> memref<1x96x128xf32, #tpu.memory_space<hbm>>
        %dma_start3A_406 = tpu.memref_squeeze %dma_start3A_405 : memref<1x96x128xf32, #tpu.memory_space<hbm>> -> memref<96x128xf32, #tpu.memory_space<hbm>>
        %dma_start3A_407 = arith.constant 0 : i32
        %dma_start3A_408 = tpu.memref_slice %arg5[%arg0, %multiple_of3A_138, %dma_start3A_407] : memref<2x10000x128xf32, #tpu.memory_space<hbm>> -> memref<1x96x128xf32, #tpu.memory_space<hbm>>
        %dma_start3A_409 = tpu.memref_squeeze %dma_start3A_408 : memref<1x96x128xf32, #tpu.memory_space<hbm>> -> memref<96x128xf32, #tpu.memory_space<hbm>>
        %dma_start3A_410 = arith.constant 0 : i32
        %dma_start3A_411 = arith.constant 0 : i32
        %dma_start3A_412 = tpu.memref_slice %arg8[%dma_start3A_410, %dma_start3A_411] : memref<100x128xf32, #tpu.memory_space<vmem>> -> memref<96x128xf32, #tpu.memory_space<vmem>>
        tpu.enqueue_dma source(%dma_start3A_412 : memref<96x128xf32, #tpu.memory_space<vmem>>) target(%dma_start3A_409 : memref<96x128xf32, #tpu.memory_space<hbm>>) target_semaphore(%run_scoped3A_400 : memref<!tpu.dma_semaphore, #tpu.memory_space<semaphore_mem>>)
        %dma_wait3A_413 = arith.constant 0 : i32
        %dma_wait3A_414 = arith.constant 0 : i32
        %dma_wait3A_415 = tpu.memref_slice %arg8[%dma_wait3A_413, %dma_wait3A_414] : memref<100x128xf32, #tpu.memory_space<vmem>> -> memref<96x128xf32, #tpu.memory_space<vmem>>
        %dma_wait3A_416 = arith.constant 0 : i32
        %dma_wait3A_417 = tpu.memref_slice %arg5[%arg0, %multiple_of3A_138, %dma_wait3A_416] : memref<2x10000x128xf32, #tpu.memory_space<hbm>> -> memref<1x96x128xf32, #tpu.memory_space<hbm>>
        %dma_wait3A_418 = tpu.memref_squeeze %dma_wait3A_417 : memref<1x96x128xf32, #tpu.memory_space<hbm>> -> memref<96x128xf32, #tpu.memory_space<hbm>>
        %dma_wait3A_419 = arith.constant 0 : i32
        %dma_wait3A_420 = tpu.memref_slice %arg5[%arg0, %multiple_of3A_138, %dma_wait3A_419] : memref<2x10000x128xf32, #tpu.memory_space<hbm>> -> memref<1x96x128xf32, #tpu.memory_space<hbm>>
        %dma_wait3A_421 = tpu.memref_squeeze %dma_wait3A_420 : memref<1x96x128xf32, #tpu.memory_space<hbm>> -> memref<96x128xf32, #tpu.memory_space<hbm>>
        %dma_wait3A_422 = arith.constant 0 : i32
        %dma_wait3A_423 = arith.constant 0 : i32
        %dma_wait3A_424 = tpu.memref_slice %arg8[%dma_wait3A_422, %dma_wait3A_423] : memref<100x128xf32, #tpu.memory_space<vmem>> -> memref<96x128xf32, #tpu.memory_space<vmem>>
        tpu.wait_dma2 semaphore(%run_scoped3A_400 : memref<!tpu.dma_semaphore, #tpu.memory_space<semaphore_mem>>) src(%dma_wait3A_424 : memref<96x128xf32, #tpu.memory_space<vmem>>) dst(%dma_wait3A_421 : memref<96x128xf32, #tpu.memory_space<hbm>>)
        tpu.yield
      }) : () -> ()
      %add3A_152 = arith.constant 288 : i32
      %add3A_153 = arith.addi %multiple_of3A, %add3A_152 : i32
      %multiple_of3A_154 = tpu.assume_multiple %add3A_153, 8 : i32
      %dma_start3A_155 = arith.constant 0 : i32
      %dma_start3A_156 = arith.constant 0 : i32
      %dma_start3A_157 = tpu.memref_slice %arg8[%dma_start3A_155, %dma_start3A_156] : memref<100x128xf32, #tpu.memory_space<vmem>> -> memref<96x128xf32, #tpu.memory_space<vmem>>
      %dma_start3A_158 = arith.constant 0 : i32
      %dma_start3A_159 = tpu.memref_slice %arg6[%multiple_of3A_154, %dma_start3A_158] : memref<10000x128xf32, #tpu.memory_space<vmem_shared>> -> memref<96x128xf32, #tpu.memory_space<vmem_shared>>
      %dma_start3A_160 = arith.constant 0 : i32
      %dma_start3A_161 = arith.constant 0 : i32
      %dma_start3A_162 = tpu.memref_slice %arg8[%dma_start3A_160, %dma_start3A_161] : memref<100x128xf32, #tpu.memory_space<vmem>> -> memref<96x128xf32, #tpu.memory_space<vmem>>
      %dma_start3A_163 = arith.constant 0 : i32
      %dma_start3A_164 = tpu.memref_slice %arg6[%multiple_of3A_154, %dma_start3A_163] : memref<10000x128xf32, #tpu.memory_space<vmem_shared>> -> memref<96x128xf32, #tpu.memory_space<vmem_shared>>
      tpu.enqueue_dma source(%dma_start3A_164 : memref<96x128xf32, #tpu.memory_space<vmem_shared>>) target(%dma_start3A_162 : memref<96x128xf32, #tpu.memory_space<vmem>>) target_semaphore(%arg11 : memref<!tpu.dma_semaphore, #tpu.memory_space<semaphore_mem>>)
      %add3A_165 = arith.constant 192 : i32
      %add3A_166 = arith.addi %multiple_of3A, %add3A_165 : i32
      %multiple_of3A_167 = tpu.assume_multiple %add3A_166, 8 : i32
      %add3A_168 = arith.constant 192 : i32
      %add3A_169 = arith.addi %multiple_of3A, %add3A_168 : i32
      %multiple_of3A_170 = tpu.assume_multiple %add3A_169, 8 : i32
      %dma_wait3A_171 = arith.constant 0 : i32
      %dma_wait3A_172 = arith.constant 0 : i32
      %dma_wait3A_173 = tpu.memref_slice %arg7[%dma_wait3A_171, %dma_wait3A_172] : memref<100x128xf32, #tpu.memory_space<vmem>> -> memref<96x128xf32, #tpu.memory_space<vmem>>
      %dma_wait3A_174 = arith.constant 0 : i32
      %dma_wait3A_175 = tpu.memref_slice %arg6[%multiple_of3A_170, %dma_wait3A_174] : memref<10000x128xf32, #tpu.memory_space<vmem_shared>> -> memref<96x128xf32, #tpu.memory_space<vmem_shared>>
      %dma_wait3A_176 = arith.constant 0 : i32
      %dma_wait3A_177 = arith.constant 0 : i32
      %dma_wait3A_178 = tpu.memref_slice %arg7[%dma_wait3A_176, %dma_wait3A_177] : memref<100x128xf32, #tpu.memory_space<vmem>> -> memref<96x128xf32, #tpu.memory_space<vmem>>
      %dma_wait3A_179 = arith.constant 0 : i32
      %dma_wait3A_180 = tpu.memref_slice %arg6[%multiple_of3A_170, %dma_wait3A_179] : memref<10000x128xf32, #tpu.memory_space<vmem_shared>> -> memref<96x128xf32, #tpu.memory_space<vmem_shared>>
      tpu.wait_dma2 semaphore(%arg10 : memref<!tpu.dma_semaphore, #tpu.memory_space<semaphore_mem>>) src(%dma_wait3A_180 : memref<96x128xf32, #tpu.memory_space<vmem_shared>>) dst(%dma_wait3A_178 : memref<96x128xf32, #tpu.memory_space<vmem>>)
      "tpu.region"() ({
        %run_scoped3A_400 = tpu.sem_alloc : memref<!tpu.dma_semaphore, #tpu.memory_space<semaphore_mem>>
        %dma_start3A_401 = arith.constant 0 : i32
        %dma_start3A_402 = arith.constant 0 : i32
        %dma_start3A_403 = tpu.memref_slice %arg7[%dma_start3A_401, %dma_start3A_402] : memref<100x128xf32, #tpu.memory_space<vmem>> -> memref<96x128xf32, #tpu.memory_space<vmem>>
        %dma_start3A_404 = arith.constant 0 : i32
        %dma_start3A_405 = tpu.memref_slice %arg5[%arg0, %multiple_of3A_167, %dma_start3A_404] : memref<2x10000x128xf32, #tpu.memory_space<hbm>> -> memref<1x96x128xf32, #tpu.memory_space<hbm>>
        %dma_start3A_406 = tpu.memref_squeeze %dma_start3A_405 : memref<1x96x128xf32, #tpu.memory_space<hbm>> -> memref<96x128xf32, #tpu.memory_space<hbm>>
        %dma_start3A_407 = arith.constant 0 : i32
        %dma_start3A_408 = tpu.memref_slice %arg5[%arg0, %multiple_of3A_167, %dma_start3A_407] : memref<2x10000x128xf32, #tpu.memory_space<hbm>> -> memref<1x96x128xf32, #tpu.memory_space<hbm>>
        %dma_start3A_409 = tpu.memref_squeeze %dma_start3A_408 : memref<1x96x128xf32, #tpu.memory_space<hbm>> -> memref<96x128xf32, #tpu.memory_space<hbm>>
        %dma_start3A_410 = arith.constant 0 : i32
        %dma_start3A_411 = arith.constant 0 : i32
        %dma_start3A_412 = tpu.memref_slice %arg7[%dma_start3A_410, %dma_start3A_411] : memref<100x128xf32, #tpu.memory_space<vmem>> -> memref<96x128xf32, #tpu.memory_space<vmem>>
        tpu.enqueue_dma source(%dma_start3A_412 : memref<96x128xf32, #tpu.memory_space<vmem>>) target(%dma_start3A_409 : memref<96x128xf32, #tpu.memory_space<hbm>>) target_semaphore(%run_scoped3A_400 : memref<!tpu.dma_semaphore, #tpu.memory_space<semaphore_mem>>)
        %dma_wait3A_413 = arith.constant 0 : i32
        %dma_wait3A_414 = arith.constant 0 : i32
        %dma_wait3A_415 = tpu.memref_slice %arg7[%dma_wait3A_413, %dma_wait3A_414] : memref<100x128xf32, #tpu.memory_space<vmem>> -> memref<96x128xf32, #tpu.memory_space<vmem>>
        %dma_wait3A_416 = arith.constant 0 : i32
        %dma_wait3A_417 = tpu.memref_slice %arg5[%arg0, %multiple_of3A_167, %dma_wait3A_416] : memref<2x10000x128xf32, #tpu.memory_space<hbm>> -> memref<1x96x128xf32, #tpu.memory_space<hbm>>
        %dma_wait3A_418 = tpu.memref_squeeze %dma_wait3A_417 : memref<1x96x128xf32, #tpu.memory_space<hbm>> -> memref<96x128xf32, #tpu.memory_space<hbm>>
        %dma_wait3A_419 = arith.constant 0 : i32
        %dma_wait3A_420 = tpu.memref_slice %arg5[%arg0, %multiple_of3A_167, %dma_wait3A_419] : memref<2x10000x128xf32, #tpu.memory_space<hbm>> -> memref<1x96x128xf32, #tpu.memory_space<hbm>>
        %dma_wait3A_421 = tpu.memref_squeeze %dma_wait3A_420 : memref<1x96x128xf32, #tpu.memory_space<hbm>> -> memref<96x128xf32, #tpu.memory_space<hbm>>
        %dma_wait3A_422 = arith.constant 0 : i32
        %dma_wait3A_423 = arith.constant 0 : i32
        %dma_wait3A_424 = tpu.memref_slice %arg7[%dma_wait3A_422, %dma_wait3A_423] : memref<100x128xf32, #tpu.memory_space<vmem>> -> memref<96x128xf32, #tpu.memory_space<vmem>>
        tpu.wait_dma2 semaphore(%run_scoped3A_400 : memref<!tpu.dma_semaphore, #tpu.memory_space<semaphore_mem>>) src(%dma_wait3A_424 : memref<96x128xf32, #tpu.memory_space<vmem>>) dst(%dma_wait3A_421 : memref<96x128xf32, #tpu.memory_space<hbm>>)
        tpu.yield
      }) : () -> ()
      %add3A_181 = arith.constant 384 : i32
      %add3A_182 = arith.addi %multiple_of3A, %add3A_181 : i32
      %multiple_of3A_183 = tpu.assume_multiple %add3A_182, 8 : i32
      %dma_start3A_184 = arith.constant 0 : i32
      %dma_start3A_185 = arith.constant 0 : i32
      %dma_start3A_186 = tpu.memref_slice %arg7[%dma_start3A_184, %dma_start3A_185] : memref<100x128xf32, #tpu.memory_space<vmem>> -> memref<96x128xf32, #tpu.memory_space<vmem>>
      %dma_start3A_187 = arith.constant 0 : i32
      %dma_start3A_188 = tpu.memref_slice %arg6[%multiple_of3A_183, %dma_start3A_187] : memref<10000x128xf32, #tpu.memory_space<vmem_shared>> -> memref<96x128xf32, #tpu.memory_space<vmem_shared>>
      %dma_start3A_189 = arith.constant 0 : i32
      %dma_start3A_190 = arith.constant 0 : i32
      %dma_start3A_191 = tpu.memref_slice %arg7[%dma_start3A_189, %dma_start3A_190] : memref<100x128xf32, #tpu.memory_space<vmem>> -> memref<96x128xf32, #tpu.memory_space<vmem>>
      %dma_start3A_192 = arith.constant 0 : i32
      %dma_start3A_193 = tpu.memref_slice %arg6[%multiple_of3A_183, %dma_start3A_192] : memref<10000x128xf32, #tpu.memory_space<vmem_shared>> -> memref<96x128xf32, #tpu.memory_space<vmem_shared>>
      tpu.enqueue_dma source(%dma_start3A_193 : memref<96x128xf32, #tpu.memory_space<vmem_shared>>) target(%dma_start3A_191 : memref<96x128xf32, #tpu.memory_space<vmem>>) target_semaphore(%arg10 : memref<!tpu.dma_semaphore, #tpu.memory_space<semaphore_mem>>)
      %add3A_194 = arith.constant 288 : i32
      %add3A_195 = arith.addi %multiple_of3A, %add3A_194 : i32
      %multiple_of3A_196 = tpu.assume_multiple %add3A_195, 8 : i32
      %add3A_197 = arith.constant 288 : i32
      %add3A_198 = arith.addi %multiple_of3A, %add3A_197 : i32
      %multiple_of3A_199 = tpu.assume_multiple %add3A_198, 8 : i32
      %dma_wait3A_200 = arith.constant 0 : i32
      %dma_wait3A_201 = arith.constant 0 : i32
      %dma_wait3A_202 = tpu.memref_slice %arg8[%dma_wait3A_200, %dma_wait3A_201] : memref<100x128xf32, #tpu.memory_space<vmem>> -> memref<96x128xf32, #tpu.memory_space<vmem>>
      %dma_wait3A_203 = arith.constant 0 : i32
      %dma_wait3A_204 = tpu.memref_slice %arg6[%multiple_of3A_199, %dma_wait3A_203] : memref<10000x128xf32, #tpu.memory_space<vmem_shared>> -> memref<96x128xf32, #tpu.memory_space<vmem_shared>>
      %dma_wait3A_205 = arith.constant 0 : i32
      %dma_wait3A_206 = arith.constant 0 : i32
      %dma_wait3A_207 = tpu.memref_slice %arg8[%dma_wait3A_205, %dma_wait3A_206] : memref<100x128xf32, #tpu.memory_space<vmem>> -> memref<96x128xf32, #tpu.memory_space<vmem>>
      %dma_wait3A_208 = arith.constant 0 : i32
      %dma_wait3A_209 = tpu.memref_slice %arg6[%multiple_of3A_199, %dma_wait3A_208] : memref<10000x128xf32, #tpu.memory_space<vmem_shared>> -> memref<96x128xf32, #tpu.memory_space<vmem_shared>>
      tpu.wait_dma2 semaphore(%arg11 : memref<!tpu.dma_semaphore, #tpu.memory_space<semaphore_mem>>) src(%dma_wait3A_209 : memref<96x128xf32, #tpu.memory_space<vmem_shared>>) dst(%dma_wait3A_207 : memref<96x128xf32, #tpu.memory_space<vmem>>)
      "tpu.region"() ({
        %run_scoped3A_400 = tpu.sem_alloc : memref<!tpu.dma_semaphore, #tpu.memory_space<semaphore_mem>>
        %dma_start3A_401 = arith.constant 0 : i32
        %dma_start3A_402 = arith.constant 0 : i32
        %dma_start3A_403 = tpu.memref_slice %arg8[%dma_start3A_401, %dma_start3A_402] : memref<100x128xf32, #tpu.memory_space<vmem>> -> memref<96x128xf32, #tpu.memory_space<vmem>>
        %dma_start3A_404 = arith.constant 0 : i32
        %dma_start3A_405 = tpu.memref_slice %arg5[%arg0, %multiple_of3A_196, %dma_start3A_404] : memref<2x10000x128xf32, #tpu.memory_space<hbm>> -> memref<1x96x128xf32, #tpu.memory_space<hbm>>
        %dma_start3A_406 = tpu.memref_squeeze %dma_start3A_405 : memref<1x96x128xf32, #tpu.memory_space<hbm>> -> memref<96x128xf32, #tpu.memory_space<hbm>>
        %dma_start3A_407 = arith.constant 0 : i32
        %dma_start3A_408 = tpu.memref_slice %arg5[%arg0, %multiple_of3A_196, %dma_start3A_407] : memref<2x10000x128xf32, #tpu.memory_space<hbm>> -> memref<1x96x128xf32, #tpu.memory_space<hbm>>
        %dma_start3A_409 = tpu.memref_squeeze %dma_start3A_408 : memref<1x96x128xf32, #tpu.memory_space<hbm>> -> memref<96x128xf32, #tpu.memory_space<hbm>>
        %dma_start3A_410 = arith.constant 0 : i32
        %dma_start3A_411 = arith.constant 0 : i32
        %dma_start3A_412 = tpu.memref_slice %arg8[%dma_start3A_410, %dma_start3A_411] : memref<100x128xf32, #tpu.memory_space<vmem>> -> memref<96x128xf32, #tpu.memory_space<vmem>>
        tpu.enqueue_dma source(%dma_start3A_412 : memref<96x128xf32, #tpu.memory_space<vmem>>) target(%dma_start3A_409 : memref<96x128xf32, #tpu.memory_space<hbm>>) target_semaphore(%run_scoped3A_400 : memref<!tpu.dma_semaphore, #tpu.memory_space<semaphore_mem>>)
        %dma_wait3A_413 = arith.constant 0 : i32
        %dma_wait3A_414 = arith.constant 0 : i32
        %dma_wait3A_415 = tpu.memref_slice %arg8[%dma_wait3A_413, %dma_wait3A_414] : memref<100x128xf32, #tpu.memory_space<vmem>> -> memref<96x128xf32, #tpu.memory_space<vmem>>
        %dma_wait3A_416 = arith.constant 0 : i32
        %dma_wait3A_417 = tpu.memref_slice %arg5[%arg0, %multiple_of3A_196, %dma_wait3A_416] : memref<2x10000x128xf32, #tpu.memory_space<hbm>> -> memref<1x96x128xf32, #tpu.memory_space<hbm>>
        %dma_wait3A_418 = tpu.memref_squeeze %dma_wait3A_417 : memref<1x96x128xf32, #tpu.memory_space<hbm>> -> memref<96x128xf32, #tpu.memory_space<hbm>>
        %dma_wait3A_419 = arith.constant 0 : i32
        %dma_wait3A_420 = tpu.memref_slice %arg5[%arg0, %multiple_of3A_196, %dma_wait3A_419] : memref<2x10000x128xf32, #tpu.memory_space<hbm>> -> memref<1x96x128xf32, #tpu.memory_space<hbm>>
        %dma_wait3A_421 = tpu.memref_squeeze %dma_wait3A_420 : memref<1x96x128xf32, #tpu.memory_space<hbm>> -> memref<96x128xf32, #tpu.memory_space<hbm>>
        %dma_wait3A_422 = arith.constant 0 : i32
        %dma_wait3A_423 = arith.constant 0 : i32
        %dma_wait3A_424 = tpu.memref_slice %arg8[%dma_wait3A_422, %dma_wait3A_423] : memref<100x128xf32, #tpu.memory_space<vmem>> -> memref<96x128xf32, #tpu.memory_space<vmem>>
        tpu.wait_dma2 semaphore(%run_scoped3A_400 : memref<!tpu.dma_semaphore, #tpu.memory_space<semaphore_mem>>) src(%dma_wait3A_424 : memref<96x128xf32, #tpu.memory_space<vmem>>) dst(%dma_wait3A_421 : memref<96x128xf32, #tpu.memory_space<hbm>>)
        tpu.yield
      }) : () -> ()
      %add3A_210 = arith.constant 480 : i32
      %add3A_211 = arith.addi %multiple_of3A, %add3A_210 : i32
      %multiple_of3A_212 = tpu.assume_multiple %add3A_211, 8 : i32
      %dma_start3A_213 = arith.constant 0 : i32
      %dma_start3A_214 = arith.constant 0 : i32
      %dma_start3A_215 = tpu.memref_slice %arg8[%dma_start3A_213, %dma_start3A_214] : memref<100x128xf32, #tpu.memory_space<vmem>> -> memref<96x128xf32, #tpu.memory_space<vmem>>
      %dma_start3A_216 = arith.constant 0 : i32
      %dma_start3A_217 = tpu.memref_slice %arg6[%multiple_of3A_212, %dma_start3A_216] : memref<10000x128xf32, #tpu.memory_space<vmem_shared>> -> memref<96x128xf32, #tpu.memory_space<vmem_shared>>
      %dma_start3A_218 = arith.constant 0 : i32
      %dma_start3A_219 = arith.constant 0 : i32
      %dma_start3A_220 = tpu.memref_slice %arg8[%dma_start3A_218, %dma_start3A_219] : memref<100x128xf32, #tpu.memory_space<vmem>> -> memref<96x128xf32, #tpu.memory_space<vmem>>
      %dma_start3A_221 = arith.constant 0 : i32
      %dma_start3A_222 = tpu.memref_slice %arg6[%multiple_of3A_212, %dma_start3A_221] : memref<10000x128xf32, #tpu.memory_space<vmem_shared>> -> memref<96x128xf32, #tpu.memory_space<vmem_shared>>
      tpu.enqueue_dma source(%dma_start3A_222 : memref<96x128xf32, #tpu.memory_space<vmem_shared>>) target(%dma_start3A_220 : memref<96x128xf32, #tpu.memory_space<vmem>>) target_semaphore(%arg11 : memref<!tpu.dma_semaphore, #tpu.memory_space<semaphore_mem>>)
      %add3A_223 = arith.constant 384 : i32
      %add3A_224 = arith.addi %multiple_of3A, %add3A_223 : i32
      %multiple_of3A_225 = tpu.assume_multiple %add3A_224, 8 : i32
      %add3A_226 = arith.constant 384 : i32
      %add3A_227 = arith.addi %multiple_of3A, %add3A_226 : i32
      %multiple_of3A_228 = tpu.assume_multiple %add3A_227, 8 : i32
      %dma_wait3A_229 = arith.constant 0 : i32
      %dma_wait3A_230 = arith.constant 0 : i32
      %dma_wait3A_231 = tpu.memref_slice %arg7[%dma_wait3A_229, %dma_wait3A_230] : memref<100x128xf32, #tpu.memory_space<vmem>> -> memref<96x128xf32, #tpu.memory_space<vmem>>
      %dma_wait3A_232 = arith.constant 0 : i32
      %dma_wait3A_233 = tpu.memref_slice %arg6[%multiple_of3A_228, %dma_wait3A_232] : memref<10000x128xf32, #tpu.memory_space<vmem_shared>> -> memref<96x128xf32, #tpu.memory_space<vmem_shared>>
      %dma_wait3A_234 = arith.constant 0 : i32
      %dma_wait3A_235 = arith.constant 0 : i32
      %dma_wait3A_236 = tpu.memref_slice %arg7[%dma_wait3A_234, %dma_wait3A_235] : memref<100x128xf32, #tpu.memory_space<vmem>> -> memref<96x128xf32, #tpu.memory_space<vmem>>
      %dma_wait3A_237 = arith.constant 0 : i32
      %dma_wait3A_238 = tpu.memref_slice %arg6[%multiple_of3A_228, %dma_wait3A_237] : memref<10000x128xf32, #tpu.memory_space<vmem_shared>> -> memref<96x128xf32, #tpu.memory_space<vmem_shared>>
      tpu.wait_dma2 semaphore(%arg10 : memref<!tpu.dma_semaphore, #tpu.memory_space<semaphore_mem>>) src(%dma_wait3A_238 : memref<96x128xf32, #tpu.memory_space<vmem_shared>>) dst(%dma_wait3A_236 : memref<96x128xf32, #tpu.memory_space<vmem>>)
      "tpu.region"() ({
        %run_scoped3A_400 = tpu.sem_alloc : memref<!tpu.dma_semaphore, #tpu.memory_space<semaphore_mem>>
        %dma_start3A_401 = arith.constant 0 : i32
        %dma_start3A_402 = arith.constant 0 : i32
        %dma_start3A_403 = tpu.memref_slice %arg7[%dma_start3A_401, %dma_start3A_402] : memref<100x128xf32, #tpu.memory_space<vmem>> -> memref<96x128xf32, #tpu.memory_space<vmem>>
        %dma_start3A_404 = arith.constant 0 : i32
        %dma_start3A_405 = tpu.memref_slice %arg5[%arg0, %multiple_of3A_225, %dma_start3A_404] : memref<2x10000x128xf32, #tpu.memory_space<hbm>> -> memref<1x96x128xf32, #tpu.memory_space<hbm>>
        %dma_start3A_406 = tpu.memref_squeeze %dma_start3A_405 : memref<1x96x128xf32, #tpu.memory_space<hbm>> -> memref<96x128xf32, #tpu.memory_space<hbm>>
        %dma_start3A_407 = arith.constant 0 : i32
        %dma_start3A_408 = tpu.memref_slice %arg5[%arg0, %multiple_of3A_225, %dma_start3A_407] : memref<2x10000x128xf32, #tpu.memory_space<hbm>> -> memref<1x96x128xf32, #tpu.memory_space<hbm>>
        %dma_start3A_409 = tpu.memref_squeeze %dma_start3A_408 : memref<1x96x128xf32, #tpu.memory_space<hbm>> -> memref<96x128xf32, #tpu.memory_space<hbm>>
        %dma_start3A_410 = arith.constant 0 : i32
        %dma_start3A_411 = arith.constant 0 : i32
        %dma_start3A_412 = tpu.memref_slice %arg7[%dma_start3A_410, %dma_start3A_411] : memref<100x128xf32, #tpu.memory_space<vmem>> -> memref<96x128xf32, #tpu.memory_space<vmem>>
        tpu.enqueue_dma source(%dma_start3A_412 : memref<96x128xf32, #tpu.memory_space<vmem>>) target(%dma_start3A_409 : memref<96x128xf32, #tpu.memory_space<hbm>>) target_semaphore(%run_scoped3A_400 : memref<!tpu.dma_semaphore, #tpu.memory_space<semaphore_mem>>)
        %dma_wait3A_413 = arith.constant 0 : i32
        %dma_wait3A_414 = arith.constant 0 : i32
        %dma_wait3A_415 = tpu.memref_slice %arg7[%dma_wait3A_413, %dma_wait3A_414] : memref<100x128xf32, #tpu.memory_space<vmem>> -> memref<96x128xf32, #tpu.memory_space<vmem>>
        %dma_wait3A_416 = arith.constant 0 : i32
        %dma_wait3A_417 = tpu.memref_slice %arg5[%arg0, %multiple_of3A_225, %dma_wait3A_416] : memref<2x10000x128xf32, #tpu.memory_space<hbm>> -> memref<1x96x128xf32, #tpu.memory_space<hbm>>
        %dma_wait3A_418 = tpu.memref_squeeze %dma_wait3A_417 : memref<1x96x128xf32, #tpu.memory_space<hbm>> -> memref<96x128xf32, #tpu.memory_space<hbm>>
        %dma_wait3A_419 = arith.constant 0 : i32
        %dma_wait3A_420 = tpu.memref_slice %arg5[%arg0, %multiple_of3A_225, %dma_wait3A_419] : memref<2x10000x128xf32, #tpu.memory_space<hbm>> -> memref<1x96x128xf32, #tpu.memory_space<hbm>>
        %dma_wait3A_421 = tpu.memref_squeeze %dma_wait3A_420 : memref<1x96x128xf32, #tpu.memory_space<hbm>> -> memref<96x128xf32, #tpu.memory_space<hbm>>
        %dma_wait3A_422 = arith.constant 0 : i32
        %dma_wait3A_423 = arith.constant 0 : i32
        %dma_wait3A_424 = tpu.memref_slice %arg7[%dma_wait3A_422, %dma_wait3A_423] : memref<100x128xf32, #tpu.memory_space<vmem>> -> memref<96x128xf32, #tpu.memory_space<vmem>>
        tpu.wait_dma2 semaphore(%run_scoped3A_400 : memref<!tpu.dma_semaphore, #tpu.memory_space<semaphore_mem>>) src(%dma_wait3A_424 : memref<96x128xf32, #tpu.memory_space<vmem>>) dst(%dma_wait3A_421 : memref<96x128xf32, #tpu.memory_space<hbm>>)
        tpu.yield
      }) : () -> ()
      %add3A_239 = arith.constant 576 : i32
      %add3A_240 = arith.addi %multiple_of3A, %add3A_239 : i32
      %multiple_of3A_241 = tpu.assume_multiple %add3A_240, 8 : i32
      %dma_start3A_242 = arith.constant 0 : i32
      %dma_start3A_243 = arith.constant 0 : i32
      %dma_start3A_244 = tpu.memref_slice %arg7[%dma_start3A_242, %dma_start3A_243] : memref<100x128xf32, #tpu.memory_space<vmem>> -> memref<96x128xf32, #tpu.memory_space<vmem>>
      %dma_start3A_245 = arith.constant 0 : i32
      %dma_start3A_246 = tpu.memref_slice %arg6[%multiple_of3A_241, %dma_start3A_245] : memref<10000x128xf32, #tpu.memory_space<vmem_shared>> -> memref<96x128xf32, #tpu.memory_space<vmem_shared>>
      %dma_start3A_247 = arith.constant 0 : i32
      %dma_start3A_248 = arith.constant 0 : i32
      %dma_start3A_249 = tpu.memref_slice %arg7[%dma_start3A_247, %dma_start3A_248] : memref<100x128xf32, #tpu.memory_space<vmem>> -> memref<96x128xf32, #tpu.memory_space<vmem>>
      %dma_start3A_250 = arith.constant 0 : i32
      %dma_start3A_251 = tpu.memref_slice %arg6[%multiple_of3A_241, %dma_start3A_250] : memref<10000x128xf32, #tpu.memory_space<vmem_shared>> -> memref<96x128xf32, #tpu.memory_space<vmem_shared>>
      tpu.enqueue_dma source(%dma_start3A_251 : memref<96x128xf32, #tpu.memory_space<vmem_shared>>) target(%dma_start3A_249 : memref<96x128xf32, #tpu.memory_space<vmem>>) target_semaphore(%arg10 : memref<!tpu.dma_semaphore, #tpu.memory_space<semaphore_mem>>)
      %add3A_252 = arith.constant 480 : i32
      %add3A_253 = arith.addi %multiple_of3A, %add3A_252 : i32
      %multiple_of3A_254 = tpu.assume_multiple %add3A_253, 8 : i32
      %add3A_255 = arith.constant 480 : i32
      %add3A_256 = arith.addi %multiple_of3A, %add3A_255 : i32
      %multiple_of3A_257 = tpu.assume_multiple %add3A_256, 8 : i32
      %dma_wait3A_258 = arith.constant 0 : i32
      %dma_wait3A_259 = arith.constant 0 : i32
      %dma_wait3A_260 = tpu.memref_slice %arg8[%dma_wait3A_258, %dma_wait3A_259] : memref<100x128xf32, #tpu.memory_space<vmem>> -> memref<96x128xf32, #tpu.memory_space<vmem>>
      %dma_wait3A_261 = arith.constant 0 : i32
      %dma_wait3A_262 = tpu.memref_slice %arg6[%multiple_of3A_257, %dma_wait3A_261] : memref<10000x128xf32, #tpu.memory_space<vmem_shared>> -> memref<96x128xf32, #tpu.memory_space<vmem_shared>>
      %dma_wait3A_263 = arith.constant 0 : i32
      %dma_wait3A_264 = arith.constant 0 : i32
      %dma_wait3A_265 = tpu.memref_slice %arg8[%dma_wait3A_263, %dma_wait3A_264] : memref<100x128xf32, #tpu.memory_space<vmem>> -> memref<96x128xf32, #tpu.memory_space<vmem>>
      %dma_wait3A_266 = arith.constant 0 : i32
      %dma_wait3A_267 = tpu.memref_slice %arg6[%multiple_of3A_257, %dma_wait3A_266] : memref<10000x128xf32, #tpu.memory_space<vmem_shared>> -> memref<96x128xf32, #tpu.memory_space<vmem_shared>>
      tpu.wait_dma2 semaphore(%arg11 : memref<!tpu.dma_semaphore, #tpu.memory_space<semaphore_mem>>) src(%dma_wait3A_267 : memref<96x128xf32, #tpu.memory_space<vmem_shared>>) dst(%dma_wait3A_265 : memref<96x128xf32, #tpu.memory_space<vmem>>)
      "tpu.region"() ({
        %run_scoped3A_400 = tpu.sem_alloc : memref<!tpu.dma_semaphore, #tpu.memory_space<semaphore_mem>>
        %dma_start3A_401 = arith.constant 0 : i32
        %dma_start3A_402 = arith.constant 0 : i32
        %dma_start3A_403 = tpu.memref_slice %arg8[%dma_start3A_401, %dma_start3A_402] : memref<100x128xf32, #tpu.memory_space<vmem>> -> memref<96x128xf32, #tpu.memory_space<vmem>>
        %dma_start3A_404 = arith.constant 0 : i32
        %dma_start3A_405 = tpu.memref_slice %arg5[%arg0, %multiple_of3A_254, %dma_start3A_404] : memref<2x10000x128xf32, #tpu.memory_space<hbm>> -> memref<1x96x128xf32, #tpu.memory_space<hbm>>
        %dma_start3A_406 = tpu.memref_squeeze %dma_start3A_405 : memref<1x96x128xf32, #tpu.memory_space<hbm>> -> memref<96x128xf32, #tpu.memory_space<hbm>>
        %dma_start3A_407 = arith.constant 0 : i32
        %dma_start3A_408 = tpu.memref_slice %arg5[%arg0, %multiple_of3A_254, %dma_start3A_407] : memref<2x10000x128xf32, #tpu.memory_space<hbm>> -> memref<1x96x128xf32, #tpu.memory_space<hbm>>
        %dma_start3A_409 = tpu.memref_squeeze %dma_start3A_408 : memref<1x96x128xf32, #tpu.memory_space<hbm>> -> memref<96x128xf32, #tpu.memory_space<hbm>>
        %dma_start3A_410 = arith.constant 0 : i32
        %dma_start3A_411 = arith.constant 0 : i32
        %dma_start3A_412 = tpu.memref_slice %arg8[%dma_start3A_410, %dma_start3A_411] : memref<100x128xf32, #tpu.memory_space<vmem>> -> memref<96x128xf32, #tpu.memory_space<vmem>>
        tpu.enqueue_dma source(%dma_start3A_412 : memref<96x128xf32, #tpu.memory_space<vmem>>) target(%dma_start3A_409 : memref<96x128xf32, #tpu.memory_space<hbm>>) target_semaphore(%run_scoped3A_400 : memref<!tpu.dma_semaphore, #tpu.memory_space<semaphore_mem>>)
        %dma_wait3A_413 = arith.constant 0 : i32
        %dma_wait3A_414 = arith.constant 0 : i32
        %dma_wait3A_415 = tpu.memref_slice %arg8[%dma_wait3A_413, %dma_wait3A_414] : memref<100x128xf32, #tpu.memory_space<vmem>> -> memref<96x128xf32, #tpu.memory_space<vmem>>
        %dma_wait3A_416 = arith.constant 0 : i32
        %dma_wait3A_417 = tpu.memref_slice %arg5[%arg0, %multiple_of3A_254, %dma_wait3A_416] : memref<2x10000x128xf32, #tpu.memory_space<hbm>> -> memref<1x96x128xf32, #tpu.memory_space<hbm>>
        %dma_wait3A_418 = tpu.memref_squeeze %dma_wait3A_417 : memref<1x96x128xf32, #tpu.memory_space<hbm>> -> memref<96x128xf32, #tpu.memory_space<hbm>>
        %dma_wait3A_419 = arith.constant 0 : i32
        %dma_wait3A_420 = tpu.memref_slice %arg5[%arg0, %multiple_of3A_254, %dma_wait3A_419] : memref<2x10000x128xf32, #tpu.memory_space<hbm>> -> memref<1x96x128xf32, #tpu.memory_space<hbm>>
        %dma_wait3A_421 = tpu.memref_squeeze %dma_wait3A_420 : memref<1x96x128xf32, #tpu.memory_space<hbm>> -> memref<96x128xf32, #tpu.memory_space<hbm>>
        %dma_wait3A_422 = arith.constant 0 : i32
        %dma_wait3A_423 = arith.constant 0 : i32
        %dma_wait3A_424 = tpu.memref_slice %arg8[%dma_wait3A_422, %dma_wait3A_423] : memref<100x128xf32, #tpu.memory_space<vmem>> -> memref<96x128xf32, #tpu.memory_space<vmem>>
        tpu.wait_dma2 semaphore(%run_scoped3A_400 : memref<!tpu.dma_semaphore, #tpu.memory_space<semaphore_mem>>) src(%dma_wait3A_424 : memref<96x128xf32, #tpu.memory_space<vmem>>) dst(%dma_wait3A_421 : memref<96x128xf32, #tpu.memory_space<hbm>>)
        tpu.yield
      }) : () -> ()
      %add3A_268 = arith.constant 672 : i32
      %add3A_269 = arith.addi %multiple_of3A, %add3A_268 : i32
      %multiple_of3A_270 = tpu.assume_multiple %add3A_269, 8 : i32
      %dma_start3A_271 = arith.constant 0 : i32
      %dma_start3A_272 = arith.constant 0 : i32
      %dma_start3A_273 = tpu.memref_slice %arg8[%dma_start3A_271, %dma_start3A_272] : memref<100x128xf32, #tpu.memory_space<vmem>> -> memref<96x128xf32, #tpu.memory_space<vmem>>
      %dma_start3A_274 = arith.constant 0 : i32
      %dma_start3A_275 = tpu.memref_slice %arg6[%multiple_of3A_270, %dma_start3A_274] : memref<10000x128xf32, #tpu.memory_space<vmem_shared>> -> memref<96x128xf32, #tpu.memory_space<vmem_shared>>
      %dma_start3A_276 = arith.constant 0 : i32
      %dma_start3A_277 = arith.constant 0 : i32
      %dma_start3A_278 = tpu.memref_slice %arg8[%dma_start3A_276, %dma_start3A_277] : memref<100x128xf32, #tpu.memory_space<vmem>> -> memref<96x128xf32, #tpu.memory_space<vmem>>
      %dma_start3A_279 = arith.constant 0 : i32
      %dma_start3A_280 = tpu.memref_slice %arg6[%multiple_of3A_270, %dma_start3A_279] : memref<10000x128xf32, #tpu.memory_space<vmem_shared>> -> memref<96x128xf32, #tpu.memory_space<vmem_shared>>
      tpu.enqueue_dma source(%dma_start3A_280 : memref<96x128xf32, #tpu.memory_space<vmem_shared>>) target(%dma_start3A_278 : memref<96x128xf32, #tpu.memory_space<vmem>>) target_semaphore(%arg11 : memref<!tpu.dma_semaphore, #tpu.memory_space<semaphore_mem>>)
      %add3A_281 = arith.constant 576 : i32
      %add3A_282 = arith.addi %multiple_of3A, %add3A_281 : i32
      %multiple_of3A_283 = tpu.assume_multiple %add3A_282, 8 : i32
      %add3A_284 = arith.constant 576 : i32
      %add3A_285 = arith.addi %multiple_of3A, %add3A_284 : i32
      %multiple_of3A_286 = tpu.assume_multiple %add3A_285, 8 : i32
      %dma_wait3A_287 = arith.constant 0 : i32
      %dma_wait3A_288 = arith.constant 0 : i32
      %dma_wait3A_289 = tpu.memref_slice %arg7[%dma_wait3A_287, %dma_wait3A_288] : memref<100x128xf32, #tpu.memory_space<vmem>> -> memref<96x128xf32, #tpu.memory_space<vmem>>
      %dma_wait3A_290 = arith.constant 0 : i32
      %dma_wait3A_291 = tpu.memref_slice %arg6[%multiple_of3A_286, %dma_wait3A_290] : memref<10000x128xf32, #tpu.memory_space<vmem_shared>> -> memref<96x128xf32, #tpu.memory_space<vmem_shared>>
      %dma_wait3A_292 = arith.constant 0 : i32
      %dma_wait3A_293 = arith.constant 0 : i32
      %dma_wait3A_294 = tpu.memref_slice %arg7[%dma_wait3A_292, %dma_wait3A_293] : memref<100x128xf32, #tpu.memory_space<vmem>> -> memref<96x128xf32, #tpu.memory_space<vmem>>
      %dma_wait3A_295 = arith.constant 0 : i32
      %dma_wait3A_296 = tpu.memref_slice %arg6[%multiple_of3A_286, %dma_wait3A_295] : memref<10000x128xf32, #tpu.memory_space<vmem_shared>> -> memref<96x128xf32, #tpu.memory_space<vmem_shared>>
      tpu.wait_dma2 semaphore(%arg10 : memref<!tpu.dma_semaphore, #tpu.memory_space<semaphore_mem>>) src(%dma_wait3A_296 : memref<96x128xf32, #tpu.memory_space<vmem_shared>>) dst(%dma_wait3A_294 : memref<96x128xf32, #tpu.memory_space<vmem>>)
      "tpu.region"() ({
        %run_scoped3A_400 = tpu.sem_alloc : memref<!tpu.dma_semaphore, #tpu.memory_space<semaphore_mem>>
        %dma_start3A_401 = arith.constant 0 : i32
        %dma_start3A_402 = arith.constant 0 : i32
        %dma_start3A_403 = tpu.memref_slice %arg7[%dma_start3A_401, %dma_start3A_402] : memref<100x128xf32, #tpu.memory_space<vmem>> -> memref<96x128xf32, #tpu.memory_space<vmem>>
        %dma_start3A_404 = arith.constant 0 : i32
        %dma_start3A_405 = tpu.memref_slice %arg5[%arg0, %multiple_of3A_283, %dma_start3A_404] : memref<2x10000x128xf32, #tpu.memory_space<hbm>> -> memref<1x96x128xf32, #tpu.memory_space<hbm>>
        %dma_start3A_406 = tpu.memref_squeeze %dma_start3A_405 : memref<1x96x128xf32, #tpu.memory_space<hbm>> -> memref<96x128xf32, #tpu.memory_space<hbm>>
        %dma_start3A_407 = arith.constant 0 : i32
        %dma_start3A_408 = tpu.memref_slice %arg5[%arg0, %multiple_of3A_283, %dma_start3A_407] : memref<2x10000x128xf32, #tpu.memory_space<hbm>> -> memref<1x96x128xf32, #tpu.memory_space<hbm>>
        %dma_start3A_409 = tpu.memref_squeeze %dma_start3A_408 : memref<1x96x128xf32, #tpu.memory_space<hbm>> -> memref<96x128xf32, #tpu.memory_space<hbm>>
        %dma_start3A_410 = arith.constant 0 : i32
        %dma_start3A_411 = arith.constant 0 : i32
        %dma_start3A_412 = tpu.memref_slice %arg7[%dma_start3A_410, %dma_start3A_411] : memref<100x128xf32, #tpu.memory_space<vmem>> -> memref<96x128xf32, #tpu.memory_space<vmem>>
        tpu.enqueue_dma source(%dma_start3A_412 : memref<96x128xf32, #tpu.memory_space<vmem>>) target(%dma_start3A_409 : memref<96x128xf32, #tpu.memory_space<hbm>>) target_semaphore(%run_scoped3A_400 : memref<!tpu.dma_semaphore, #tpu.memory_space<semaphore_mem>>)
        %dma_wait3A_413 = arith.constant 0 : i32
        %dma_wait3A_414 = arith.constant 0 : i32
        %dma_wait3A_415 = tpu.memref_slice %arg7[%dma_wait3A_413, %dma_wait3A_414] : memref<100x128xf32, #tpu.memory_space<vmem>> -> memref<96x128xf32, #tpu.memory_space<vmem>>
        %dma_wait3A_416 = arith.constant 0 : i32
        %dma_wait3A_417 = tpu.memref_slice %arg5[%arg0, %multiple_of3A_283, %dma_wait3A_416] : memref<2x10000x128xf32, #tpu.memory_space<hbm>> -> memref<1x96x128xf32, #tpu.memory_space<hbm>>
        %dma_wait3A_418 = tpu.memref_squeeze %dma_wait3A_417 : memref<1x96x128xf32, #tpu.memory_space<hbm>> -> memref<96x128xf32, #tpu.memory_space<hbm>>
        %dma_wait3A_419 = arith.constant 0 : i32
        %dma_wait3A_420 = tpu.memref_slice %arg5[%arg0, %multiple_of3A_283, %dma_wait3A_419] : memref<2x10000x128xf32, #tpu.memory_space<hbm>> -> memref<1x96x128xf32, #tpu.memory_space<hbm>>
        %dma_wait3A_421 = tpu.memref_squeeze %dma_wait3A_420 : memref<1x96x128xf32, #tpu.memory_space<hbm>> -> memref<96x128xf32, #tpu.memory_space<hbm>>
        %dma_wait3A_422 = arith.constant 0 : i32
        %dma_wait3A_423 = arith.constant 0 : i32
        %dma_wait3A_424 = tpu.memref_slice %arg7[%dma_wait3A_422, %dma_wait3A_423] : memref<100x128xf32, #tpu.memory_space<vmem>> -> memref<96x128xf32, #tpu.memory_space<vmem>>
        tpu.wait_dma2 semaphore(%run_scoped3A_400 : memref<!tpu.dma_semaphore, #tpu.memory_space<semaphore_mem>>) src(%dma_wait3A_424 : memref<96x128xf32, #tpu.memory_space<vmem>>) dst(%dma_wait3A_421 : memref<96x128xf32, #tpu.memory_space<hbm>>)
        tpu.yield
      }) : () -> ()
      %add3A_297 = arith.constant 768 : i32
      %add3A_298 = arith.addi %multiple_of3A, %add3A_297 : i32
      %multiple_of3A_299 = tpu.assume_multiple %add3A_298, 8 : i32
      %dma_start3A_300 = arith.constant 0 : i32
      %dma_start3A_301 = arith.constant 0 : i32
      %dma_start3A_302 = tpu.memref_slice %arg7[%dma_start3A_300, %dma_start3A_301] : memref<100x128xf32, #tpu.memory_space<vmem>> -> memref<96x128xf32, #tpu.memory_space<vmem>>
      %dma_start3A_303 = arith.constant 0 : i32
      %dma_start3A_304 = tpu.memref_slice %arg6[%multiple_of3A_299, %dma_start3A_303] : memref<10000x128xf32, #tpu.memory_space<vmem_shared>> -> memref<96x128xf32, #tpu.memory_space<vmem_shared>>
      %dma_start3A_305 = arith.constant 0 : i32
      %dma_start3A_306 = arith.constant 0 : i32
      %dma_start3A_307 = tpu.memref_slice %arg7[%dma_start3A_305, %dma_start3A_306] : memref<100x128xf32, #tpu.memory_space<vmem>> -> memref<96x128xf32, #tpu.memory_space<vmem>>
      %dma_start3A_308 = arith.constant 0 : i32
      %dma_start3A_309 = tpu.memref_slice %arg6[%multiple_of3A_299, %dma_start3A_308] : memref<10000x128xf32, #tpu.memory_space<vmem_shared>> -> memref<96x128xf32, #tpu.memory_space<vmem_shared>>
      tpu.enqueue_dma source(%dma_start3A_309 : memref<96x128xf32, #tpu.memory_space<vmem_shared>>) target(%dma_start3A_307 : memref<96x128xf32, #tpu.memory_space<vmem>>) target_semaphore(%arg10 : memref<!tpu.dma_semaphore, #tpu.memory_space<semaphore_mem>>)
      %add3A_310 = arith.constant 672 : i32
      %add3A_311 = arith.addi %multiple_of3A, %add3A_310 : i32
      %multiple_of3A_312 = tpu.assume_multiple %add3A_311, 8 : i32
      %add3A_313 = arith.constant 672 : i32
      %add3A_314 = arith.addi %multiple_of3A, %add3A_313 : i32
      %multiple_of3A_315 = tpu.assume_multiple %add3A_314, 8 : i32
      %dma_wait3A_316 = arith.constant 0 : i32
      %dma_wait3A_317 = arith.constant 0 : i32
      %dma_wait3A_318 = tpu.memref_slice %arg8[%dma_wait3A_316, %dma_wait3A_317] : memref<100x128xf32, #tpu.memory_space<vmem>> -> memref<96x128xf32, #tpu.memory_space<vmem>>
      %dma_wait3A_319 = arith.constant 0 : i32
      %dma_wait3A_320 = tpu.memref_slice %arg6[%multiple_of3A_315, %dma_wait3A_319] : memref<10000x128xf32, #tpu.memory_space<vmem_shared>> -> memref<96x128xf32, #tpu.memory_space<vmem_shared>>
      %dma_wait3A_321 = arith.constant 0 : i32
      %dma_wait3A_322 = arith.constant 0 : i32
      %dma_wait3A_323 = tpu.memref_slice %arg8[%dma_wait3A_321, %dma_wait3A_322] : memref<100x128xf32, #tpu.memory_space<vmem>> -> memref<96x128xf32, #tpu.memory_space<vmem>>
      %dma_wait3A_324 = arith.constant 0 : i32
      %dma_wait3A_325 = tpu.memref_slice %arg6[%multiple_of3A_315, %dma_wait3A_324] : memref<10000x128xf32, #tpu.memory_space<vmem_shared>> -> memref<96x128xf32, #tpu.memory_space<vmem_shared>>
      tpu.wait_dma2 semaphore(%arg11 : memref<!tpu.dma_semaphore, #tpu.memory_space<semaphore_mem>>) src(%dma_wait3A_325 : memref<96x128xf32, #tpu.memory_space<vmem_shared>>) dst(%dma_wait3A_323 : memref<96x128xf32, #tpu.memory_space<vmem>>)
      "tpu.region"() ({
        %run_scoped3A_400 = tpu.sem_alloc : memref<!tpu.dma_semaphore, #tpu.memory_space<semaphore_mem>>
        %dma_start3A_401 = arith.constant 0 : i32
        %dma_start3A_402 = arith.constant 0 : i32
        %dma_start3A_403 = tpu.memref_slice %arg8[%dma_start3A_401, %dma_start3A_402] : memref<100x128xf32, #tpu.memory_space<vmem>> -> memref<96x128xf32, #tpu.memory_space<vmem>>
        %dma_start3A_404 = arith.constant 0 : i32
        %dma_start3A_405 = tpu.memref_slice %arg5[%arg0, %multiple_of3A_312, %dma_start3A_404] : memref<2x10000x128xf32, #tpu.memory_space<hbm>> -> memref<1x96x128xf32, #tpu.memory_space<hbm>>
        %dma_start3A_406 = tpu.memref_squeeze %dma_start3A_405 : memref<1x96x128xf32, #tpu.memory_space<hbm>> -> memref<96x128xf32, #tpu.memory_space<hbm>>
        %dma_start3A_407 = arith.constant 0 : i32
        %dma_start3A_408 = tpu.memref_slice %arg5[%arg0, %multiple_of3A_312, %dma_start3A_407] : memref<2x10000x128xf32, #tpu.memory_space<hbm>> -> memref<1x96x128xf32, #tpu.memory_space<hbm>>
        %dma_start3A_409 = tpu.memref_squeeze %dma_start3A_408 : memref<1x96x128xf32, #tpu.memory_space<hbm>> -> memref<96x128xf32, #tpu.memory_space<hbm>>
        %dma_start3A_410 = arith.constant 0 : i32
        %dma_start3A_411 = arith.constant 0 : i32
        %dma_start3A_412 = tpu.memref_slice %arg8[%dma_start3A_410, %dma_start3A_411] : memref<100x128xf32, #tpu.memory_space<vmem>> -> memref<96x128xf32, #tpu.memory_space<vmem>>
        tpu.enqueue_dma source(%dma_start3A_412 : memref<96x128xf32, #tpu.memory_space<vmem>>) target(%dma_start3A_409 : memref<96x128xf32, #tpu.memory_space<hbm>>) target_semaphore(%run_scoped3A_400 : memref<!tpu.dma_semaphore, #tpu.memory_space<semaphore_mem>>)
        %dma_wait3A_413 = arith.constant 0 : i32
        %dma_wait3A_414 = arith.constant 0 : i32
        %dma_wait3A_415 = tpu.memref_slice %arg8[%dma_wait3A_413, %dma_wait3A_414] : memref<100x128xf32, #tpu.memory_space<vmem>> -> memref<96x128xf32, #tpu.memory_space<vmem>>
        %dma_wait3A_416 = arith.constant 0 : i32
        %dma_wait3A_417 = tpu.memref_slice %arg5[%arg0, %multiple_of3A_312, %dma_wait3A_416] : memref<2x10000x128xf32, #tpu.memory_space<hbm>> -> memref<1x96x128xf32, #tpu.memory_space<hbm>>
        %dma_wait3A_418 = tpu.memref_squeeze %dma_wait3A_417 : memref<1x96x128xf32, #tpu.memory_space<hbm>> -> memref<96x128xf32, #tpu.memory_space<hbm>>
        %dma_wait3A_419 = arith.constant 0 : i32
        %dma_wait3A_420 = tpu.memref_slice %arg5[%arg0, %multiple_of3A_312, %dma_wait3A_419] : memref<2x10000x128xf32, #tpu.memory_space<hbm>> -> memref<1x96x128xf32, #tpu.memory_space<hbm>>
        %dma_wait3A_421 = tpu.memref_squeeze %dma_wait3A_420 : memref<1x96x128xf32, #tpu.memory_space<hbm>> -> memref<96x128xf32, #tpu.memory_space<hbm>>
        %dma_wait3A_422 = arith.constant 0 : i32
        %dma_wait3A_423 = arith.constant 0 : i32
        %dma_wait3A_424 = tpu.memref_slice %arg8[%dma_wait3A_422, %dma_wait3A_423] : memref<100x128xf32, #tpu.memory_space<vmem>> -> memref<96x128xf32, #tpu.memory_space<vmem>>
        tpu.wait_dma2 semaphore(%run_scoped3A_400 : memref<!tpu.dma_semaphore, #tpu.memory_space<semaphore_mem>>) src(%dma_wait3A_424 : memref<96x128xf32, #tpu.memory_space<vmem>>) dst(%dma_wait3A_421 : memref<96x128xf32, #tpu.memory_space<hbm>>)
        tpu.yield
      }) : () -> ()
      %add3A_326 = arith.constant 864 : i32
      %add3A_327 = arith.addi %multiple_of3A, %add3A_326 : i32
      %multiple_of3A_328 = tpu.assume_multiple %add3A_327, 8 : i32
      %dma_start3A_329 = arith.constant 0 : i32
      %dma_start3A_330 = arith.constant 0 : i32
      %dma_start3A_331 = tpu.memref_slice %arg8[%dma_start3A_329, %dma_start3A_330] : memref<100x128xf32, #tpu.memory_space<vmem>> -> memref<96x128xf32, #tpu.memory_space<vmem>>
      %dma_start3A_332 = arith.constant 0 : i32
      %dma_start3A_333 = tpu.memref_slice %arg6[%multiple_of3A_328, %dma_start3A_332] : memref<10000x128xf32, #tpu.memory_space<vmem_shared>> -> memref<96x128xf32, #tpu.memory_space<vmem_shared>>
      %dma_start3A_334 = arith.constant 0 : i32
      %dma_start3A_335 = arith.constant 0 : i32
      %dma_start3A_336 = tpu.memref_slice %arg8[%dma_start3A_334, %dma_start3A_335] : memref<100x128xf32, #tpu.memory_space<vmem>> -> memref<96x128xf32, #tpu.memory_space<vmem>>
      %dma_start3A_337 = arith.constant 0 : i32
      %dma_start3A_338 = tpu.memref_slice %arg6[%multiple_of3A_328, %dma_start3A_337] : memref<10000x128xf32, #tpu.memory_space<vmem_shared>> -> memref<96x128xf32, #tpu.memory_space<vmem_shared>>
      tpu.enqueue_dma source(%dma_start3A_338 : memref<96x128xf32, #tpu.memory_space<vmem_shared>>) target(%dma_start3A_336 : memref<96x128xf32, #tpu.memory_space<vmem>>) target_semaphore(%arg11 : memref<!tpu.dma_semaphore, #tpu.memory_space<semaphore_mem>>)
      %add3A_339 = arith.constant 768 : i32
      %add3A_340 = arith.addi %multiple_of3A, %add3A_339 : i32
      %multiple_of3A_341 = tpu.assume_multiple %add3A_340, 8 : i32
      %add3A_342 = arith.constant 768 : i32
      %add3A_343 = arith.addi %multiple_of3A, %add3A_342 : i32
      %multiple_of3A_344 = tpu.assume_multiple %add3A_343, 8 : i32
      %dma_wait3A_345 = arith.constant 0 : i32
      %dma_wait3A_346 = arith.constant 0 : i32
      %dma_wait3A_347 = tpu.memref_slice %arg7[%dma_wait3A_345, %dma_wait3A_346] : memref<100x128xf32, #tpu.memory_space<vmem>> -> memref<96x128xf32, #tpu.memory_space<vmem>>
      %dma_wait3A_348 = arith.constant 0 : i32
      %dma_wait3A_349 = tpu.memref_slice %arg6[%multiple_of3A_344, %dma_wait3A_348] : memref<10000x128xf32, #tpu.memory_space<vmem_shared>> -> memref<96x128xf32, #tpu.memory_space<vmem_shared>>
      %dma_wait3A_350 = arith.constant 0 : i32
      %dma_wait3A_351 = arith.constant 0 : i32
      %dma_wait3A_352 = tpu.memref_slice %arg7[%dma_wait3A_350, %dma_wait3A_351] : memref<100x128xf32, #tpu.memory_space<vmem>> -> memref<96x128xf32, #tpu.memory_space<vmem>>
      %dma_wait3A_353 = arith.constant 0 : i32
      %dma_wait3A_354 = tpu.memref_slice %arg6[%multiple_of3A_344, %dma_wait3A_353] : memref<10000x128xf32, #tpu.memory_space<vmem_shared>> -> memref<96x128xf32, #tpu.memory_space<vmem_shared>>
      tpu.wait_dma2 semaphore(%arg10 : memref<!tpu.dma_semaphore, #tpu.memory_space<semaphore_mem>>) src(%dma_wait3A_354 : memref<96x128xf32, #tpu.memory_space<vmem_shared>>) dst(%dma_wait3A_352 : memref<96x128xf32, #tpu.memory_space<vmem>>)
      "tpu.region"() ({
        %run_scoped3A_400 = tpu.sem_alloc : memref<!tpu.dma_semaphore, #tpu.memory_space<semaphore_mem>>
        %dma_start3A_401 = arith.constant 0 : i32
        %dma_start3A_402 = arith.constant 0 : i32
        %dma_start3A_403 = tpu.memref_slice %arg7[%dma_start3A_401, %dma_start3A_402] : memref<100x128xf32, #tpu.memory_space<vmem>> -> memref<96x128xf32, #tpu.memory_space<vmem>>
        %dma_start3A_404 = arith.constant 0 : i32
        %dma_start3A_405 = tpu.memref_slice %arg5[%arg0, %multiple_of3A_341, %dma_start3A_404] : memref<2x10000x128xf32, #tpu.memory_space<hbm>> -> memref<1x96x128xf32, #tpu.memory_space<hbm>>
        %dma_start3A_406 = tpu.memref_squeeze %dma_start3A_405 : memref<1x96x128xf32, #tpu.memory_space<hbm>> -> memref<96x128xf32, #tpu.memory_space<hbm>>
        %dma_start3A_407 = arith.constant 0 : i32
        %dma_start3A_408 = tpu.memref_slice %arg5[%arg0, %multiple_of3A_341, %dma_start3A_407] : memref<2x10000x128xf32, #tpu.memory_space<hbm>> -> memref<1x96x128xf32, #tpu.memory_space<hbm>>
        %dma_start3A_409 = tpu.memref_squeeze %dma_start3A_408 : memref<1x96x128xf32, #tpu.memory_space<hbm>> -> memref<96x128xf32, #tpu.memory_space<hbm>>
        %dma_start3A_410 = arith.constant 0 : i32
        %dma_start3A_411 = arith.constant 0 : i32
        %dma_start3A_412 = tpu.memref_slice %arg7[%dma_start3A_410, %dma_start3A_411] : memref<100x128xf32, #tpu.memory_space<vmem>> -> memref<96x128xf32, #tpu.memory_space<vmem>>
        tpu.enqueue_dma source(%dma_start3A_412 : memref<96x128xf32, #tpu.memory_space<vmem>>) target(%dma_start3A_409 : memref<96x128xf32, #tpu.memory_space<hbm>>) target_semaphore(%run_scoped3A_400 : memref<!tpu.dma_semaphore, #tpu.memory_space<semaphore_mem>>)
        %dma_wait3A_413 = arith.constant 0 : i32
        %dma_wait3A_414 = arith.constant 0 : i32
        %dma_wait3A_415 = tpu.memref_slice %arg7[%dma_wait3A_413, %dma_wait3A_414] : memref<100x128xf32, #tpu.memory_space<vmem>> -> memref<96x128xf32, #tpu.memory_space<vmem>>
        %dma_wait3A_416 = arith.constant 0 : i32
        %dma_wait3A_417 = tpu.memref_slice %arg5[%arg0, %multiple_of3A_341, %dma_wait3A_416] : memref<2x10000x128xf32, #tpu.memory_space<hbm>> -> memref<1x96x128xf32, #tpu.memory_space<hbm>>
        %dma_wait3A_418 = tpu.memref_squeeze %dma_wait3A_417 : memref<1x96x128xf32, #tpu.memory_space<hbm>> -> memref<96x128xf32, #tpu.memory_space<hbm>>
        %dma_wait3A_419 = arith.constant 0 : i32
        %dma_wait3A_420 = tpu.memref_slice %arg5[%arg0, %multiple_of3A_341, %dma_wait3A_419] : memref<2x10000x128xf32, #tpu.memory_space<hbm>> -> memref<1x96x128xf32, #tpu.memory_space<hbm>>
        %dma_wait3A_421 = tpu.memref_squeeze %dma_wait3A_420 : memref<1x96x128xf32, #tpu.memory_space<hbm>> -> memref<96x128xf32, #tpu.memory_space<hbm>>
        %dma_wait3A_422 = arith.constant 0 : i32
        %dma_wait3A_423 = arith.constant 0 : i32
        %dma_wait3A_424 = tpu.memref_slice %arg7[%dma_wait3A_422, %dma_wait3A_423] : memref<100x128xf32, #tpu.memory_space<vmem>> -> memref<96x128xf32, #tpu.memory_space<vmem>>
        tpu.wait_dma2 semaphore(%run_scoped3A_400 : memref<!tpu.dma_semaphore, #tpu.memory_space<semaphore_mem>>) src(%dma_wait3A_424 : memref<96x128xf32, #tpu.memory_space<vmem>>) dst(%dma_wait3A_421 : memref<96x128xf32, #tpu.memory_space<hbm>>)
        tpu.yield
      }) : () -> ()
      %add3A_355 = arith.constant 960 : i32
      %add3A_356 = arith.addi %multiple_of3A, %add3A_355 : i32
      %multiple_of3A_357 = tpu.assume_multiple %add3A_356, 8 : i32
      %dma_start3A_358 = arith.constant 0 : i32
      %dma_start3A_359 = arith.constant 0 : i32
      %dma_start3A_360 = tpu.memref_slice %arg7[%dma_start3A_358, %dma_start3A_359] : memref<100x128xf32, #tpu.memory_space<vmem>> -> memref<40x128xf32, #tpu.memory_space<vmem>>
      %dma_start3A_361 = arith.constant 0 : i32
      %dma_start3A_362 = tpu.memref_slice %arg6[%multiple_of3A_357, %dma_start3A_361] : memref<10000x128xf32, #tpu.memory_space<vmem_shared>> -> memref<40x128xf32, #tpu.memory_space<vmem_shared>>
      %dma_start3A_363 = arith.constant 0 : i32
      %dma_start3A_364 = arith.constant 0 : i32
      %dma_start3A_365 = tpu.memref_slice %arg7[%dma_start3A_363, %dma_start3A_364] : memref<100x128xf32, #tpu.memory_space<vmem>> -> memref<40x128xf32, #tpu.memory_space<vmem>>
      %dma_start3A_366 = arith.constant 0 : i32
      %dma_start3A_367 = tpu.memref_slice %arg6[%multiple_of3A_357, %dma_start3A_366] : memref<10000x128xf32, #tpu.memory_space<vmem_shared>> -> memref<40x128xf32, #tpu.memory_space<vmem_shared>>
      tpu.enqueue_dma source(%dma_start3A_367 : memref<40x128xf32, #tpu.memory_space<vmem_shared>>) target(%dma_start3A_365 : memref<40x128xf32, #tpu.memory_space<vmem>>) target_semaphore(%arg10 : memref<!tpu.dma_semaphore, #tpu.memory_space<semaphore_mem>>)
      %add3A_368 = arith.constant 864 : i32
      %add3A_369 = arith.addi %multiple_of3A, %add3A_368 : i32
      %multiple_of3A_370 = tpu.assume_multiple %add3A_369, 8 : i32
      %add3A_371 = arith.constant 864 : i32
      %add3A_372 = arith.addi %multiple_of3A, %add3A_371 : i32
      %multiple_of3A_373 = tpu.assume_multiple %add3A_372, 8 : i32
      %dma_wait3A_374 = arith.constant 0 : i32
      %dma_wait3A_375 = arith.constant 0 : i32
      %dma_wait3A_376 = tpu.memref_slice %arg8[%dma_wait3A_374, %dma_wait3A_375] : memref<100x128xf32, #tpu.memory_space<vmem>> -> memref<96x128xf32, #tpu.memory_space<vmem>>
      %dma_wait3A_377 = arith.constant 0 : i32
      %dma_wait3A_378 = tpu.memref_slice %arg6[%multiple_of3A_373, %dma_wait3A_377] : memref<10000x128xf32, #tpu.memory_space<vmem_shared>> -> memref<96x128xf32, #tpu.memory_space<vmem_shared>>
      %dma_wait3A_379 = arith.constant 0 : i32
      %dma_wait3A_380 = arith.constant 0 : i32
      %dma_wait3A_381 = tpu.memref_slice %arg8[%dma_wait3A_379, %dma_wait3A_380] : memref<100x128xf32, #tpu.memory_space<vmem>> -> memref<96x128xf32, #tpu.memory_space<vmem>>
      %dma_wait3A_382 = arith.constant 0 : i32
      %dma_wait3A_383 = tpu.memref_slice %arg6[%multiple_of3A_373, %dma_wait3A_382] : memref<10000x128xf32, #tpu.memory_space<vmem_shared>> -> memref<96x128xf32, #tpu.memory_space<vmem_shared>>
      tpu.wait_dma2 semaphore(%arg11 : memref<!tpu.dma_semaphore, #tpu.memory_space<semaphore_mem>>) src(%dma_wait3A_383 : memref<96x128xf32, #tpu.memory_space<vmem_shared>>) dst(%dma_wait3A_381 : memref<96x128xf32, #tpu.memory_space<vmem>>)
      "tpu.region"() ({
        %run_scoped3A_400 = tpu.sem_alloc : memref<!tpu.dma_semaphore, #tpu.memory_space<semaphore_mem>>
        %dma_start3A_401 = arith.constant 0 : i32
        %dma_start3A_402 = arith.constant 0 : i32
        %dma_start3A_403 = tpu.memref_slice %arg8[%dma_start3A_401, %dma_start3A_402] : memref<100x128xf32, #tpu.memory_space<vmem>> -> memref<96x128xf32, #tpu.memory_space<vmem>>
        %dma_start3A_404 = arith.constant 0 : i32
        %dma_start3A_405 = tpu.memref_slice %arg5[%arg0, %multiple_of3A_370, %dma_start3A_404] : memref<2x10000x128xf32, #tpu.memory_space<hbm>> -> memref<1x96x128xf32, #tpu.memory_space<hbm>>
        %dma_start3A_406 = tpu.memref_squeeze %dma_start3A_405 : memref<1x96x128xf32, #tpu.memory_space<hbm>> -> memref<96x128xf32, #tpu.memory_space<hbm>>
        %dma_start3A_407 = arith.constant 0 : i32
        %dma_start3A_408 = tpu.memref_slice %arg5[%arg0, %multiple_of3A_370, %dma_start3A_407] : memref<2x10000x128xf32, #tpu.memory_space<hbm>> -> memref<1x96x128xf32, #tpu.memory_space<hbm>>
        %dma_start3A_409 = tpu.memref_squeeze %dma_start3A_408 : memref<1x96x128xf32, #tpu.memory_space<hbm>> -> memref<96x128xf32, #tpu.memory_space<hbm>>
        %dma_start3A_410 = arith.constant 0 : i32
        %dma_start3A_411 = arith.constant 0 : i32
        %dma_start3A_412 = tpu.memref_slice %arg8[%dma_start3A_410, %dma_start3A_411] : memref<100x128xf32, #tpu.memory_space<vmem>> -> memref<96x128xf32, #tpu.memory_space<vmem>>
        tpu.enqueue_dma source(%dma_start3A_412 : memref<96x128xf32, #tpu.memory_space<vmem>>) target(%dma_start3A_409 : memref<96x128xf32, #tpu.memory_space<hbm>>) target_semaphore(%run_scoped3A_400 : memref<!tpu.dma_semaphore, #tpu.memory_space<semaphore_mem>>)
        %dma_wait3A_413 = arith.constant 0 : i32
        %dma_wait3A_414 = arith.constant 0 : i32
        %dma_wait3A_415 = tpu.memref_slice %arg8[%dma_wait3A_413, %dma_wait3A_414] : memref<100x128xf32, #tpu.memory_space<vmem>> -> memref<96x128xf32, #tpu.memory_space<vmem>>
        %dma_wait3A_416 = arith.constant 0 : i32
        %dma_wait3A_417 = tpu.memref_slice %arg5[%arg0, %multiple_of3A_370, %dma_wait3A_416] : memref<2x10000x128xf32, #tpu.memory_space<hbm>> -> memref<1x96x128xf32, #tpu.memory_space<hbm>>
        %dma_wait3A_418 = tpu.memref_squeeze %dma_wait3A_417 : memref<1x96x128xf32, #tpu.memory_space<hbm>> -> memref<96x128xf32, #tpu.memory_space<hbm>>
        %dma_wait3A_419 = arith.constant 0 : i32
        %dma_wait3A_420 = tpu.memref_slice %arg5[%arg0, %multiple_of3A_370, %dma_wait3A_419] : memref<2x10000x128xf32, #tpu.memory_space<hbm>> -> memref<1x96x128xf32, #tpu.memory_space<hbm>>
        %dma_wait3A_421 = tpu.memref_squeeze %dma_wait3A_420 : memref<1x96x128xf32, #tpu.memory_space<hbm>> -> memref<96x128xf32, #tpu.memory_space<hbm>>
        %dma_wait3A_422 = arith.constant 0 : i32
        %dma_wait3A_423 = arith.constant 0 : i32
        %dma_wait3A_424 = tpu.memref_slice %arg8[%dma_wait3A_422, %dma_wait3A_423] : memref<100x128xf32, #tpu.memory_space<vmem>> -> memref<96x128xf32, #tpu.memory_space<vmem>>
        tpu.wait_dma2 semaphore(%run_scoped3A_400 : memref<!tpu.dma_semaphore, #tpu.memory_space<semaphore_mem>>) src(%dma_wait3A_424 : memref<96x128xf32, #tpu.memory_space<vmem>>) dst(%dma_wait3A_421 : memref<96x128xf32, #tpu.memory_space<hbm>>)
        tpu.yield
      }) : () -> ()
      %add3A_384 = arith.constant 960 : i32
      %add3A_385 = arith.addi %multiple_of3A, %add3A_384 : i32
      %multiple_of3A_386 = tpu.assume_multiple %add3A_385, 8 : i32
      %add3A_387 = arith.constant 960 : i32
      %add3A_388 = arith.addi %multiple_of3A, %add3A_387 : i32
      %multiple_of3A_389 = tpu.assume_multiple %add3A_388, 8 : i32
      %dma_wait3A_390 = arith.constant 0 : i32
      %dma_wait3A_391 = arith.constant 0 : i32
      %dma_wait3A_392 = tpu.memref_slice %arg7[%dma_wait3A_390, %dma_wait3A_391] : memref<100x128xf32, #tpu.memory_space<vmem>> -> memref<40x128xf32, #tpu.memory_space<vmem>>
      %dma_wait3A_393 = arith.constant 0 : i32
      %dma_wait3A_394 = tpu.memref_slice %arg6[%multiple_of3A_389, %dma_wait3A_393] : memref<10000x128xf32, #tpu.memory_space<vmem_shared>> -> memref<40x128xf32, #tpu.memory_space<vmem_shared>>
      %dma_wait3A_395 = arith.constant 0 : i32
      %dma_wait3A_396 = arith.constant 0 : i32
      %dma_wait3A_397 = tpu.memref_slice %arg7[%dma_wait3A_395, %dma_wait3A_396] : memref<100x128xf32, #tpu.memory_space<vmem>> -> memref<40x128xf32, #tpu.memory_space<vmem>>
      %dma_wait3A_398 = arith.constant 0 : i32
      %dma_wait3A_399 = tpu.memref_slice %arg6[%multiple_of3A_389, %dma_wait3A_398] : memref<10000x128xf32, #tpu.memory_space<vmem_shared>> -> memref<40x128xf32, #tpu.memory_space<vmem_shared>>
      tpu.wait_dma2 semaphore(%arg10 : memref<!tpu.dma_semaphore, #tpu.memory_space<semaphore_mem>>) src(%dma_wait3A_399 : memref<40x128xf32, #tpu.memory_space<vmem_shared>>) dst(%dma_wait3A_397 : memref<40x128xf32, #tpu.memory_space<vmem>>)
      "tpu.region"() ({
        %run_scoped3A_400 = tpu.sem_alloc : memref<!tpu.dma_semaphore, #tpu.memory_space<semaphore_mem>>
        %dma_start3A_401 = arith.constant 0 : i32
        %dma_start3A_402 = arith.constant 0 : i32
        %dma_start3A_403 = tpu.memref_slice %arg7[%dma_start3A_401, %dma_start3A_402] : memref<100x128xf32, #tpu.memory_space<vmem>> -> memref<40x128xf32, #tpu.memory_space<vmem>>
        %dma_start3A_404 = arith.constant 0 : i32
        %dma_start3A_405 = tpu.memref_slice %arg5[%arg0, %multiple_of3A_386, %dma_start3A_404] : memref<2x10000x128xf32, #tpu.memory_space<hbm>> -> memref<1x40x128xf32, #tpu.memory_space<hbm>>
        %dma_start3A_406 = tpu.memref_squeeze %dma_start3A_405 : memref<1x40x128xf32, #tpu.memory_space<hbm>> -> memref<40x128xf32, #tpu.memory_space<hbm>>
        %dma_start3A_407 = arith.constant 0 : i32
        %dma_start3A_408 = tpu.memref_slice %arg5[%arg0, %multiple_of3A_386, %dma_start3A_407] : memref<2x10000x128xf32, #tpu.memory_space<hbm>> -> memref<1x40x128xf32, #tpu.memory_space<hbm>>
        %dma_start3A_409 = tpu.memref_squeeze %dma_start3A_408 : memref<1x40x128xf32, #tpu.memory_space<hbm>> -> memref<40x128xf32, #tpu.memory_space<hbm>>
        %dma_start3A_410 = arith.constant 0 : i32
        %dma_start3A_411 = arith.constant 0 : i32
        %dma_start3A_412 = tpu.memref_slice %arg7[%dma_start3A_410, %dma_start3A_411] : memref<100x128xf32, #tpu.memory_space<vmem>> -> memref<40x128xf32, #tpu.memory_space<vmem>>
        tpu.enqueue_dma source(%dma_start3A_412 : memref<40x128xf32, #tpu.memory_space<vmem>>) target(%dma_start3A_409 : memref<40x128xf32, #tpu.memory_space<hbm>>) target_semaphore(%run_scoped3A_400 : memref<!tpu.dma_semaphore, #tpu.memory_space<semaphore_mem>>)
        %dma_wait3A_413 = arith.constant 0 : i32
        %dma_wait3A_414 = arith.constant 0 : i32
        %dma_wait3A_415 = tpu.memref_slice %arg7[%dma_wait3A_413, %dma_wait3A_414] : memref<100x128xf32, #tpu.memory_space<vmem>> -> memref<40x128xf32, #tpu.memory_space<vmem>>
        %dma_wait3A_416 = arith.constant 0 : i32
        %dma_wait3A_417 = tpu.memref_slice %arg5[%arg0, %multiple_of3A_386, %dma_wait3A_416] : memref<2x10000x128xf32, #tpu.memory_space<hbm>> -> memref<1x40x128xf32, #tpu.memory_space<hbm>>
        %dma_wait3A_418 = tpu.memref_squeeze %dma_wait3A_417 : memref<1x40x128xf32, #tpu.memory_space<hbm>> -> memref<40x128xf32, #tpu.memory_space<hbm>>
        %dma_wait3A_419 = arith.constant 0 : i32
        %dma_wait3A_420 = tpu.memref_slice %arg5[%arg0, %multiple_of3A_386, %dma_wait3A_419] : memref<2x10000x128xf32, #tpu.memory_space<hbm>> -> memref<1x40x128xf32, #tpu.memory_space<hbm>>
        %dma_wait3A_421 = tpu.memref_squeeze %dma_wait3A_420 : memref<1x40x128xf32, #tpu.memory_space<hbm>> -> memref<40x128xf32, #tpu.memory_space<hbm>>
        %dma_wait3A_422 = arith.constant 0 : i32
        %dma_wait3A_423 = arith.constant 0 : i32
        %dma_wait3A_424 = tpu.memref_slice %arg7[%dma_wait3A_422, %dma_wait3A_423] : memref<100x128xf32, #tpu.memory_space<vmem>> -> memref<40x128xf32, #tpu.memory_space<vmem>>
        tpu.wait_dma2 semaphore(%run_scoped3A_400 : memref<!tpu.dma_semaphore, #tpu.memory_space<semaphore_mem>>) src(%dma_wait3A_424 : memref<40x128xf32, #tpu.memory_space<vmem>>) dst(%dma_wait3A_421 : memref<40x128xf32, #tpu.memory_space<hbm>>)
        tpu.yield
      }) : () -> ()
    } else {
    }
    return
  }
}

module attributes {stable_mosaic.version = 14 : i64} {
  func.func @_prescale_body(%arg0: i32, %arg1: memref<5000x16xf32, #tpu.memory_space<vmem>>, %arg2: memref<16x128xf32, #tpu.memory_space<vmem>>, %arg3: memref<1x128xf32, #tpu.memory_space<vmem>>, %arg4: memref<128x128xf32, #tpu.memory_space<vmem>>, %arg5: memref<5000x2xf32, #tpu.memory_space<vmem>>, %arg6: memref<5000x128xf32, #tpu.memory_space<vmem>>) attributes {dimension_semantics = [#tpu.dimension_semantics<arbitrary>], iteration_bounds = array<i64: 2>, scalar_prefetch = 0 : i64, scratch_operands = 0 : i64, tpu.core_type = #tpu.core_type<tc>, window_params = [{transform_indices = @transform_0, window_bounds = array<i64: 5000, 16>}, {pipeline_mode = #tpu.pipeline_mode<synchronous>, transform_indices = @transform_1, window_bounds = array<i64: 16, 128>}, {pipeline_mode = #tpu.pipeline_mode<synchronous>, transform_indices = @transform_2, window_bounds = array<i64: 1, 128>}, {pipeline_mode = #tpu.pipeline_mode<synchronous>, transform_indices = @transform_3, window_bounds = array<i64: 128, 128>}, {transform_indices = @transform_4, window_bounds = array<i64: 5000, 2>}, {transform_indices = @transform_5, window_bounds = array<i64: 5000, 128>}]} {
    %get3A = arith.constant 0 : index
    %get3A_0 = arith.constant 0 : index
    %get3A_1 = vector.load %arg1[%get3A, %get3A_0] : memref<5000x16xf32, #tpu.memory_space<vmem>>, vector<5000x16xf32>
    %get3A_2 = arith.constant 0 : index
    %get3A_3 = arith.constant 0 : index
    %get3A_4 = vector.load %arg2[%get3A_2, %get3A_3] : memref<16x128xf32, #tpu.memory_space<vmem>>, vector<16x128xf32>
    %dot_general3A = arith.constant dense<0.000000e+00> : vector<5000x128xf32>
    %dot_general3A_5 = tpu.matmul %get3A_1, %get3A_4, %dot_general3A {dimension_numbers = #tpu.dot_dimension_numbers<[1], [0], [0], [1], [0, 0, 1, 1], [], []>, transpose_lhs_hint = false} : vector<5000x16xf32>, vector<16x128xf32>, vector<5000x128xf32> -> vector<5000x128xf32>
    %get3A_6 = arith.constant 0 : index
    %get3A_7 = arith.constant 0 : index
    %get3A_8 = vector.load %arg3[%get3A_6, %get3A_7] : memref<1x128xf32, #tpu.memory_space<vmem>>, vector<1x128xf32>
    %add3A = vector.broadcast %get3A_8 : vector<1x128xf32> to vector<5000x128xf32>
    %add3A_9 = arith.addf %dot_general3A_5, %add3A : vector<5000x128xf32>
    %max3A = arith.constant 0.000000e+00 : f32
    %max3A_10 = vector.broadcast %max3A : f32 to vector<5000x128xf32>
    %max3A_11 = arith.maximumf %add3A_9, %max3A_10 : vector<5000x128xf32>
    %get3A_12 = arith.constant 0 : index
    %get3A_13 = arith.constant 0 : index
    %get3A_14 = vector.load %arg4[%get3A_12, %get3A_13] : memref<128x128xf32, #tpu.memory_space<vmem>>, vector<128x128xf32>
    %dot_general3A_15 = arith.constant dense<0.000000e+00> : vector<5000x128xf32>
    %dot_general3A_16 = tpu.matmul %max3A_11, %get3A_14, %dot_general3A_15 {dimension_numbers = #tpu.dot_dimension_numbers<[1], [0], [0], [1], [0, 0, 1, 1], [], []>, transpose_lhs_hint = false} : vector<5000x128xf32>, vector<128x128xf32>, vector<5000x128xf32> -> vector<5000x128xf32>
    %get3A_17 = arith.constant 0 : index
    %get3A_18 = arith.constant 0 : index
    %get3A_19 = vector.load %arg5[%get3A_17, %get3A_18] : memref<5000x2xf32, #tpu.memory_space<vmem>>, vector<5000x1xf32>
    %get3A_20 = arith.constant 0 : index
    %get3A_21 = arith.constant 1 : index
    %get3A_22 = vector.load %arg5[%get3A_20, %get3A_21] : memref<5000x2xf32, #tpu.memory_space<vmem>>, vector<5000x1xf32>
    %add3A_23 = arith.addf %get3A_19, %get3A_22 : vector<5000x1xf32>
    %add3A_24 = arith.constant 1.000000e+00 : f32
    %add3A_25 = vector.broadcast %add3A_24 : f32 to vector<5000x1xf32>
    %add3A_26 = arith.addf %add3A_23, %add3A_25 : vector<5000x1xf32>
    %rsqrt3A = math.rsqrt %add3A_26 : vector<5000x1xf32>
    %mul3A = vector.broadcast %rsqrt3A : vector<5000x1xf32> to vector<5000x128xf32>
    %mul3A_27 = arith.mulf %dot_general3A_16, %mul3A : vector<5000x128xf32>
    %swap3A = arith.constant 0 : index
    %swap3A_28 = arith.constant 0 : index
    %swap3A_29 = vector.load %arg6[%swap3A, %swap3A_28] : memref<5000x128xf32, #tpu.memory_space<vmem>>, vector<5000x128xf32>
    tpu.vector_store %arg6[%swap3A, %swap3A_28], %mul3A_27 {strides = array<i32>} : memref<5000x128xf32, #tpu.memory_space<vmem>>, vector<5000x128xf32>,
    return
  }
  func.func @transform_0(%arg0: i32) -> (i32, i32) {
    %c0_i32 = arith.constant 0 : i32
    %c0_i32_0 = arith.constant 0 : i32
    return %arg0, %c0_i32 : i32, i32
  }
  func.func @transform_1(%arg0: i32) -> (i32, i32) {
    %c0_i32 = arith.constant 0 : i32
    %c0_i32_0 = arith.constant 0 : i32
    %c0_i32_1 = arith.constant 0 : i32
    return %c0_i32, %c0_i32_0 : i32, i32
  }
  func.func @transform_2(%arg0: i32) -> (i32, i32) {
    %c0_i32 = arith.constant 0 : i32
    %c0_i32_0 = arith.constant 0 : i32
    %c0_i32_1 = arith.constant 0 : i32
    return %c0_i32, %c0_i32_0 : i32, i32
  }
  func.func @transform_3(%arg0: i32) -> (i32, i32) {
    %c0_i32 = arith.constant 0 : i32
    %c0_i32_0 = arith.constant 0 : i32
    %c0_i32_1 = arith.constant 0 : i32
    return %c0_i32, %c0_i32_0 : i32, i32
  }
  func.func @transform_4(%arg0: i32) -> (i32, i32) {
    %c0_i32 = arith.constant 0 : i32
    %c0_i32_0 = arith.constant 0 : i32
    return %arg0, %c0_i32 : i32, i32
  }
  func.func @transform_5(%arg0: i32) -> (i32, i32) {
    %c0_i32 = arith.constant 0 : i32
    %c0_i32_0 = arith.constant 0 : i32
    return %arg0, %c0_i32 : i32, i32
  }
}

module attributes {stable_mosaic.version = 14 : i64} {
  func.func @_fuse_body(%arg0: i32, %arg1: memref<5000x128xf32, #tpu.memory_space<vmem>>, %arg2: memref<2x5000x128xf32, #tpu.memory_space<vmem>>, %arg3: memref<5000x128xf32, #tpu.memory_space<vmem>>, %arg4: memref<5000x2xf32, #tpu.memory_space<vmem>>, %arg5: memref<1x128xf32, #tpu.memory_space<vmem>>, %arg6: memref<256x128xf32, #tpu.memory_space<vmem>>, %arg7: memref<1x128xf32, #tpu.memory_space<vmem>>, %arg8: memref<256x128xf32, #tpu.memory_space<vmem>>, %arg9: memref<1x128xf32, #tpu.memory_space<vmem>>, %arg10: memref<5000x128xf32, #tpu.memory_space<vmem>>) attributes {dimension_semantics = [#tpu.dimension_semantics<arbitrary>], iteration_bounds = array<i64: 2>, scalar_prefetch = 0 : i64, scratch_operands = 0 : i64, tpu.core_type = #tpu.core_type<tc>, window_params = [{transform_indices = @transform_0, window_bounds = array<i64: 5000, 128>}, {transform_indices = @transform_1, window_bounds = array<i64: 2, 5000, 128>}, {transform_indices = @transform_2, window_bounds = array<i64: 5000, 128>}, {transform_indices = @transform_3, window_bounds = array<i64: 5000, 2>}, {pipeline_mode = #tpu.pipeline_mode<synchronous>, transform_indices = @transform_4, window_bounds = array<i64: 1, 128>}, {pipeline_mode = #tpu.pipeline_mode<synchronous>, transform_indices = @transform_5, window_bounds = array<i64: 256, 128>}, {pipeline_mode = #tpu.pipeline_mode<synchronous>, transform_indices = @transform_6, window_bounds = array<i64: 1, 128>}, {pipeline_mode = #tpu.pipeline_mode<synchronous>, transform_indices = @transform_7, window_bounds = array<i64: 256, 128>}, {pipeline_mode = #tpu.pipeline_mode<synchronous>, transform_indices = @transform_8, window_bounds = array<i64: 1, 128>}, {transform_indices = @transform_9, window_bounds = array<i64: 5000, 128>}]} {
    %get3A = arith.constant 0 : index
    %get3A_0 = arith.constant 0 : index
    %get3A_1 = vector.load %arg4[%get3A, %get3A_0] : memref<5000x2xf32, #tpu.memory_space<vmem>>, vector<5000x1xf32>
    %get3A_2 = arith.constant 0 : index
    %get3A_3 = arith.constant 1 : index
    %get3A_4 = vector.load %arg4[%get3A_2, %get3A_3] : memref<5000x2xf32, #tpu.memory_space<vmem>>, vector<5000x1xf32>
    %add3A = arith.addf %get3A_1, %get3A_4 : vector<5000x1xf32>
    %add3A_5 = arith.constant 1.000000e+00 : f32
    %add3A_6 = vector.broadcast %add3A_5 : f32 to vector<5000x1xf32>
    %add3A_7 = arith.addf %add3A, %add3A_6 : vector<5000x1xf32>
    %rsqrt3A = math.rsqrt %add3A_7 : vector<5000x1xf32>
    %get3A_8 = arith.constant 0 : index
    %get3A_9 = arith.constant 0 : index
    %get3A_10 = arith.constant 0 : index
    %get3A_11 = vector.load %arg2[%get3A_8, %get3A_9, %get3A_10] : memref<2x5000x128xf32, #tpu.memory_space<vmem>>, vector<1x5000x128xf32>
    %get3A_12 = vector.shape_cast %get3A_11 : vector<1x5000x128xf32> to vector<5000x128xf32>
    %get3A_13 = arith.constant 1 : index
    %get3A_14 = arith.constant 0 : index
    %get3A_15 = arith.constant 0 : index
    %get3A_16 = vector.load %arg2[%get3A_13, %get3A_14, %get3A_15] : memref<2x5000x128xf32, #tpu.memory_space<vmem>>, vector<1x5000x128xf32>
    %get3A_17 = vector.shape_cast %get3A_16 : vector<1x5000x128xf32> to vector<5000x128xf32>
    %add3A_18 = arith.addf %get3A_12, %get3A_17 : vector<5000x128xf32>
    %get3A_19 = arith.constant 0 : index
    %get3A_20 = arith.constant 0 : index
    %get3A_21 = vector.load %arg3[%get3A_19, %get3A_20] : memref<5000x128xf32, #tpu.memory_space<vmem>>, vector<5000x128xf32>
    %add3A_22 = arith.addf %add3A_18, %get3A_21 : vector<5000x128xf32>
    %mul3A = vector.broadcast %rsqrt3A : vector<5000x1xf32> to vector<5000x128xf32>
    %mul3A_23 = arith.mulf %add3A_22, %mul3A : vector<5000x128xf32>
    %get3A_24 = arith.constant 0 : index
    %get3A_25 = arith.constant 0 : index
    %get3A_26 = vector.load %arg5[%get3A_24, %get3A_25] : memref<1x128xf32, #tpu.memory_space<vmem>>, vector<1x128xf32>
    %add3A_27 = vector.broadcast %get3A_26 : vector<1x128xf32> to vector<5000x128xf32>
    %add3A_28 = arith.addf %mul3A_23, %add3A_27 : vector<5000x128xf32>
    %max3A = arith.constant 0.000000e+00 : f32
    %max3A_29 = vector.broadcast %max3A : f32 to vector<5000x128xf32>
    %max3A_30 = arith.maximumf %add3A_28, %max3A_29 : vector<5000x128xf32>
    %get3A_31 = arith.constant 0 : index
    %get3A_32 = arith.constant 0 : index
    %get3A_33 = vector.load %arg1[%get3A_31, %get3A_32] : memref<5000x128xf32, #tpu.memory_space<vmem>>, vector<5000x128xf32>
    %get3A_34 = arith.constant 0 : index
    %get3A_35 = arith.constant 0 : index
    %get3A_36 = vector.load %arg6[%get3A_34, %get3A_35] : memref<256x128xf32, #tpu.memory_space<vmem>>, vector<128x128xf32>
    %dot_general3A = arith.constant dense<0.000000e+00> : vector<5000x128xf32>
    %dot_general3A_37 = tpu.matmul %get3A_33, %get3A_36, %dot_general3A {dimension_numbers = #tpu.dot_dimension_numbers<[1], [0], [0], [1], [0, 0, 1, 1], [], []>, transpose_lhs_hint = false} : vector<5000x128xf32>, vector<128x128xf32>, vector<5000x128xf32> -> vector<5000x128xf32>
    %get3A_38 = arith.constant 128 : index
    %get3A_39 = arith.constant 0 : index
    %get3A_40 = vector.load %arg6[%get3A_38, %get3A_39] : memref<256x128xf32, #tpu.memory_space<vmem>>, vector<128x128xf32>
    %dot_general3A_41 = arith.constant dense<0.000000e+00> : vector<5000x128xf32>
    %dot_general3A_42 = tpu.matmul %max3A_30, %get3A_40, %dot_general3A_41 {dimension_numbers = #tpu.dot_dimension_numbers<[1], [0], [0], [1], [0, 0, 1, 1], [], []>, transpose_lhs_hint = false} : vector<5000x128xf32>, vector<128x128xf32>, vector<5000x128xf32> -> vector<5000x128xf32>
    %add3A_43 = arith.addf %dot_general3A_37, %dot_general3A_42 : vector<5000x128xf32>
    %get3A_44 = arith.constant 0 : index
    %get3A_45 = arith.constant 0 : index
    %get3A_46 = vector.load %arg7[%get3A_44, %get3A_45] : memref<1x128xf32, #tpu.memory_space<vmem>>, vector<1x128xf32>
    %add3A_47 = vector.broadcast %get3A_46 : vector<1x128xf32> to vector<5000x128xf32>
    %add3A_48 = arith.addf %add3A_43, %add3A_47 : vector<5000x128xf32>
    %logistic3A = arith.negf %add3A_48 : vector<5000x128xf32>
    %logistic3A_49 = math.exp %logistic3A : vector<5000x128xf32>
    %logistic3A_50 = arith.constant 1.000000e+00 : f32
    %logistic3A_51 = vector.broadcast %logistic3A_50 : f32 to vector<5000x128xf32>
    %logistic3A_52 = arith.addf %logistic3A_51, %logistic3A_49 : vector<5000x128xf32>
    %logistic3A_53 = arith.divf %logistic3A_51, %logistic3A_52 : vector<5000x128xf32>
    %sub3A = arith.constant 1.000000e+00 : f32
    %sub3A_54 = vector.broadcast %sub3A : f32 to vector<5000x128xf32>
    %sub3A_55 = arith.subf %sub3A_54, %logistic3A_53 : vector<5000x128xf32>
    %mul3A_56 = arith.mulf %get3A_33, %sub3A_55 : vector<5000x128xf32>
    %mul3A_57 = arith.mulf %max3A_30, %logistic3A_53 : vector<5000x128xf32>
    %add3A_58 = arith.addf %mul3A_56, %mul3A_57 : vector<5000x128xf32>
    %get3A_59 = arith.constant 0 : index
    %get3A_60 = arith.constant 0 : index
    %get3A_61 = vector.load %arg8[%get3A_59, %get3A_60] : memref<256x128xf32, #tpu.memory_space<vmem>>, vector<128x128xf32>
    %dot_general3A_62 = arith.constant dense<0.000000e+00> : vector<5000x128xf32>
    %dot_general3A_63 = tpu.matmul %get3A_33, %get3A_61, %dot_general3A_62 {dimension_numbers = #tpu.dot_dimension_numbers<[1], [0], [0], [1], [0, 0, 1, 1], [], []>, transpose_lhs_hint = false} : vector<5000x128xf32>, vector<128x128xf32>, vector<5000x128xf32> -> vector<5000x128xf32>
    %get3A_64 = arith.constant 128 : index
    %get3A_65 = arith.constant 0 : index
    %get3A_66 = vector.load %arg8[%get3A_64, %get3A_65] : memref<256x128xf32, #tpu.memory_space<vmem>>, vector<128x128xf32>
    %dot_general3A_67 = arith.constant dense<0.000000e+00> : vector<5000x128xf32>
    %dot_general3A_68 = tpu.matmul %add3A_58, %get3A_66, %dot_general3A_67 {dimension_numbers = #tpu.dot_dimension_numbers<[1], [0], [0], [1], [0, 0, 1, 1], [], []>, transpose_lhs_hint = false} : vector<5000x128xf32>, vector<128x128xf32>, vector<5000x128xf32> -> vector<5000x128xf32>
    %add3A_69 = arith.addf %dot_general3A_63, %dot_general3A_68 : vector<5000x128xf32>
    %get3A_70 = arith.constant 0 : index
    %get3A_71 = arith.constant 0 : index
    %get3A_72 = vector.load %arg9[%get3A_70, %get3A_71] : memref<1x128xf32, #tpu.memory_space<vmem>>, vector<1x128xf32>
    %add3A_73 = vector.broadcast %get3A_72 : vector<1x128xf32> to vector<5000x128xf32>
    %add3A_74 = arith.addf %add3A_69, %add3A_73 : vector<5000x128xf32>
    %max3A_75 = arith.constant 0.000000e+00 : f32
    %max3A_76 = vector.broadcast %max3A_75 : f32 to vector<5000x128xf32>
    %max3A_77 = arith.maximumf %add3A_74, %max3A_76 : vector<5000x128xf32>
    %swap3A = arith.constant 0 : index
    %swap3A_78 = arith.constant 0 : index
    %swap3A_79 = vector.load %arg10[%swap3A, %swap3A_78] : memref<5000x128xf32, #tpu.memory_space<vmem>>, vector<5000x128xf32>
    tpu.vector_store %arg10[%swap3A, %swap3A_78], %max3A_77 {strides = array<i32>} : memref<5000x128xf32, #tpu.memory_space<vmem>>, vector<5000x128xf32>,
    return
  }
  func.func @transform_0(%arg0: i32) -> (i32, i32) {
    %c0_i32 = arith.constant 0 : i32
    %c0_i32_0 = arith.constant 0 : i32
    return %arg0, %c0_i32 : i32, i32
  }
  func.func @transform_1(%arg0: i32) -> (i32, i32, i32) {
    %c0_i32 = arith.constant 0 : i32
    %c0_i32_0 = arith.constant 0 : i32
    %c0_i32_1 = arith.constant 0 : i32
    return %c0_i32, %arg0, %c0_i32_0 : i32, i32, i32
  }
  func.func @transform_2(%arg0: i32) -> (i32, i32) {
    %c0_i32 = arith.constant 0 : i32
    %c0_i32_0 = arith.constant 0 : i32
    return %arg0, %c0_i32 : i32, i32
  }
  func.func @transform_3(%arg0: i32) -> (i32, i32) {
    %c0_i32 = arith.constant 0 : i32
    %c0_i32_0 = arith.constant 0 : i32
    return %arg0, %c0_i32 : i32, i32
  }
  func.func @transform_4(%arg0: i32) -> (i32, i32) {
    %c0_i32 = arith.constant 0 : i32
    %c0_i32_0 = arith.constant 0 : i32
    %c0_i32_1 = arith.constant 0 : i32
    return %c0_i32, %c0_i32_0 : i32, i32
  }
  func.func @transform_5(%arg0: i32) -> (i32, i32) {
    %c0_i32 = arith.constant 0 : i32
    %c0_i32_0 = arith.constant 0 : i32
    %c0_i32_1 = arith.constant 0 : i32
    return %c0_i32, %c0_i32_0 : i32, i32
  }
  func.func @transform_6(%arg0: i32) -> (i32, i32) {
    %c0_i32 = arith.constant 0 : i32
    %c0_i32_0 = arith.constant 0 : i32
    %c0_i32_1 = arith.constant 0 : i32
    return %c0_i32, %c0_i32_0 : i32, i32
  }
  func.func @transform_7(%arg0: i32) -> (i32, i32) {
    %c0_i32 = arith.constant 0 : i32
    %c0_i32_0 = arith.constant 0 : i32
    %c0_i32_1 = arith.constant 0 : i32
    return %c0_i32, %c0_i32_0 : i32, i32
  }
  func.func @transform_8(%arg0: i32) -> (i32, i32) {
    %c0_i32 = arith.constant 0 : i32
    %c0_i32_0 = arith.constant 0 : i32
    %c0_i32_1 = arith.constant 0 : i32
    return %c0_i32, %c0_i32_0 : i32, i32
  }
  func.func @transform_9(%arg0: i32) -> (i32, i32) {
    %c0_i32 = arith.constant 0 : i32
    %c0_i32_0 = arith.constant 0 : i32
    return %arg0, %c0_i32 : i32, i32
  }
}

</mosaic_0001>

<sc_bundles>
// kernel: kernel.6.cloned.1.call-start
scs
__scs_entry_jumppad:
0x0: {  	(pc) =	sbr.rel $0x88, $3  }
0x1: {  	(tag) =	ssettag $0x0;
	lr =	simm.s32 $0x1  }
0x2: {  	[smem:$0x3F96] =	sst lr;
	_ =	strace $0xD0000000  }
0x3: {  	_ = 	snop  }
0x4: {  	_ = 	snop  }
0x5: {  	_ = 	snop  }
0x6: {  	_ = 	snop  }
0x7: {  	_ = 	snop  }
__scs_overlays_trampoline_lowered:
0x8: {  	[smem:$0x3FA5] =	sst s0  }
0x9: {  	[smem:$0x3FA6] =	sst s1  }
0xa: {  	[smem:$0x3FA7] =	sst s2  }
0xb: {  	[smem:$0x3FA8] =	sst s3  }
0xc: {  	[smem:$0x3FA9] =	sst s4  }
0xd: {  	[smem:$0x3FAA] =	sst s5  }
0xe: {  	[smem:$0x3FAB] =	sst s6  }
0xf: {  	[smem:$0x3FAC] =	sst s7  }
0x10: {  	[smem:$0x3FAD] =	sst s8  }
0x11: {  	[smem:$0x3FAE] =	sst s9;
	s0 =	simm.s32 @!p0 $0x0  }
0x12: {  	s1 =	sld [smem:$0x3F94];
	s0 =	simm.s32 @p0 $0x1  }
0x13: {  	[smem:$0x3FAF] =	sst s0;
	s0 =	simm.s32 @!p1 $0x0  }
0x14: {  	s2 =	sld [smem:$0x3F93];
	s0 =	simm.s32 @p1 $0x1  }
0x15: {  	[smem:$0x3FB0] =	sst s0;
	s0 =	simm.s32 @!p2 $0x0  }
0x16: {  	s3 =	sld [smem:$0x3FDB];
	s0 =	simm.s32 @p2 $0x1  }
0x17: {  	s4 =	simm.s32 $0x1BF5;
	[smem:$0x3FB2] =	sst s0  }
0x18: {  	s0 =	sld [smem:$0x3F95];
	_ =	swait.ge [sflag:s4], $0x0  }
0x19: {  	s7 =	sld [smem:$0x3F96]  }
0x1a: {  	s8 =	sadd.s32 $0xFFFFE003, lr  }
0x1b: {  	s9 =	sadd.s32 $0xFFFFFEF7, lr;
	s5 =	simm.s32 $0xFFFFFFFF;
	p2 =	slt.u32 s8, $0xFFFFF086  }
0x1c: {  	p1 =	slt.u32 s9, $0xF7A;
	s5 =	simm.s32 @!p2 $0x0  }
0x1d: {  	s5 =	simm.s32 @p1 $0x1;
	p0 =	seq.s32 s7, s2  }
0x1e: {  	s7 =	smul.u32 @!p0 $0xF7A, s2;
	p2 =	seq.s32 @!p0 s5, $0x0  }
0x1f: {  	s9 =	smul.u32 $0xF7A, s1;
	s8 =	simm.s32 @!p0 $0x1BF5;
	p2 =	por !p2, p0  }
0x20: {  	[sflag:s8] =	ssyncset.s32 @!p0 $0xFFFFF086;
	s6 =	sadd.s32 @!p0 s3, s7;
	s7 =	simm.s32 @!p0 $0x108  }
0x21: {  	s3 =	sadd.s32 s3, s9;
	s6 =	sadd.s32 @!p0 $0x88, s6;
	s7 =	simm.s32 @p2 $0x1082  }
0x22: {  	[simem:s7], [sflag:s8] =	dma.local @!p0 [hbm:s6], $0xF7A  }
0x23: {  	s9 =	sor.u32 $0xD0000000, s2;
	s6 =	simm.s32 $0x108;
	_ =	swait.ge @!p0 [sflag:s8], $0x0  }
0x24: {  	s3 =	sadd.s32 $0x88, s3;
	s6 =	simm.s32 @!p1 $0x1082;
	[sflag:s4] =	ssyncset.s32 $0xFFFFF086  }
0x25: {  	[simem:s6], [sflag:s4] =	dma.local [hbm:s3], $0xF7A  }
0x26: {  	[smem:$0x3F96] =	sst s1;
	(tag) =	ssettag s2;
	_ =	strace s9  }
0x27: {  	s1 =	sld [smem:$0x3FA6]  }
0x28: {  	s2 =	sld [smem:$0x3FA7]  }
0x29: {  	s4 =	sld [smem:$0x3FA9]  }
0x2a: {  	p0 =	seq.s32 s5, $0x0;
	s5 =	sld [smem:$0x3FAA]  }
0x2b: {  	s6 =	sld [smem:$0x3FAB]  }
0x2c: {  	s7 =	sld [smem:$0x3FAC]  }
0x2d: {  	s3 =	simm.s32 $0x108;
	s8 =	sld [smem:$0x3FAD]  }
0x2e: {  	s3 =	simm.s32 @!p0 $0x1082;
	s9 =	sld [smem:$0x3FAE]  }
0x2f: {  	lr =	sadd.s32 s0, s3;
	s0 =	sld [smem:$0x3FA5]  }
0x30: {  	s3 =	sld [smem:$0x3FA8]  }
0x31: {  	[smem:$0x3FB1] =	sst s10  }
0x32: {  	s10 =	sld [smem:$0x3FAF];
	_ =	sdelay $0x3  }
0x33: {  	p0 =	seq.s32 s10, $0x1;
	s10 =	sld [smem:$0x3FB1];
	_ =	sdelay $0x3  }
0x34: {  	[smem:$0x3FB1] =	sst s10  }
0x35: {  	s10 =	sld [smem:$0x3FB0];
	_ =	sdelay $0x3  }
0x36: {  	p1 =	seq.s32 s10, $0x1;
	s10 =	sld [smem:$0x3FB1];
	_ =	sdelay $0x3  }
0x37: {  	[smem:$0x3FB1] =	sst s10  }
0x38: {  	s10 =	sld [smem:$0x3FB2]  }
0x39: {  	_ = 	snop;
	(pc) =	sbr.ind lr, $3  }
0x3a: {  	_ = 	snop  }
0x3b: {  	_ = 	snop  }
0x3c: {  	p2 =	seq.s32 s10, $0x1;
	s10 =	sld [smem:$0x3FB1]  }
0x3d: {  	_ =	shalt  }
0x3e: {  	_ =	shalt  }
0x3f: {  	_ =	shalt  }
0x40: {  	_ =	shalt  }
0x41: {  	_ =	shalt  }
0x42: {  	_ =	shalt  }
0x43: {  	_ =	shalt  }
0x44: {  	_ =	shalt  }
0x45: {  	_ =	shalt  }
0x46: {  	_ =	shalt  }
0x47: {  	_ =	shalt  }
0x48: {  	_ =	shalt  }
0x49: {  	_ =	shalt  }
0x4a: {  	_ =	shalt  }
0x4b: {  	_ =	shalt  }
0x4c: {  	_ =	shalt  }
0x4d: {  	_ =	shalt  }
0x4e: {  	_ =	shalt  }
0x4f: {  	_ =	shalt  }
0x50: {  	_ =	shalt  }
0x51: {  	_ =	shalt  }
0x52: {  	_ =	shalt  }
0x53: {  	_ =	shalt  }
0x54: {  	_ =	shalt  }
0x55: {  	_ =	shalt  }
0x56: {  	_ =	shalt  }
0x57: {  	_ =	shalt  }
0x58: {  	_ =	shalt  }
0x59: {  	_ =	shalt  }
0x5a: {  	_ =	shalt  }
0x5b: {  	_ =	shalt  }
0x5c: {  	_ =	shalt  }
0x5d: {  	_ =	shalt  }
0x5e: {  	_ =	shalt  }
0x5f: {  	_ =	shalt  }
0x60: {  	_ =	shalt  }
0x61: {  	_ =	shalt  }
0x62: {  	_ =	shalt  }
0x63: {  	_ =	shalt  }
0x64: {  	_ =	shalt  }
0x65: {  	_ =	shalt  }
0x66: {  	_ =	shalt  }
0x67: {  	_ =	shalt  }
0x68: {  	_ =	shalt  }
0x69: {  	_ =	shalt  }
0x6a: {  	_ =	shalt  }
0x6b: {  	_ =	shalt  }
0x6c: {  	_ =	shalt  }
0x6d: {  	_ =	shalt  }
0x6e: {  	_ =	shalt  }
0x6f: {  	_ =	shalt  }
0x70: {  	_ =	shalt  }
0x71: {  	_ =	shalt  }
0x72: {  	_ =	shalt  }
0x73: {  	_ =	shalt  }
0x74: {  	_ =	shalt  }
0x75: {  	_ =	shalt  }
0x76: {  	_ =	shalt  }
0x77: {  	_ =	shalt  }
0x78: {  	_ =	shalt  }
0x79: {  	_ =	shalt  }
0x7a: {  	_ =	shalt  }
0x7b: {  	_ =	shalt  }
0x7c: {  	_ =	shalt  }
0x7d: {  	_ =	shalt  }
0x7e: {  	_ =	shalt  }
0x7f: {  	_ =	shalt  }
0x80: {  	_ =	shalt  }
0x81: {  	_ =	shalt  }
0x82: {  	_ =	shalt  }
0x83: {  	_ =	shalt  }
0x84: {  	_ =	shalt  }
0x85: {  	_ =	shalt  }
0x86: {  	_ =	shalt  }
0x87: {  	_ =	shalt  }
.Lfunc_end0:
.L_simem_size_0:
called_computation_lowered:
.L_overlay_start_0:
0x88: {  	s2 =	sld [smem:$0x3FD9]  }
0x89: {  	s3 =	sld [smem:$0x3FFE];
	_ =	sdelay $0x1  }
0x8a: {  	s1 =	srdreg.scid  }
0x8b: {  	s0 =	sand.u32 $0x1, s1  }
0x8c: {  	s17 =	sshll.u32 s0, $0xA;
	s2 =	sadd.s32 s3, s2  }
0x8d: {  	s2 =	sadd.s32 s2, s17  }
0x8e: {  	[smem:$0x3FBD] =	sst s2  }
0x8f: {  	_ = 	snop  }
0x90: {  	s2 =	sld [smem:$0x3FD0];
	(tm) =	ssettm $0x1  }
0x91: {  	s18 =	sld [smem:$0x3FFB];
	_ =	sdelay $0x3  }
0x92: {  	_ =	strace s18  }
0x93: {  	s3 =	sld [smem:$0x3FFC];
	_ =	sdelay $0x3  }
0x94: {  	_ =	strace s3  }
0x95: {  	s3 =	sld [smem:$0x3FFD];
	_ =	sdelay $0x3  }
0x96: {  	_ =	strace s3  }
0x97: {  	_ =	strace $0x8FFFFFFF  }
0x98: {  	s19 =	sld [smem:$0x3FDB];
	_ =	sdelay $0x1  }
0x99: {  	s4 =	simm.s32 $_scs_section_size  }
0x9a: {  	s5 =	simm.s32 $_size__tile_overlayer_lowered;
	s6 =	simm.s32 $_tile_overlayer_lowered  }
0x9b: {  	s22 =	simm.s32 $0x1BFF;
	s21 =	sshll.u32 s6, $0x1;
	s3 =	sadd.s32 s4, s19  }
0x9c: {  	s7 =	simm.s32 $0x0;
	s20 =	sshll.u32 s5, $0x1;
	s5 =	sadd.s32 s21, s3  }
0x9d: {  	[timem:s7], [sflag:s22] =	dma.local [hbm:s5], s20  }
0x9e: {  	_ =	swait.ge [sflag:s22], s20  }
0x9f: {  	s4 =	ssub.s32 $0x0, s20;
	[sflag:s22] =	ssyncset.done $0x0  }
0xa0: {  	[sflag:s22] =	ssyncadd.s32 s4;
	_ =	sdelay $0x1  }
0xa1: {  	s23 =	simm.s32 $0x1B8B  }
0xa2: {  	_ =	swait.ge [sflag:s23], $0x1  }
0xa3: {  	[sflag:s23] =	ssyncset.done $0x0  }
0xa4: {  	s25 =	simm.s32 $0x1B8E;
	s24 =	sld [smem:$0x3FFE];
	[sflag:s23] =	ssyncadd.s32 $0xFFFFFFFF  }
0xa5: {  	s26 =	simm.s32 $execute0_lowered;
	[smem:$0x3FD2] =	sst s25  }
0xa6: {  	s5 =	sshll.u32 s26, $0x1;
	_ =	strace $0x80000046;
	[dreg:$0x1] =	wrdreg $0xFFFFFFFF  }
0xa7: {  	s28 =	simm.s32 $_size_execute0_lowered;
	s3 =	sadd.s32 s3, s5;
	[dreg:$0x0] =	wrdreg $0x0  }
0xa8: {  	s5 =	sshll.u32 s28, $0x1;
	[dreg:$0x2] =	wrdreg s3  }
0xa9: {  	[dreg:$0x3] =	wrdreg s5  }
0xaa: {  	[dreg:$0x4] =	wrdreg $0xC0  }
0xab: {  	_ =	task [dreg:s7], $0x5FFFF  }
0xac: {  	[dreg:$0x1] =	wrdreg $0xFFFFFFFF  }
0xad: {  	[dreg:$0x0] =	wrdreg $0x60  }
0xae: {  	[dreg:$0x2] =	wrdreg s2  }
0xaf: {  	[dreg:$0x3] =	wrdreg s24  }
0xb0: {  	[dreg:$0x4] =	wrdreg $0x0  }
0xb1: {  	[dreg:$0x5] =	wrdreg $0x9  }
0xb2: {  	_ =	task.clear_ibuf [dreg:s7], $0x6FFFF;
	_ =	strace $0x90000046  }
0xb3: {  	s29 =	simm.s32 $0x9;
	_ =	strace $0x80000048  }
0xb4: {  	_ =	swait.ge [sflag:s29], $0x1  }
0xb5: {  	[sflag:s29] =	ssyncadd.s32 $0xFFFFFFFF  }
0xb6: {  	_ =	strace $0x90000048  }
0xb7: {  	_ =	sfence  }
0xb8: {  	s30 =	sld [smem:$0x0];
	_ =	sdelay $0x2  }
0xb9: {  	s31 =	sshll.u32 s1, $0xD;
	s1 =	sshrl.u32 s1, $0x2  }
0xba: {  	s3 =	sand.u32 $0x4000, s31;
	s1 =	sadd.s32 s1, s30  }
0xbb: {  	s0 =	sor.u32 s3, s0;
	s1 =	sshll.u32 s1, $0x11  }
0xbc: {  	s0 =	sor.u32 s1, s0  }
0xbd: {  	s0 =	sadd.s32 $0x8F2B, s0  }
0xbe: {  	[sflag:s0] =	ssyncadd.remote.s32 $0x1  }
0xbf: {  	_ =	sfence.sel $0xFFFF  }
0xc0: {  	[dreg:$0x0] =	wrdreg $0xFFFFFFFF;
	(pc) =	sbr.abs _section_cstart, $3  }
0xc1: {  	[dreg:$0x1] =	wrdreg $0xFFFFFFFF  }
0xc2: {  	_ =	task.clear_ibuf [dreg:s7], $0x2FFFF;
	_ =	strace $0x9FFFFFFF  }
0xc3: {  	(tm) =	ssettm $0x7FFFFFFF  }
tec
execute0_lowered:
.L_overlay_start_1:
0x0: {  	(tag) =	ssettag $0x1  }
0x1: {  	s4 =	rddreg [dreg:$0x0]  }
0x2: {  	s5 =	rddreg [dreg:$0x1]  }
0x3: {  	s2 =	rddreg [dreg:$0x2]  }
0x4: {  	s0 =	rddreg [dreg:$0x3]  }
0x5: {  	s6 =	srdreg.scid;
	s1 =	stileid.u32;
	s3 =	simm.s32 $0x0  }
0x6: {  	s12 =	simm.s32 $0x3678;
	s13 =	simm.s32 $0x0;
	s7 =	smul.u32 $0x3E8, s1  }
0x7: {  	s6 =	sand.u32 $0x1, s6;
	[smem:$0x7FF] =	sst s3;
	s10 =	smul.u32 $0xFA0, s1  }
0x8: {  	s9 =	sshll.u32 s1, $0x1;
	p0 =	sgt.u32 s1, $0x9;
	s8 =	smul.u32 $0x2710, s6  }
0x9: {  	_ =	strace $0x80000047;
	s9 =	sor.u32 s6, s9;
	s6 =	ssub.s32 $0x2, s6  }
0xa: {  	s9 =	smul.u32 $0x680, s9;
	s31 =	sshrl.u32 s6, $0x1;
	s10 =	sshrl.u32 s10, $0x2  }
0xb: {  	s8 =	sadd.s32 s7, s8;
	s11 =	ssub.s32 s6, s31;
	s6 =	sadd.s32 s7, s2  }
0xc: {  	s8 =	sshrl.u32 s8, $0x3;
	s4 =	sadd.s32 s4, s9;
	s9 =	simm.s32 $0x278  }
0xd: {  	s8 =	sadd.s32 s8, s5;
	s5 =	sadd.s32 s10, s2;
	s10 =	simm.s32 $0x1  }
0xe: {  	v0 =	vimm.f32 $1.000000000e+00;
	v1 =	vimm.f32 $0.0e+00;
	s7 =	sadd.s32 $0x1E00, s8;
	s8 =	smax.u32 s11, $0x1;
	s11 =	simm.s32 $0x64  }
.LBB2_1:
0xf: {  	[tilespmem:s9], [sflag:$0x1] =	stream.linear.gather [hbm4b:s4+s3], $0x3200, $0x38;
	[tilespmem:$0x3AF8] =	vst v63  }
0x10: {  	[tilespmem:$0x3678] =	vst v0  }
0x11: {  	[tilespmem:$0x3688] =	vst v0  }
0x12: {  	[tilespmem:$0x3698] =	vst v0  }
0x13: {  	[tilespmem:$0x36A8] =	vst v0  }
0x14: {  	[tilespmem:$0x36B8] =	vst v0  }
0x15: {  	[tilespmem:$0x36C8] =	vst v0  }
0x16: {  	s14 =	simm.s32 $0x40;
	s15 =	simm.s32 $0x0;
	[tilespmem:$0x36D8] =	vst v0  }
.LBB2_2:
0x17: {  	p1 =	sne.s32 s14, $0xF80;
	[tilespmem:s15+$0x36F8] =	vst v1;
	s15 =	smov.u32 s14;
	s14 =	sadd.s32 $0x40, s14  }
.Ltmp0:
0x18: {  	(pc) =	sbr.rel @p1 .LBB2_2-.Ltmp0, $2  }
0x19: {  	_ =	sdelay $0x2  }
0x1a: {  	s15 =	sshra.s32 s15, $0x2  }
0x1b: {  	[tilespmem:s15+$0x36F8] =	vst v1;
	s14 =	simm.s32 @!p0 $0x36F8  }
0x1c: {  	[spmem:s5] =	stream.linear.scatter @!p0 [tilespmem:s14], [sflag:$0x2], $0x3E8, $0x38;
	[tilespmem:$0x3AF8] =	vst v63  }
0x1d: {  	s14 =	simm.s32 @!p0 $0x2  }
0x1e: {  	_ =	swait.ge @!p0 [sflag:s14], $0x3E8  }
0x1f: {  	[sflag:s14] =	ssyncset.done @!p0 $0x0  }
0x20: {  	[sflag:s14] =	ssyncadd.s32 @!p0 $0xFFFFFC18  }
0x21: {  	_ =	swait.ge [sflag:s10], $0x3200  }
0x22: {  	[sflag:s10] =	ssyncset.done $0x0  }
0x23: {  	[sflag:s10] =	ssyncadd.s32 $0xFFFFCE00  }
0x24: {  	s28 =	simm.s32 $0x278;
	[bflag:$0x0] =	sbarrier.arrive $0xFFFF  }
0x25: {  	[spmem:s2] =	stream.indirect.scatter.add.f32 [tilespmem:s12], [sflag:$0x1], $0x1, s28, s11, $0xb8;
	[tilespmem:$0x3AF8] =	vst v63  }
0x26: {  	s29 =	simm.s32 $0x2F8  }
0x27: {  	[spmem:s2] =	stream.indirect.scatter.add.f32 [tilespmem:s12], [sflag:$0x1], $0x1, s29, s11, $0xb8;
	[tilespmem:$0x3AF8] =	vst v63  }
0x28: {  	s30 =	simm.s32 $0x378  }
0x29: {  	[spmem:s2] =	stream.indirect.scatter.add.f32 [tilespmem:s12], [sflag:$0x1], $0x1, s30, s11, $0xb8;
	[tilespmem:$0x3AF8] =	vst v63  }
0x2a: {  	s31 =	simm.s32 $0x3F8  }
0x2b: {  	[spmem:s2] =	stream.indirect.scatter.add.f32 [tilespmem:s12], [sflag:$0x1], $0x1, s31, s11, $0xb8;
	[tilespmem:$0x3AF8] =	vst v63  }
0x2c: {  	s15 =	simm.s32 $0x478  }
0x2d: {  	[spmem:s2] =	stream.indirect.scatter.add.f32 [tilespmem:s12], [sflag:$0x1], $0x1, s15, s11, $0xb8;
	[tilespmem:$0x3AF8] =	vst v63  }
0x2e: {  	s16 =	simm.s32 $0x4F8  }
0x2f: {  	[spmem:s2] =	stream.indirect.scatter.add.f32 [tilespmem:s12], [sflag:$0x1], $0x1, s16, s11, $0xb8;
	[tilespmem:$0x3AF8] =	vst v63  }
0x30: {  	s17 =	simm.s32 $0x578  }
0x31: {  	[spmem:s2] =	stream.indirect.scatter.add.f32 [tilespmem:s12], [sflag:$0x1], $0x1, s17, s11, $0xb8;
	[tilespmem:$0x3AF8] =	vst v63  }
0x32: {  	s18 =	simm.s32 $0x5F8  }
0x33: {  	[spmem:s2] =	stream.indirect.scatter.add.f32 [tilespmem:s12], [sflag:$0x1], $0x1, s18, s11, $0xb8;
	[tilespmem:$0x3AF8] =	vst v63  }
0x34: {  	s19 =	simm.s32 $0x678  }
0x35: {  	[spmem:s2] =	stream.indirect.scatter.add.f32 [tilespmem:s12], [sflag:$0x1], $0x1, s19, s11, $0xb8;
	[tilespmem:$0x3AF8] =	vst v63  }
0x36: {  	s20 =	simm.s32 $0x6F8  }
0x37: {  	[spmem:s2] =	stream.indirect.scatter.add.f32 [tilespmem:s12], [sflag:$0x1], $0x1, s20, s11, $0xb8;
	[tilespmem:$0x3AF8] =	vst v63  }
0x38: {  	s21 =	simm.s32 $0x778  }
0x39: {  	[spmem:s2] =	stream.indirect.scatter.add.f32 [tilespmem:s12], [sflag:$0x1], $0x1, s21, s11, $0xb8;
	[tilespmem:$0x3AF8] =	vst v63  }
0x3a: {  	s22 =	simm.s32 $0x7F8  }
0x3b: {  	[spmem:s2] =	stream.indirect.scatter.add.f32 [tilespmem:s12], [sflag:$0x1], $0x1, s22, s11, $0xb8;
	[tilespmem:$0x3AF8] =	vst v63  }
0x3c: {  	s23 =	simm.s32 $0x878  }
0x3d: {  	[spmem:s2] =	stream.indirect.scatter.add.f32 [tilespmem:s12], [sflag:$0x1], $0x1, s23, s11, $0xb8;
	[tilespmem:$0x3AF8] =	vst v63  }
0x3e: {  	s24 =	simm.s32 $0x8F8  }
0x3f: {  	[spmem:s2] =	stream.indirect.scatter.add.f32 [tilespmem:s12], [sflag:$0x1], $0x1, s24, s11, $0xb8;
	[tilespmem:$0x3AF8] =	vst v63  }
0x40: {  	s25 =	simm.s32 $0x978  }
0x41: {  	[spmem:s2] =	stream.indirect.scatter.add.f32 [tilespmem:s12], [sflag:$0x1], $0x1, s25, s11, $0xb8;
	[tilespmem:$0x3AF8] =	vst v63  }
0x42: {  	s26 =	simm.s32 $0x9F8  }
0x43: {  	[spmem:s2] =	stream.indirect.scatter.add.f32 [tilespmem:s12], [sflag:$0x1], $0x1, s26, s11, $0xb8;
	[tilespmem:$0x3AF8] =	vst v63  }
0x44: {  	s28 =	simm.s32 $0xA78  }
0x45: {  	[spmem:s2] =	stream.indirect.scatter.add.f32 [tilespmem:s12], [sflag:$0x1], $0x1, s28, s11, $0xb8;
	[tilespmem:$0x3AF8] =	vst v63  }
0x46: {  	s29 =	simm.s32 $0xAF8  }
0x47: {  	[spmem:s2] =	stream.indirect.scatter.add.f32 [tilespmem:s12], [sflag:$0x1], $0x1, s29, s11, $0xb8;
	[tilespmem:$0x3AF8] =	vst v63  }
0x48: {  	s30 =	simm.s32 $0xB78  }
0x49: {  	[spmem:s2] =	stream.indirect.scatter.add.f32 [tilespmem:s12], [sflag:$0x1], $0x1, s30, s11, $0xb8;
	[tilespmem:$0x3AF8] =	vst v63  }
0x4a: {  	s31 =	simm.s32 $0xBF8  }
0x4b: {  	[spmem:s2] =	stream.indirect.scatter.add.f32 [tilespmem:s12], [sflag:$0x1], $0x1, s31, s11, $0xb8;
	[tilespmem:$0x3AF8] =	vst v63  }
0x4c: {  	_ =	swait.ge [sflag:s10], $0x64  }
0x4d: {  	[sflag:s10] =	ssyncset.done $0x0  }
0x4e: {  	[sflag:s10] =	ssyncadd.s32 $0xFFFFFF9C  }
0x4f: {  	_ =	swait.ge [sflag:s10], $0x64  }
0x50: {  	[sflag:s10] =	ssyncset.done $0x0  }
0x51: {  	[sflag:s10] =	ssyncadd.s32 $0xFFFFFF9C  }
0x52: {  	_ =	swait.ge [sflag:s10], $0x64  }
0x53: {  	[sflag:s10] =	ssyncset.done $0x0  }
0x54: {  	[sflag:s10] =	ssyncadd.s32 $0xFFFFFF9C  }
0x55: {  	_ =	swait.ge [sflag:s10], $0x64  }
0x56: {  	[sflag:s10] =	ssyncset.done $0x0  }
0x57: {  	[sflag:s10] =	ssyncadd.s32 $0xFFFFFF9C  }
0x58: {  	_ =	swait.ge [sflag:s10], $0x64  }
0x59: {  	[sflag:s10] =	ssyncset.done $0x0  }
0x5a: {  	[sflag:s10] =	ssyncadd.s32 $0xFFFFFF9C  }
0x5b: {  	_ =	swait.ge [sflag:s10], $0x64  }
0x5c: {  	[sflag:s10] =	ssyncset.done $0x0  }
0x5d: {  	[sflag:s10] =	ssyncadd.s32 $0xFFFFFF9C  }
0x5e: {  	_ =	swait.ge [sflag:s10], $0x64  }
0x5f: {  	[sflag:s10] =	ssyncset.done $0x0  }
0x60: {  	[sflag:s10] =	ssyncadd.s32 $0xFFFFFF9C  }
0x61: {  	_ =	swait.ge [sflag:s10], $0x64  }
0x62: {  	[sflag:s10] =	ssyncset.done $0x0  }
0x63: {  	[sflag:s10] =	ssyncadd.s32 $0xFFFFFF9C  }
0x64: {  	_ =	swait.ge [sflag:s10], $0x64  }
0x65: {  	[sflag:s10] =	ssyncset.done $0x0  }
0x66: {  	[sflag:s10] =	ssyncadd.s32 $0xFFFFFF9C  }
0x67: {  	_ =	swait.ge [sflag:s10], $0x64  }
0x68: {  	[sflag:s10] =	ssyncset.done $0x0  }
0x69: {  	[sflag:s10] =	ssyncadd.s32 $0xFFFFFF9C  }
0x6a: {  	_ =	swait.ge [sflag:s10], $0x64  }
0x6b: {  	[sflag:s10] =	ssyncset.done $0x0  }
0x6c: {  	[sflag:s10] =	ssyncadd.s32 $0xFFFFFF9C  }
0x6d: {  	_ =	swait.ge [sflag:s10], $0x64  }
0x6e: {  	[sflag:s10] =	ssyncset.done $0x0  }
0x6f: {  	[sflag:s10] =	ssyncadd.s32 $0xFFFFFF9C  }
0x70: {  	_ =	swait.ge [sflag:s10], $0x64  }
0x71: {  	[sflag:s10] =	ssyncset.done $0x0  }
0x72: {  	[sflag:s10] =	ssyncadd.s32 $0xFFFFFF9C  }
0x73: {  	_ =	swait.ge [sflag:s10], $0x64  }
0x74: {  	[sflag:s10] =	ssyncset.done $0x0  }
0x75: {  	[sflag:s10] =	ssyncadd.s32 $0xFFFFFF9C  }
0x76: {  	_ =	swait.ge [sflag:s10], $0x64  }
0x77: {  	[sflag:s10] =	ssyncset.done $0x0  }
0x78: {  	[sflag:s10] =	ssyncadd.s32 $0xFFFFFF9C  }
0x79: {  	_ =	swait.ge [sflag:s10], $0x64  }
0x7a: {  	[sflag:s10] =	ssyncset.done $0x0  }
0x7b: {  	[sflag:s10] =	ssyncadd.s32 $0xFFFFFF9C  }
0x7c: {  	_ =	swait.ge [sflag:s10], $0x64  }
0x7d: {  	[sflag:s10] =	ssyncset.done $0x0  }
0x7e: {  	[sflag:s10] =	ssyncadd.s32 $0xFFFFFF9C  }
0x7f: {  	_ =	swait.ge [sflag:s10], $0x64  }
0x80: {  	[sflag:s10] =	ssyncset.done $0x0  }
0x81: {  	[sflag:s10] =	ssyncadd.s32 $0xFFFFFF9C  }
0x82: {  	_ =	swait.ge [sflag:s10], $0x64  }
0x83: {  	[sflag:s10] =	ssyncset.done $0x0  }
0x84: {  	[sflag:s10] =	ssyncadd.s32 $0xFFFFFF9C  }
0x85: {  	_ =	swait.ge [sflag:s10], $0x64  }
0x86: {  	s16 =	simm.s32 $0xA00;
	s17 =	simm.s32 $0x5000;
	[sflag:s10] =	ssyncset.done $0x0  }
.LBB2_4:
0x87: {  	s18 =	sadd.s32 $0x278, s16  }
0x88: {  	[sflag:s10] =	ssyncadd.s32 $0xFFFFFF9C;
	s15 =	smov.u32 s17;
	s14 =	sadd.s32 $0x2800, s17  }
0x89: {  	[spmem:s2] =	stream.indirect.scatter.add.f32 [tilespmem:s12], [sflag:$0x1], $0x1, s18, s11, $0xb8;
	[tilespmem:$0x3AF8] =	vst v63  }
0x8a: {  	p1 =	sne.s32 s17, $0xA000;
	s17 =	sadd.s32 $0x2F8, s16  }
0x8b: {  	[spmem:s2] =	stream.indirect.scatter.add.f32 [tilespmem:s12], [sflag:$0x1], $0x1, s17, s11, $0xb8;
	[tilespmem:$0x3AF8] =	vst v63  }
0x8c: {  	s17 =	sadd.s32 $0x378, s16  }
0x8d: {  	[spmem:s2] =	stream.indirect.scatter.add.f32 [tilespmem:s12], [sflag:$0x1], $0x1, s17, s11, $0xb8;
	[tilespmem:$0x3AF8] =	vst v63  }
0x8e: {  	s17 =	sadd.s32 $0x3F8, s16  }
0x8f: {  	[spmem:s2] =	stream.indirect.scatter.add.f32 [tilespmem:s12], [sflag:$0x1], $0x1, s17, s11, $0xb8;
	[tilespmem:$0x3AF8] =	vst v63  }
0x90: {  	s17 =	sadd.s32 $0x478, s16  }
0x91: {  	[spmem:s2] =	stream.indirect.scatter.add.f32 [tilespmem:s12], [sflag:$0x1], $0x1, s17, s11, $0xb8;
	[tilespmem:$0x3AF8] =	vst v63  }
0x92: {  	s17 =	sadd.s32 $0x4F8, s16  }
0x93: {  	[spmem:s2] =	stream.indirect.scatter.add.f32 [tilespmem:s12], [sflag:$0x1], $0x1, s17, s11, $0xb8;
	[tilespmem:$0x3AF8] =	vst v63  }
0x94: {  	s17 =	sadd.s32 $0x578, s16  }
0x95: {  	[spmem:s2] =	stream.indirect.scatter.add.f32 [tilespmem:s12], [sflag:$0x1], $0x1, s17, s11, $0xb8;
	[tilespmem:$0x3AF8] =	vst v63  }
0x96: {  	s17 =	sadd.s32 $0x5F8, s16  }
0x97: {  	[spmem:s2] =	stream.indirect.scatter.add.f32 [tilespmem:s12], [sflag:$0x1], $0x1, s17, s11, $0xb8;
	[tilespmem:$0x3AF8] =	vst v63  }
0x98: {  	s17 =	sadd.s32 $0x678, s16  }
0x99: {  	[spmem:s2] =	stream.indirect.scatter.add.f32 [tilespmem:s12], [sflag:$0x1], $0x1, s17, s11, $0xb8;
	[tilespmem:$0x3AF8] =	vst v63  }
0x9a: {  	s17 =	sadd.s32 $0x6F8, s16  }
0x9b: {  	[spmem:s2] =	stream.indirect.scatter.add.f32 [tilespmem:s12], [sflag:$0x1], $0x1, s17, s11, $0xb8;
	[tilespmem:$0x3AF8] =	vst v63  }
0x9c: {  	s17 =	sadd.s32 $0x778, s16  }
0x9d: {  	[spmem:s2] =	stream.indirect.scatter.add.f32 [tilespmem:s12], [sflag:$0x1], $0x1, s17, s11, $0xb8;
	[tilespmem:$0x3AF8] =	vst v63  }
0x9e: {  	s17 =	sadd.s32 $0x7F8, s16  }
0x9f: {  	[spmem:s2] =	stream.indirect.scatter.add.f32 [tilespmem:s12], [sflag:$0x1], $0x1, s17, s11, $0xb8;
	[tilespmem:$0x3AF8] =	vst v63  }
0xa0: {  	s17 =	sadd.s32 $0x878, s16  }
0xa1: {  	[spmem:s2] =	stream.indirect.scatter.add.f32 [tilespmem:s12], [sflag:$0x1], $0x1, s17, s11, $0xb8;
	[tilespmem:$0x3AF8] =	vst v63  }
0xa2: {  	s17 =	sadd.s32 $0x8F8, s16  }
0xa3: {  	[spmem:s2] =	stream.indirect.scatter.add.f32 [tilespmem:s12], [sflag:$0x1], $0x1, s17, s11, $0xb8;
	[tilespmem:$0x3AF8] =	vst v63  }
0xa4: {  	s17 =	sadd.s32 $0x978, s16  }
0xa5: {  	[spmem:s2] =	stream.indirect.scatter.add.f32 [tilespmem:s12], [sflag:$0x1], $0x1, s17, s11, $0xb8;
	[tilespmem:$0x3AF8] =	vst v63  }
0xa6: {  	s17 =	sadd.s32 $0x9F8, s16  }
0xa7: {  	[spmem:s2] =	stream.indirect.scatter.add.f32 [tilespmem:s12], [sflag:$0x1], $0x1, s17, s11, $0xb8;
	[tilespmem:$0x3AF8] =	vst v63  }
0xa8: {  	s17 =	sadd.s32 $0xA78, s16  }
0xa9: {  	[spmem:s2] =	stream.indirect.scatter.add.f32 [tilespmem:s12], [sflag:$0x1], $0x1, s17, s11, $0xb8;
	[tilespmem:$0x3AF8] =	vst v63  }
0xaa: {  	s17 =	sadd.s32 $0xAF8, s16  }
0xab: {  	[spmem:s2] =	stream.indirect.scatter.add.f32 [tilespmem:s12], [sflag:$0x1], $0x1, s17, s11, $0xb8;
	[tilespmem:$0x3AF8] =	vst v63  }
0xac: {  	s17 =	sadd.s32 $0xB78, s16  }
0xad: {  	[spmem:s2] =	stream.indirect.scatter.add.f32 [tilespmem:s12], [sflag:$0x1], $0x1, s17, s11, $0xb8;
	[tilespmem:$0x3AF8] =	vst v63  }
0xae: {  	s16 =	sadd.s32 $0xBF8, s16  }
0xaf: {  	[spmem:s2] =	stream.indirect.scatter.add.f32 [tilespmem:s12], [sflag:$0x1], $0x1, s16, s11, $0xb8;
	[tilespmem:$0x3AF8] =	vst v63  }
0xb0: {  	_ =	swait.ge [sflag:s10], $0x64  }
0xb1: {  	[sflag:s10] =	ssyncset.done $0x0  }
0xb2: {  	[sflag:s10] =	ssyncadd.s32 $0xFFFFFF9C  }
0xb3: {  	_ =	swait.ge [sflag:s10], $0x64  }
0xb4: {  	[sflag:s10] =	ssyncset.done $0x0  }
0xb5: {  	[sflag:s10] =	ssyncadd.s32 $0xFFFFFF9C  }
0xb6: {  	_ =	swait.ge [sflag:s10], $0x64  }
0xb7: {  	[sflag:s10] =	ssyncset.done $0x0  }
0xb8: {  	[sflag:s10] =	ssyncadd.s32 $0xFFFFFF9C  }
0xb9: {  	_ =	swait.ge [sflag:s10], $0x64  }
0xba: {  	[sflag:s10] =	ssyncset.done $0x0  }
0xbb: {  	[sflag:s10] =	ssyncadd.s32 $0xFFFFFF9C  }
0xbc: {  	_ =	swait.ge [sflag:s10], $0x64  }
0xbd: {  	[sflag:s10] =	ssyncset.done $0x0  }
0xbe: {  	[sflag:s10] =	ssyncadd.s32 $0xFFFFFF9C  }
0xbf: {  	_ =	swait.ge [sflag:s10], $0x64  }
0xc0: {  	[sflag:s10] =	ssyncset.done $0x0  }
0xc1: {  	[sflag:s10] =	ssyncadd.s32 $0xFFFFFF9C  }
0xc2: {  	_ =	swait.ge [sflag:s10], $0x64  }
0xc3: {  	[sflag:s10] =	ssyncset.done $0x0  }
0xc4: {  	[sflag:s10] =	ssyncadd.s32 $0xFFFFFF9C  }
0xc5: {  	_ =	swait.ge [sflag:s10], $0x64  }
0xc6: {  	[sflag:s10] =	ssyncset.done $0x0  }
0xc7: {  	[sflag:s10] =	ssyncadd.s32 $0xFFFFFF9C  }
0xc8: {  	_ =	swait.ge [sflag:s10], $0x64  }
0xc9: {  	[sflag:s10] =	ssyncset.done $0x0  }
0xca: {  	[sflag:s10] =	ssyncadd.s32 $0xFFFFFF9C  }
0xcb: {  	_ =	swait.ge [sflag:s10], $0x64  }
0xcc: {  	[sflag:s10] =	ssyncset.done $0x0  }
0xcd: {  	[sflag:s10] =	ssyncadd.s32 $0xFFFFFF9C  }
0xce: {  	_ =	swait.ge [sflag:s10], $0x64  }
0xcf: {  	[sflag:s10] =	ssyncset.done $0x0  }
0xd0: {  	[sflag:s10] =	ssyncadd.s32 $0xFFFFFF9C  }
0xd1: {  	_ =	swait.ge [sflag:s10], $0x64  }
0xd2: {  	[sflag:s10] =	ssyncset.done $0x0  }
0xd3: {  	[sflag:s10] =	ssyncadd.s32 $0xFFFFFF9C  }
0xd4: {  	_ =	swait.ge [sflag:s10], $0x64  }
0xd5: {  	[sflag:s10] =	ssyncset.done $0x0  }
0xd6: {  	[sflag:s10] =	ssyncadd.s32 $0xFFFFFF9C  }
0xd7: {  	_ =	swait.ge [sflag:s10], $0x64  }
0xd8: {  	[sflag:s10] =	ssyncset.done $0x0  }
0xd9: {  	[sflag:s10] =	ssyncadd.s32 $0xFFFFFF9C  }
0xda: {  	_ =	swait.ge [sflag:s10], $0x64  }
0xdb: {  	[sflag:s10] =	ssyncset.done $0x0  }
0xdc: {  	[sflag:s10] =	ssyncadd.s32 $0xFFFFFF9C  }
0xdd: {  	_ =	swait.ge [sflag:s10], $0x64  }
0xde: {  	[sflag:s10] =	ssyncset.done $0x0  }
0xdf: {  	[sflag:s10] =	ssyncadd.s32 $0xFFFFFF9C  }
0xe0: {  	_ =	swait.ge [sflag:s10], $0x64  }
0xe1: {  	[sflag:s10] =	ssyncset.done $0x0  }
0xe2: {  	[sflag:s10] =	ssyncadd.s32 $0xFFFFFF9C  }
0xe3: {  	_ =	swait.ge [sflag:s10], $0x64  }
0xe4: {  	[sflag:s10] =	ssyncset.done $0x0  }
0xe5: {  	[sflag:s10] =	ssyncadd.s32 $0xFFFFFF9C  }
.Ltmp1:
0xe6: {  	_ =	swait.ge [sflag:s10], $0x64;
	(pc) =	sbr.rel @p1 .LBB2_4-.Ltmp1, $4  }
0xe7: {  	[sflag:s10] =	ssyncset.done $0x0  }
0xe8: {  	[sflag:s10] =	ssyncadd.s32 $0xFFFFFF9C  }
0xe9: {  	_ =	swait.ge [sflag:s10], $0x64  }
0xea: {  	s17 =	smov.u32 s14;
	s16 =	sshra.s32 s15, $0x2;
	[sflag:s10] =	ssyncset.done $0x0  }
0xeb: {  	s14 =	sadd.s32 $0x278, s16;
	[sflag:s10] =	ssyncadd.s32 $0xFFFFFF9C  }
0xec: {  	[spmem:s2] =	stream.indirect.scatter.add.f32 [tilespmem:s12], [sflag:$0x1], $0x1, s14, s11, $0xb8;
	[tilespmem:$0x3AF8] =	vst v63  }
0xed: {  	s28 =	sadd.s32 $0x2F8, s16  }
0xee: {  	[spmem:s2] =	stream.indirect.scatter.add.f32 [tilespmem:s12], [sflag:$0x1], $0x1, s28, s11, $0xb8;
	[tilespmem:$0x3AF8] =	vst v63  }
0xef: {  	s29 =	sadd.s32 $0x378, s16  }
0xf0: {  	[spmem:s2] =	stream.indirect.scatter.add.f32 [tilespmem:s12], [sflag:$0x1], $0x1, s29, s11, $0xb8;
	[tilespmem:$0x3AF8] =	vst v63  }
0xf1: {  	s30 =	sadd.s32 $0x3F8, s16  }
0xf2: {  	[spmem:s2] =	stream.indirect.scatter.add.f32 [tilespmem:s12], [sflag:$0x1], $0x1, s30, s11, $0xb8;
	[tilespmem:$0x3AF8] =	vst v63  }
0xf3: {  	s31 =	sadd.s32 $0x478, s16  }
0xf4: {  	[spmem:s2] =	stream.indirect.scatter.add.f32 [tilespmem:s12], [sflag:$0x1], $0x1, s31, s11, $0xb8;
	[tilespmem:$0x3AF8] =	vst v63  }
0xf5: {  	s15 =	sadd.s32 $0x4F8, s16  }
0xf6: {  	[spmem:s2] =	stream.indirect.scatter.add.f32 [tilespmem:s12], [sflag:$0x1], $0x1, s15, s11, $0xb8;
	[tilespmem:$0x3AF8] =	vst v63  }
0xf7: {  	s17 =	sadd.s32 $0x578, s16  }
0xf8: {  	[spmem:s2] =	stream.indirect.scatter.add.f32 [tilespmem:s12], [sflag:$0x1], $0x1, s17, s11, $0xb8;
	[tilespmem:$0x3AF8] =	vst v63  }
0xf9: {  	s18 =	sadd.s32 $0x5F8, s16  }
0xfa: {  	[spmem:s2] =	stream.indirect.scatter.add.f32 [tilespmem:s12], [sflag:$0x1], $0x1, s18, s11, $0xb8;
	[tilespmem:$0x3AF8] =	vst v63  }
0xfb: {  	s19 =	sadd.s32 $0x678, s16  }
0xfc: {  	[spmem:s2] =	stream.indirect.scatter.add.f32 [tilespmem:s12], [sflag:$0x1], $0x1, s19, s11, $0xb8;
	[tilespmem:$0x3AF8] =	vst v63  }
0xfd: {  	s20 =	sadd.s32 $0x6F8, s16  }
0xfe: {  	[spmem:s2] =	stream.indirect.scatter.add.f32 [tilespmem:s12], [sflag:$0x1], $0x1, s20, s11, $0xb8;
	[tilespmem:$0x3AF8] =	vst v63  }
0xff: {  	s21 =	sadd.s32 $0x778, s16  }
0x100: {  	[spmem:s2] =	stream.indirect.scatter.add.f32 [tilespmem:s12], [sflag:$0x1], $0x1, s21, s11, $0xb8;
	[tilespmem:$0x3AF8] =	vst v63  }
0x101: {  	s22 =	sadd.s32 $0x7F8, s16  }
0x102: {  	[spmem:s2] =	stream.indirect.scatter.add.f32 [tilespmem:s12], [sflag:$0x1], $0x1, s22, s11, $0xb8;
	[tilespmem:$0x3AF8] =	vst v63  }
0x103: {  	s23 =	sadd.s32 $0x878, s16  }
0x104: {  	[spmem:s2] =	stream.indirect.scatter.add.f32 [tilespmem:s12], [sflag:$0x1], $0x1, s23, s11, $0xb8;
	[tilespmem:$0x3AF8] =	vst v63  }
0x105: {  	s24 =	sadd.s32 $0x8F8, s16  }
0x106: {  	[spmem:s2] =	stream.indirect.scatter.add.f32 [tilespmem:s12], [sflag:$0x1], $0x1, s24, s11, $0xb8;
	[tilespmem:$0x3AF8] =	vst v63  }
0x107: {  	s25 =	sadd.s32 $0x978, s16  }
0x108: {  	[spmem:s2] =	stream.indirect.scatter.add.f32 [tilespmem:s12], [sflag:$0x1], $0x1, s25, s11, $0xb8;
	[tilespmem:$0x3AF8] =	vst v63  }
0x109: {  	s26 =	sadd.s32 $0x9F8, s16  }
0x10a: {  	[spmem:s2] =	stream.indirect.scatter.add.f32 [tilespmem:s12], [sflag:$0x1], $0x1, s26, s11, $0xb8;
	[tilespmem:$0x3AF8] =	vst v63  }
0x10b: {  	s28 =	sadd.s32 $0xA78, s16  }
0x10c: {  	[spmem:s2] =	stream.indirect.scatter.add.f32 [tilespmem:s12], [sflag:$0x1], $0x1, s28, s11, $0xb8;
	[tilespmem:$0x3AF8] =	vst v63  }
0x10d: {  	s29 =	sadd.s32 $0xAF8, s16  }
0x10e: {  	[spmem:s2] =	stream.indirect.scatter.add.f32 [tilespmem:s12], [sflag:$0x1], $0x1, s29, s11, $0xb8;
	[tilespmem:$0x3AF8] =	vst v63  }
0x10f: {  	s30 =	sadd.s32 $0xB78, s16  }
0x110: {  	[spmem:s2] =	stream.indirect.scatter.add.f32 [tilespmem:s12], [sflag:$0x1], $0x1, s30, s11, $0xb8;
	[tilespmem:$0x3AF8] =	vst v63  }
0x111: {  	s31 =	sadd.s32 $0xBF8, s16  }
0x112: {  	[spmem:s2] =	stream.indirect.scatter.add.f32 [tilespmem:s12], [sflag:$0x1], $0x1, s31, s11, $0xb8;
	[tilespmem:$0x3AF8] =	vst v63  }
0x113: {  	_ =	swait.ge [sflag:s10], $0x64  }
0x114: {  	[sflag:s10] =	ssyncset.done $0x0  }
0x115: {  	[sflag:s10] =	ssyncadd.s32 $0xFFFFFF9C  }
0x116: {  	_ =	swait.ge [sflag:s10], $0x64  }
0x117: {  	[sflag:s10] =	ssyncset.done $0x0  }
0x118: {  	[sflag:s10] =	ssyncadd.s32 $0xFFFFFF9C  }
0x119: {  	_ =	swait.ge [sflag:s10], $0x64  }
0x11a: {  	[sflag:s10] =	ssyncset.done $0x0  }
0x11b: {  	[sflag:s10] =	ssyncadd.s32 $0xFFFFFF9C  }
0x11c: {  	_ =	swait.ge [sflag:s10], $0x64  }
0x11d: {  	[sflag:s10] =	ssyncset.done $0x0  }
0x11e: {  	[sflag:s10] =	ssyncadd.s32 $0xFFFFFF9C  }
0x11f: {  	_ =	swait.ge [sflag:s10], $0x64  }
0x120: {  	[sflag:s10] =	ssyncset.done $0x0  }
0x121: {  	[sflag:s10] =	ssyncadd.s32 $0xFFFFFF9C  }
0x122: {  	_ =	swait.ge [sflag:s10], $0x64  }
0x123: {  	[sflag:s10] =	ssyncset.done $0x0  }
0x124: {  	[sflag:s10] =	ssyncadd.s32 $0xFFFFFF9C  }
0x125: {  	_ =	swait.ge [sflag:s10], $0x64  }
0x126: {  	[sflag:s10] =	ssyncset.done $0x0  }
0x127: {  	[sflag:s10] =	ssyncadd.s32 $0xFFFFFF9C  }
0x128: {  	_ =	swait.ge [sflag:s10], $0x64  }
0x129: {  	[sflag:s10] =	ssyncset.done $0x0  }
0x12a: {  	[sflag:s10] =	ssyncadd.s32 $0xFFFFFF9C  }
0x12b: {  	_ =	swait.ge [sflag:s10], $0x64  }
0x12c: {  	[sflag:s10] =	ssyncset.done $0x0  }
0x12d: {  	[sflag:s10] =	ssyncadd.s32 $0xFFFFFF9C  }
0x12e: {  	_ =	swait.ge [sflag:s10], $0x64  }
0x12f: {  	[sflag:s10] =	ssyncset.done $0x0  }
0x130: {  	[sflag:s10] =	ssyncadd.s32 $0xFFFFFF9C  }
0x131: {  	_ =	swait.ge [sflag:s10], $0x64  }
0x132: {  	[sflag:s10] =	ssyncset.done $0x0  }
0x133: {  	[sflag:s10] =	ssyncadd.s32 $0xFFFFFF9C  }
0x134: {  	_ =	swait.ge [sflag:s10], $0x64  }
0x135: {  	[sflag:s10] =	ssyncset.done $0x0  }
0x136: {  	[sflag:s10] =	ssyncadd.s32 $0xFFFFFF9C  }
0x137: {  	_ =	swait.ge [sflag:s10], $0x64  }
0x138: {  	[sflag:s10] =	ssyncset.done $0x0  }
0x139: {  	[sflag:s10] =	ssyncadd.s32 $0xFFFFFF9C  }
0x13a: {  	_ =	swait.ge [sflag:s10], $0x64  }
0x13b: {  	[sflag:s10] =	ssyncset.done $0x0  }
0x13c: {  	[sflag:s10] =	ssyncadd.s32 $0xFFFFFF9C  }
0x13d: {  	_ =	swait.ge [sflag:s10], $0x64  }
0x13e: {  	[sflag:s10] =	ssyncset.done $0x0  }
0x13f: {  	[sflag:s10] =	ssyncadd.s32 $0xFFFFFF9C  }
0x140: {  	_ =	swait.ge [sflag:s10], $0x64  }
0x141: {  	[sflag:s10] =	ssyncset.done $0x0  }
0x142: {  	[sflag:s10] =	ssyncadd.s32 $0xFFFFFF9C  }
0x143: {  	_ =	swait.ge [sflag:s10], $0x64  }
0x144: {  	[sflag:s10] =	ssyncset.done $0x0  }
0x145: {  	[sflag:s10] =	ssyncadd.s32 $0xFFFFFF9C  }
0x146: {  	_ =	swait.ge [sflag:s10], $0x64  }
0x147: {  	[sflag:s10] =	ssyncset.done $0x0  }
0x148: {  	[sflag:s10] =	ssyncadd.s32 $0xFFFFFF9C  }
0x149: {  	_ =	swait.ge [sflag:s10], $0x64  }
0x14a: {  	[sflag:s10] =	ssyncset.done $0x0  }
0x14b: {  	[sflag:s10] =	ssyncadd.s32 $0xFFFFFF9C  }
0x14c: {  	_ =	swait.ge [sflag:s10], $0x64  }
0x14d: {  	[sflag:s10] =	ssyncset.done $0x0  }
0x14e: {  	[sflag:s10] =	ssyncadd.s32 $0xFFFFFF9C  }
0x14f: {  	s14 =	simm.s32 @!p0 $0x36F8;
	s15 =	simm.s32 @!p0 $0x2;
	[bflag:$0x0] =	sbarrier.arrive $0xFFFF  }
0x150: {  	[tilespmem:s14], [sflag:$0x2] =	stream.linear.gather @!p0 [spmem:s6], $0x3E8, $0x38;
	[tilespmem:$0x3AF8] =	vst v63  }
0x151: {  	s13 =	sadd.s32 $0x1, s13;
	_ =	swait.ge @!p0 [sflag:s15], $0x3E8  }
0x152: {  	p1 =	sne.s32 s13, s8;
	[sflag:s15] =	ssyncset.done @!p0 $0x0  }
.Ltmp2:
0x153: {  	s16 =	simm.s32 @!p0 $0x0;
	[sflag:s15] =	ssyncadd.s32 @!p0 $0xFFFFFC18;
	(pc) =	sbr.rel @p1 .LBB2_1-.Ltmp2, $4  }
0x154: {  	[hbm4b:s7+s16] =	stream.linear.scatter @!p0 [tilespmem:s14], [sflag:$0x2], $0x3E8, $0x38;
	[tilespmem:$0x3AF8] =	vst v63  }
0x155: {  	_ =	swait.ge @!p0 [sflag:s15], $0x3E8  }
0x156: {  	[sflag:s15] =	ssyncset.done @!p0 $0x0  }
0x157: {  	[sflag:s15] =	ssyncadd.s32 @!p0 $0xFFFFFC18  }
0x158: {  	_ =	sfence.sel $0x180000  }
0x159: {  	[bflag:$0x0] =	sbarrier.arrive $0xFFFF  }
0x15a: {  	p0 =	sne.s32 s1, $0x0;
	_ =	strace $0x90000047  }
0x15b: {  	s0 =	sadd.s32 @!p0 $0x100000, s0;
	[bflag:$0x2] =	sbarrier.arrive $0xFFFF  }
0x15c: {  	[sflag:s0] =	ssyncadd.tile.s32 @!p0 $0x1;
	_ =	shalt  }
.Lfunc_end2:
_tile_overlayer_lowered:
.L_overlay_start_2:
0x15d: {  	(tag) =	ssettag $0x2  }
0x15e: {  	s0 =	rddreg [dreg:$0x0];
	s2 =	stileid.u32  }
0x15f: {  	s1 =	rddreg [dreg:$0x1];
	p0 =	sne.s32 s2, $0x0  }
0x160: {  	s3 =	rddreg [dreg:$0x2];
	[bflag:$0x3] =	sbarrier.arrive $0xFFFF;
	s2 =	simm.s32 @!p0 $0x1C02  }
0x161: {  	[timem:s3], [sflag:s2] =	dma.local @!p0 [hbm:s0], s1  }
0x162: {  	s0 =	simm.s32 @!p0 $0x2  }
0x163: {  	_ =	swait.ge @!p0 [sflag:s0], s1  }
0x164: {  	s1 =	ssub.s32 @!p0 $0x0, s1;
	[sflag:s0] =	ssyncset.done @!p0 $0x0  }
0x165: {  	[sflag:s0] =	ssyncadd.s32 @!p0 s1  }
0x166: {  	[bflag:$0x3] =	sbarrier.arrive $0xFFFF  }
0x167: {  	_ =	shalt  }

// kernel: kernel.9.cloned.1.call-start
scs
__scs_entry_jumppad:
0x0: {  	(pc) =	sbr.rel $0x88, $3  }
0x1: {  	(tag) =	ssettag $0x0;
	lr =	simm.s32 $0x1  }
0x2: {  	[smem:$0x3F96] =	sst lr;
	_ =	strace $0xD0000000  }
0x3: {  	_ = 	snop  }
0x4: {  	_ = 	snop  }
0x5: {  	_ = 	snop  }
0x6: {  	_ = 	snop  }
0x7: {  	_ = 	snop  }
__scs_overlays_trampoline_lowered:
0x8: {  	[smem:$0x3FA5] =	sst s0  }
0x9: {  	[smem:$0x3FA6] =	sst s1  }
0xa: {  	[smem:$0x3FA7] =	sst s2  }
0xb: {  	[smem:$0x3FA8] =	sst s3  }
0xc: {  	[smem:$0x3FA9] =	sst s4  }
0xd: {  	[smem:$0x3FAA] =	sst s5  }
0xe: {  	[smem:$0x3FAB] =	sst s6  }
0xf: {  	[smem:$0x3FAC] =	sst s7  }
0x10: {  	[smem:$0x3FAD] =	sst s8  }
0x11: {  	[smem:$0x3FAE] =	sst s9;
	s0 =	simm.s32 @!p0 $0x0  }
0x12: {  	s1 =	sld [smem:$0x3F94];
	s0 =	simm.s32 @p0 $0x1  }
0x13: {  	[smem:$0x3FAF] =	sst s0;
	s0 =	simm.s32 @!p1 $0x0  }
0x14: {  	s2 =	sld [smem:$0x3F93];
	s0 =	simm.s32 @p1 $0x1  }
0x15: {  	[smem:$0x3FB0] =	sst s0;
	s0 =	simm.s32 @!p2 $0x0  }
0x16: {  	s3 =	sld [smem:$0x3FDB];
	s0 =	simm.s32 @p2 $0x1  }
0x17: {  	s4 =	simm.s32 $0x1BF5;
	[smem:$0x3FB2] =	sst s0  }
0x18: {  	s0 =	sld [smem:$0x3F95];
	_ =	swait.ge [sflag:s4], $0x0  }
0x19: {  	s7 =	sld [smem:$0x3F96]  }
0x1a: {  	s8 =	sadd.s32 $0xFFFFE003, lr  }
0x1b: {  	s9 =	sadd.s32 $0xFFFFFEF7, lr;
	s5 =	simm.s32 $0xFFFFFFFF;
	p2 =	slt.u32 s8, $0xFFFFF086  }
0x1c: {  	p1 =	slt.u32 s9, $0xF7A;
	s5 =	simm.s32 @!p2 $0x0  }
0x1d: {  	s5 =	simm.s32 @p1 $0x1;
	p0 =	seq.s32 s7, s2  }
0x1e: {  	s7 =	smul.u32 @!p0 $0xF7A, s2;
	p2 =	seq.s32 @!p0 s5, $0x0  }
0x1f: {  	s9 =	smul.u32 $0xF7A, s1;
	s8 =	simm.s32 @!p0 $0x1BF5;
	p2 =	por !p2, p0  }
0x20: {  	[sflag:s8] =	ssyncset.s32 @!p0 $0xFFFFF086;
	s6 =	sadd.s32 @!p0 s3, s7;
	s7 =	simm.s32 @!p0 $0x108  }
0x21: {  	s3 =	sadd.s32 s3, s9;
	s6 =	sadd.s32 @!p0 $0x88, s6;
	s7 =	simm.s32 @p2 $0x1082  }
0x22: {  	[simem:s7], [sflag:s8] =	dma.local @!p0 [hbm:s6], $0xF7A  }
0x23: {  	s9 =	sor.u32 $0xD0000000, s2;
	s6 =	simm.s32 $0x108;
	_ =	swait.ge @!p0 [sflag:s8], $0x0  }
0x24: {  	s3 =	sadd.s32 $0x88, s3;
	s6 =	simm.s32 @!p1 $0x1082;
	[sflag:s4] =	ssyncset.s32 $0xFFFFF086  }
0x25: {  	[simem:s6], [sflag:s4] =	dma.local [hbm:s3], $0xF7A  }
0x26: {  	[smem:$0x3F96] =	sst s1;
	(tag) =	ssettag s2;
	_ =	strace s9  }
0x27: {  	s1 =	sld [smem:$0x3FA6]  }
0x28: {  	s2 =	sld [smem:$0x3FA7]  }
0x29: {  	s4 =	sld [smem:$0x3FA9]  }
0x2a: {  	p0 =	seq.s32 s5, $0x0;
	s5 =	sld [smem:$0x3FAA]  }
0x2b: {  	s6 =	sld [smem:$0x3FAB]  }
0x2c: {  	s7 =	sld [smem:$0x3FAC]  }
0x2d: {  	s3 =	simm.s32 $0x108;
	s8 =	sld [smem:$0x3FAD]  }
0x2e: {  	s3 =	simm.s32 @!p0 $0x1082;
	s9 =	sld [smem:$0x3FAE]  }
0x2f: {  	lr =	sadd.s32 s0, s3;
	s0 =	sld [smem:$0x3FA5]  }
0x30: {  	s3 =	sld [smem:$0x3FA8]  }
0x31: {  	[smem:$0x3FB1] =	sst s10  }
0x32: {  	s10 =	sld [smem:$0x3FAF];
	_ =	sdelay $0x3  }
0x33: {  	p0 =	seq.s32 s10, $0x1;
	s10 =	sld [smem:$0x3FB1];
	_ =	sdelay $0x3  }
0x34: {  	[smem:$0x3FB1] =	sst s10  }
0x35: {  	s10 =	sld [smem:$0x3FB0];
	_ =	sdelay $0x3  }
0x36: {  	p1 =	seq.s32 s10, $0x1;
	s10 =	sld [smem:$0x3FB1];
	_ =	sdelay $0x3  }
0x37: {  	[smem:$0x3FB1] =	sst s10  }
0x38: {  	s10 =	sld [smem:$0x3FB2]  }
0x39: {  	_ = 	snop;
	(pc) =	sbr.ind lr, $3  }
0x3a: {  	_ = 	snop  }
0x3b: {  	_ = 	snop  }
0x3c: {  	p2 =	seq.s32 s10, $0x1;
	s10 =	sld [smem:$0x3FB1]  }
0x3d: {  	_ =	shalt  }
0x3e: {  	_ =	shalt  }
0x3f: {  	_ =	shalt  }
0x40: {  	_ =	shalt  }
0x41: {  	_ =	shalt  }
0x42: {  	_ =	shalt  }
0x43: {  	_ =	shalt  }
0x44: {  	_ =	shalt  }
0x45: {  	_ =	shalt  }
0x46: {  	_ =	shalt  }
0x47: {  	_ =	shalt  }
0x48: {  	_ =	shalt  }
0x49: {  	_ =	shalt  }
0x4a: {  	_ =	shalt  }
0x4b: {  	_ =	shalt  }
0x4c: {  	_ =	shalt  }
0x4d: {  	_ =	shalt  }
0x4e: {  	_ =	shalt  }
0x4f: {  	_ =	shalt  }
0x50: {  	_ =	shalt  }
0x51: {  	_ =	shalt  }
0x52: {  	_ =	shalt  }
0x53: {  	_ =	shalt  }
0x54: {  	_ =	shalt  }
0x55: {  	_ =	shalt  }
0x56: {  	_ =	shalt  }
0x57: {  	_ =	shalt  }
0x58: {  	_ =	shalt  }
0x59: {  	_ =	shalt  }
0x5a: {  	_ =	shalt  }
0x5b: {  	_ =	shalt  }
0x5c: {  	_ =	shalt  }
0x5d: {  	_ =	shalt  }
0x5e: {  	_ =	shalt  }
0x5f: {  	_ =	shalt  }
0x60: {  	_ =	shalt  }
0x61: {  	_ =	shalt  }
0x62: {  	_ =	shalt  }
0x63: {  	_ =	shalt  }
0x64: {  	_ =	shalt  }
0x65: {  	_ =	shalt  }
0x66: {  	_ =	shalt  }
0x67: {  	_ =	shalt  }
0x68: {  	_ =	shalt  }
0x69: {  	_ =	shalt  }
0x6a: {  	_ =	shalt  }
0x6b: {  	_ =	shalt  }
0x6c: {  	_ =	shalt  }
0x6d: {  	_ =	shalt  }
0x6e: {  	_ =	shalt  }
0x6f: {  	_ =	shalt  }
0x70: {  	_ =	shalt  }
0x71: {  	_ =	shalt  }
0x72: {  	_ =	shalt  }
0x73: {  	_ =	shalt  }
0x74: {  	_ =	shalt  }
0x75: {  	_ =	shalt  }
0x76: {  	_ =	shalt  }
0x77: {  	_ =	shalt  }
0x78: {  	_ =	shalt  }
0x79: {  	_ =	shalt  }
0x7a: {  	_ =	shalt  }
0x7b: {  	_ =	shalt  }
0x7c: {  	_ =	shalt  }
0x7d: {  	_ =	shalt  }
0x7e: {  	_ =	shalt  }
0x7f: {  	_ =	shalt  }
0x80: {  	_ =	shalt  }
0x81: {  	_ =	shalt  }
0x82: {  	_ =	shalt  }
0x83: {  	_ =	shalt  }
0x84: {  	_ =	shalt  }
0x85: {  	_ =	shalt  }
0x86: {  	_ =	shalt  }
0x87: {  	_ =	shalt  }
.Lfunc_end0:
.L_simem_size_0:
called_computation.1_lowered:
.L_overlay_start_0:
0x88: {  	s2 =	sld [smem:$0x3FD9]  }
0x89: {  	s3 =	sld [smem:$0x3FFE];
	_ =	sdelay $0x1  }
0x8a: {  	s1 =	srdreg.scid  }
0x8b: {  	s0 =	sand.u32 $0x1, s1  }
0x8c: {  	s17 =	sshll.u32 s0, $0xA;
	s2 =	sadd.s32 s3, s2  }
0x8d: {  	s2 =	sadd.s32 s2, s17  }
0x8e: {  	[smem:$0x3FBD] =	sst s2  }
0x8f: {  	_ = 	snop  }
0x90: {  	s2 =	sld [smem:$0x3FD0];
	(tm) =	ssettm $0x1  }
0x91: {  	s18 =	sld [smem:$0x3FFB];
	_ =	sdelay $0x3  }
0x92: {  	_ =	strace s18  }
0x93: {  	s3 =	sld [smem:$0x3FFC];
	_ =	sdelay $0x3  }
0x94: {  	_ =	strace s3  }
0x95: {  	s3 =	sld [smem:$0x3FFD];
	_ =	sdelay $0x3  }
0x96: {  	_ =	strace s3  }
0x97: {  	_ =	strace $0x8FFFFFFF  }
0x98: {  	s19 =	sld [smem:$0x3FDB];
	_ =	sdelay $0x1  }
0x99: {  	s4 =	simm.s32 $_scs_section_size  }
0x9a: {  	s5 =	simm.s32 $_size__tile_overlayer_lowered;
	s6 =	simm.s32 $_tile_overlayer_lowered  }
0x9b: {  	s22 =	simm.s32 $0x1BFF;
	s21 =	sshll.u32 s6, $0x1;
	s3 =	sadd.s32 s4, s19  }
0x9c: {  	s7 =	simm.s32 $0x0;
	s20 =	sshll.u32 s5, $0x1;
	s5 =	sadd.s32 s21, s3  }
0x9d: {  	[timem:s7], [sflag:s22] =	dma.local [hbm:s5], s20  }
0x9e: {  	_ =	swait.ge [sflag:s22], s20  }
0x9f: {  	s4 =	ssub.s32 $0x0, s20;
	[sflag:s22] =	ssyncset.done $0x0  }
0xa0: {  	[sflag:s22] =	ssyncadd.s32 s4;
	_ =	sdelay $0x1  }
0xa1: {  	s23 =	simm.s32 $0x1B8B  }
0xa2: {  	_ =	swait.ge [sflag:s23], $0x1  }
0xa3: {  	[sflag:s23] =	ssyncset.done $0x0  }
0xa4: {  	s25 =	simm.s32 $0x1B8E;
	s24 =	sld [smem:$0x3FFE];
	[sflag:s23] =	ssyncadd.s32 $0xFFFFFFFF  }
0xa5: {  	s26 =	simm.s32 $execute0_lowered;
	[smem:$0x3FD2] =	sst s25  }
0xa6: {  	s5 =	sshll.u32 s26, $0x1;
	_ =	strace $0x80000049;
	[dreg:$0x1] =	wrdreg $0xFFFFFFFF  }
0xa7: {  	s28 =	simm.s32 $_size_execute0_lowered;
	s3 =	sadd.s32 s3, s5;
	[dreg:$0x0] =	wrdreg $0x0  }
0xa8: {  	s5 =	sshll.u32 s28, $0x1;
	[dreg:$0x2] =	wrdreg s3  }
0xa9: {  	[dreg:$0x3] =	wrdreg s5  }
0xaa: {  	[dreg:$0x4] =	wrdreg $0xC0  }
0xab: {  	_ =	task [dreg:s7], $0x5FFFF  }
0xac: {  	[dreg:$0x1] =	wrdreg $0xFFFFFFFF  }
0xad: {  	[dreg:$0x0] =	wrdreg $0x60  }
0xae: {  	[dreg:$0x2] =	wrdreg s24  }
0xaf: {  	[dreg:$0x3] =	wrdreg s2  }
0xb0: {  	[dreg:$0x4] =	wrdreg $0x0  }
0xb1: {  	[dreg:$0x5] =	wrdreg $0x9  }
0xb2: {  	_ =	task.clear_ibuf [dreg:s7], $0x6FFFF;
	_ =	strace $0x90000049  }
0xb3: {  	s29 =	simm.s32 $0x9;
	_ =	strace $0x8000004B  }
0xb4: {  	_ =	swait.ge [sflag:s29], $0x1  }
0xb5: {  	[sflag:s29] =	ssyncadd.s32 $0xFFFFFFFF  }
0xb6: {  	_ =	strace $0x9000004B  }
0xb7: {  	_ =	sfence  }
0xb8: {  	s30 =	sld [smem:$0x0];
	_ =	sdelay $0x2  }
0xb9: {  	s31 =	sshll.u32 s1, $0xD;
	s1 =	sshrl.u32 s1, $0x2  }
0xba: {  	s3 =	sand.u32 $0x4000, s31;
	s1 =	sadd.s32 s1, s30  }
0xbb: {  	s0 =	sor.u32 s3, s0;
	s1 =	sshll.u32 s1, $0x11  }
0xbc: {  	s0 =	sor.u32 s1, s0  }
0xbd: {  	s0 =	sadd.s32 $0x8F2B, s0  }
0xbe: {  	[sflag:s0] =	ssyncadd.remote.s32 $0x1  }
0xbf: {  	_ =	sfence.sel $0xFFFF  }
0xc0: {  	[dreg:$0x0] =	wrdreg $0xFFFFFFFF;
	(pc) =	sbr.abs _section_cstart, $3  }
0xc1: {  	[dreg:$0x1] =	wrdreg $0xFFFFFFFF  }
0xc2: {  	_ =	task.clear_ibuf [dreg:s7], $0x2FFFF;
	_ =	strace $0x9FFFFFFF  }
0xc3: {  	(tm) =	ssettm $0x7FFFFFFF  }
tec
execute0_lowered:
.L_overlay_start_1:
0x0: {  	(tag) =	ssettag $0x1  }
0x1: {  	s0 =	rddreg [dreg:$0x0]  }
0x2: {  	s2 =	srdreg.scid;
	s21 =	stileid.u32;
	s1 =	simm.s32 $0x0  }
0x3: {  	s28 =	simm.s32 $0x1D500;
	s29 =	simm.s32 $0x1B880;
	s30 =	simm.s32 $0x1B900  }
0x4: {  	s31 =	simm.s32 $0x0;
	s2 =	sand.u32 $0x1, s2;
	s3 =	sshll.u32 s21, $0x1  }
0x5: {  	[smem:$0x7FF] =	sst s1;
	s7 =	smul.u32 $0x1F400, s21;
	s3 =	sor.u32 s2, s3  }
0x6: {  	s4 =	sadd.s32 $0x10800, s0;
	s5 =	sadd.s32 $0x2800, s0;
	s3 =	smul.u32 $0x3800, s3  }
0x7: {  	s6 =	sadd.s32 $0x1E800, s0;
	s22 =	ssub.s32 $0x2, s2;
	s2 =	smul.u32 $0x138800, s2  }
0x8: {  	s8 =	sshrl.u32 s22, $0x1;
	s10 =	sadd.s32 $0x9000, s7;
	s3 =	sshrl.u32 s3, $0x3  }
0x9: {  	s0 =	ssub.s32 s22, s8;
	s26 =	sadd.s32 s7, s2;
	s23 =	sadd.s32 s4, s3  }
0xa: {  	s24 =	sadd.s32 $0x380, s3;
	s3 =	sadd.s32 s5, s3;
	[dreg:$0x4] =	wrdreg s23  }
0xb: {  	s13 =	sadd.s32 s2, s10;
	[dreg:$0x5] =	wrdreg s3;
	s8 =	sadd.s32 s5, s24  }
0xc: {  	s3 =	sshrl.u32 s26, $0x3;
	[dreg:$0x7] =	wrdreg s8;
	s8 =	sadd.s32 $0x3000, s7  }
0xd: {  	s25 =	sadd.s32 s4, s24;
	s3 =	sadd.s32 s6, s3;
	s9 =	sadd.s32 s2, s8  }
0xe: {  	[dreg:$0x8] =	wrdreg s3;
	s3 =	sadd.s32 $0x6000, s7;
	s9 =	sshrl.u32 s9, $0x3  }
0xf: {  	[dreg:$0x6] =	wrdreg s25;
	s11 =	sadd.s32 s2, s3;
	s9 =	sadd.s32 s6, s9  }
0x10: {  	s12 =	sshrl.u32 s11, $0x3;
	s11 =	sshrl.u32 s13, $0x3;
	s13 =	sadd.s32 $0x12000, s7  }
0x11: {  	[dreg:$0x9] =	wrdreg s9;
	s14 =	sadd.s32 s6, s12;
	s9 =	sadd.s32 $0xC000, s7  }
0x12: {  	s15 =	sadd.s32 s6, s11;
	s11 =	sadd.s32 $0xF000, s7;
	s18 =	sadd.s32 s2, s13  }
0x13: {  	[dreg:$0xa] =	wrdreg s14;
	s12 =	sadd.s32 s2, s9;
	s14 =	sadd.s32 s2, s11  }
0x14: {  	[dreg:$0xb] =	wrdreg s15;
	s12 =	sshrl.u32 s12, $0x3;
	s17 =	sshrl.u32 s14, $0x3  }
0x15: {  	s14 =	sshrl.u32 s18, $0x3;
	s18 =	rddreg [dreg:$0x2];
	s16 =	sadd.s32 s6, s12  }
0x16: {  	p0 =	sgt.u32 s21, $0x9;
	s19 =	sadd.s32 s6, s17;
	[dreg:$0xc] =	wrdreg s16  }
0x17: {  	s12 =	sadd.s32 $0x15000, s7;
	s20 =	sadd.s32 s6, s14;
	[dreg:$0xd] =	wrdreg s19  }
0x18: {  	s14 =	sadd.s32 $0x18000, s7;
	[dreg:$0xe] =	wrdreg s20;
	s15 =	sadd.s32 s2, s12  }
0x19: {  	s16 =	sadd.s32 $0x1B000, s7;
	s17 =	sadd.s32 s2, s14;
	s7 =	sadd.s32 $0x1E000, s7  }
0x1a: {  	s15 =	sshrl.u32 s15, $0x3;
	s23 =	sshrl.u32 s17, $0x3;
	s24 =	sadd.s32 s2, s16  }
0x1b: {  	s2 =	sadd.s32 s2, s7;
	s22 =	sadd.s32 s6, s15;
	s15 =	rddreg [dreg:$0x1]  }
0x1c: {  	s25 =	sadd.s32 s6, s23;
	s17 =	sshrl.u32 s24, $0x3;
	[dreg:$0xf] =	wrdreg s22  }
0x1d: {  	s2 =	sshrl.u32 s2, $0x3;
	[dreg:$0x10] =	wrdreg s25;
	s26 =	sadd.s32 s6, s17  }
0x1e: {  	s0 =	smax.u32 s0, $0x1;
	s2 =	sadd.s32 s6, s2;
	[dreg:$0x11] =	wrdreg s26  }
0x1f: {  	s19 =	smul.u32 $0x7D000, s21;
	s6 =	sadd.s32 s8, s18;
	[dreg:$0x12] =	wrdreg s2  }
0x20: {  	s8 =	sadd.s32 s3, s18;
	_ =	strace $0x8000004A;
	[dreg:$0x13] =	wrdreg s6  }
0x21: {  	s10 =	sadd.s32 s10, s18;
	s21 =	simm.s32 $0x2;
	[dreg:$0x14] =	wrdreg s8  }
0x22: {  	s5 =	sshrl.u32 s19, $0x2;
	s17 =	sadd.s32 s9, s18;
	[dreg:$0x15] =	wrdreg s10  }
0x23: {  	s19 =	sadd.s32 s11, s18;
	s23 =	sadd.s32 s12, s18;
	[dreg:$0x16] =	wrdreg s17  }
0x24: {  	s24 =	sadd.s32 s14, s18;
	s22 =	sadd.s32 s13, s18;
	[dreg:$0x17] =	wrdreg s19  }
0x25: {  	s20 =	sadd.s32 s5, s18;
	s25 =	sadd.s32 s16, s18;
	[dreg:$0x18] =	wrdreg s22  }
0x26: {  	s26 =	sadd.s32 s7, s18;
	s7 =	sadd.s32 $0x9000, s20;
	[dreg:$0x19] =	wrdreg s23  }
0x27: {  	s9 =	sadd.s32 $0xF000, s20;
	s11 =	sadd.s32 $0x15000, s20;
	[dreg:$0x1a] =	wrdreg s24  }
0x28: {  	s12 =	sadd.s32 $0x18000, s20;
	s13 =	sadd.s32 $0x1B000, s20;
	[dreg:$0x1b] =	wrdreg s25  }
.Ltmp0:
0x29: {  	s14 =	sadd.s32 $0x1E000, s20;
	[dreg:$0x1c] =	wrdreg s26;
	(pc) =	sbr.rel .LBB2_1-.Ltmp0, $4  }
0x2a: {  	[dreg:$0x1d] =	wrdreg s0;
	s0 =	sadd.s32 $0x3000, s20;
	s6 =	sadd.s32 $0x6000, s20  }
0x2b: {  	s8 =	sadd.s32 $0xC000, s20;
	s10 =	sadd.s32 $0x12000, s20;
	s17 =	simm.s32 $0x1BC80  }
0x2c: {  	s19 =	simm.s32 $0x1A080;
	s22 =	simm.s32 $0x64;
	s23 =	simm.s32 $0x13880  }
0x2d: {  	v0 =	vimm.f32 $0.0e+00;
	s24 =	simm.s32 $0x16C80;
	s25 =	simm.s32 $0x1;
	s26 =	simm.s32 $0x3  }
.LBB2_9:
0x2e: {  	s31 =	sadd.s32 $0x1, s31;
	s2 =	rddreg [dreg:$0x1d]  }
0x2f: {  	p1 =	sne.s32 s31, s2  }
.Ltmp1:
0x30: {  	_ = 	snop;
	(pc) =	sbr.rel @!p1 .LBB2_10-.Ltmp1, $1  }
0x31: {  	_ =	sdelay $0x3  }
.LBB2_1:
0x32: {  	s2 =	rddreg [dreg:$0x4]  }
0x33: {  	[tilespmem:s17], [sflag:$0x2] =	stream.linear.gather [hbm4b:s2+s1], $0x1900, $0x38;
	[tilespmem:$0x1D880] =	vst v63  }
0x34: {  	s16 =	rddreg [dreg:$0x5];
	s3 =	simm.s32 $0x200;
	s2 =	simm.s32 $0x0  }
0x35: {  	[tilespmem:s19], [sflag:$0x2] =	stream.linear.gather [hbm4b:s16+s1], $0x1900, $0x38;
	[tilespmem:$0x1D880] =	vst v63  }
.LBB2_2:
0x36: {  	p1 =	sne.s32 s3, $0xC600;
	[tilespmem:s2+$0x138F0] =	vst v0  }
0x37: {  	[tilespmem:s2+$0x13880] =	vst v0  }
0x38: {  	[tilespmem:s2+$0x13890] =	vst v0  }
.Ltmp2:
0x39: {  	[tilespmem:s2+$0x138A0] =	vst v0;
	(pc) =	sbr.rel @p1 .LBB2_2-.Ltmp2, $4  }
0x3a: {  	[tilespmem:s2+$0x138B0] =	vst v0  }
0x3b: {  	[tilespmem:s2+$0x138C0] =	vst v0  }
0x3c: {  	[tilespmem:s2+$0x138D0] =	vst v0  }
0x3d: {  	[tilespmem:s2+$0x138E0] =	vst v0;
	s2 =	sshra.s32 s3, $0x2;
	s3 =	sadd.s32 $0x200, s3  }
0x3e: {  	[tilespmem:s2+$0x138F0] =	vst v0  }
0x3f: {  	[tilespmem:s2+$0x13880] =	vst v0  }
0x40: {  	[tilespmem:s2+$0x13890] =	vst v0  }
0x41: {  	[tilespmem:s2+$0x138A0] =	vst v0  }
0x42: {  	[tilespmem:s2+$0x138B0] =	vst v0  }
0x43: {  	[tilespmem:s2+$0x138C0] =	vst v0  }
0x44: {  	[tilespmem:s2+$0x138D0] =	vst v0  }
0x45: {  	[tilespmem:s2+$0x138E0] =	vst v0;
	s2 =	simm.s32 @!p0 $0x13880  }
0x46: {  	[spmem:s20] =	stream.linear.scatter @!p0 [tilespmem:s2], [sflag:$0x1], $0x3000, $0x38;
	[tilespmem:$0x1D880] =	vst v63  }
0x47: {  	_ = 	snop  }
0x48: {  	[spmem:s0] =	stream.linear.scatter @!p0 [tilespmem:s2], [sflag:$0x1], $0x3000, $0x38;
	[tilespmem:$0x1D880] =	vst v63  }
0x49: {  	_ = 	snop  }
0x4a: {  	[spmem:s6] =	stream.linear.scatter @!p0 [tilespmem:s2], [sflag:$0x1], $0x3000, $0x38;
	[tilespmem:$0x1D880] =	vst v63  }
0x4b: {  	_ = 	snop  }
0x4c: {  	[spmem:s7] =	stream.linear.scatter @!p0 [tilespmem:s2], [sflag:$0x1], $0x3000, $0x38;
	[tilespmem:$0x1D880] =	vst v63  }
0x4d: {  	_ = 	snop  }
0x4e: {  	[spmem:s8] =	stream.linear.scatter @!p0 [tilespmem:s2], [sflag:$0x1], $0x3000, $0x38;
	[tilespmem:$0x1D880] =	vst v63  }
0x4f: {  	_ = 	snop  }
0x50: {  	[spmem:s9] =	stream.linear.scatter @!p0 [tilespmem:s2], [sflag:$0x1], $0x3000, $0x38;
	[tilespmem:$0x1D880] =	vst v63  }
0x51: {  	_ = 	snop  }
0x52: {  	[spmem:s10] =	stream.linear.scatter @!p0 [tilespmem:s2], [sflag:$0x1], $0x3000, $0x38;
	[tilespmem:$0x1D880] =	vst v63  }
0x53: {  	_ = 	snop  }
0x54: {  	[spmem:s11] =	stream.linear.scatter @!p0 [tilespmem:s2], [sflag:$0x1], $0x3000, $0x38;
	[tilespmem:$0x1D880] =	vst v63  }
0x55: {  	_ = 	snop  }
0x56: {  	[spmem:s12] =	stream.linear.scatter @!p0 [tilespmem:s2], [sflag:$0x1], $0x3000, $0x38;
	[tilespmem:$0x1D880] =	vst v63  }
0x57: {  	_ = 	snop  }
0x58: {  	[spmem:s13] =	stream.linear.scatter @!p0 [tilespmem:s2], [sflag:$0x1], $0x3000, $0x38;
	[tilespmem:$0x1D880] =	vst v63  }
0x59: {  	_ = 	snop  }
0x5a: {  	[spmem:s14] =	stream.linear.scatter @!p0 [tilespmem:s2], [sflag:$0x1], $0x1400, $0x38;
	[tilespmem:$0x1D880] =	vst v63  }
0x5b: {  	s2 =	simm.s32 @!p0 $0x1  }
0x5c: {  	_ =	swait.ge @!p0 [sflag:s2], $0x3000  }
0x5d: {  	[sflag:s2] =	ssyncset.done @!p0 $0x0  }
0x5e: {  	[sflag:s2] =	ssyncadd.s32 @!p0 $0xFFFFD000  }
0x5f: {  	_ =	swait.ge @!p0 [sflag:s2], $0x3000  }
0x60: {  	[sflag:s2] =	ssyncset.done @!p0 $0x0  }
0x61: {  	[sflag:s2] =	ssyncadd.s32 @!p0 $0xFFFFD000  }
0x62: {  	_ =	swait.ge @!p0 [sflag:s2], $0x3000  }
0x63: {  	[sflag:s2] =	ssyncset.done @!p0 $0x0  }
0x64: {  	[sflag:s2] =	ssyncadd.s32 @!p0 $0xFFFFD000  }
0x65: {  	_ =	swait.ge @!p0 [sflag:s2], $0x3000  }
0x66: {  	[sflag:s2] =	ssyncset.done @!p0 $0x0  }
0x67: {  	[sflag:s2] =	ssyncadd.s32 @!p0 $0xFFFFD000  }
0x68: {  	_ =	swait.ge @!p0 [sflag:s2], $0x3000  }
0x69: {  	[sflag:s2] =	ssyncset.done @!p0 $0x0  }
0x6a: {  	[sflag:s2] =	ssyncadd.s32 @!p0 $0xFFFFD000  }
0x6b: {  	_ =	swait.ge @!p0 [sflag:s2], $0x3000  }
0x6c: {  	[sflag:s2] =	ssyncset.done @!p0 $0x0  }
0x6d: {  	[sflag:s2] =	ssyncadd.s32 @!p0 $0xFFFFD000  }
0x6e: {  	_ =	swait.ge @!p0 [sflag:s2], $0x3000  }
0x6f: {  	[sflag:s2] =	ssyncset.done @!p0 $0x0  }
0x70: {  	[sflag:s2] =	ssyncadd.s32 @!p0 $0xFFFFD000  }
0x71: {  	_ =	swait.ge @!p0 [sflag:s2], $0x3000  }
0x72: {  	[sflag:s2] =	ssyncset.done @!p0 $0x0  }
0x73: {  	[sflag:s2] =	ssyncadd.s32 @!p0 $0xFFFFD000  }
0x74: {  	_ =	swait.ge @!p0 [sflag:s2], $0x3000  }
0x75: {  	[sflag:s2] =	ssyncset.done @!p0 $0x0  }
0x76: {  	[sflag:s2] =	ssyncadd.s32 @!p0 $0xFFFFD000  }
0x77: {  	_ =	swait.ge @!p0 [sflag:s2], $0x3000  }
0x78: {  	[sflag:s2] =	ssyncset.done @!p0 $0x0  }
0x79: {  	[sflag:s2] =	ssyncadd.s32 @!p0 $0xFFFFD000  }
0x7a: {  	_ =	swait.ge @!p0 [sflag:s2], $0x1400  }
0x7b: {  	[sflag:s2] =	ssyncset.done @!p0 $0x0  }
0x7c: {  	[sflag:s2] =	ssyncadd.s32 @!p0 $0xFFFFEC00  }
0x7d: {  	[bflag:$0x0] =	sbarrier.arrive $0xFFFF  }
0x7e: {  	_ =	swait.ge [sflag:s21], $0x1900  }
0x7f: {  	[sflag:s21] =	ssyncset.done $0x0  }
0x80: {  	[sflag:s21] =	ssyncadd.s32 $0xFFFFE700  }
0x81: {  	_ =	swait.ge [sflag:s21], $0x1900  }
0x82: {  	[sflag:s21] =	ssyncset.done $0x0  }
0x83: {  	[sflag:s21] =	ssyncadd.s32 $0xFFFFE700  }
0x84: {  	[tilespmem:s23], [sflag:$0x1] =	stream.indirect.gather [hbm4b:s15+s22], $0x80, s17, s22, $0xb8;
	[tilespmem:$0x1D880] =	vst v63  }
0x85: {  	s3 =	simm.s32 $0x1BD00  }
0x86: {  	[tilespmem:s24], [sflag:$0x2] =	stream.indirect.gather [hbm4b:s15+s22], $0x80, s3, s22, $0xb8;
	[tilespmem:$0x1D880] =	vst v63  }
0x87: {  	_ =	swait.ge [sflag:s25], $0x3200  }
0x88: {  	[sflag:s25] =	ssyncset.done $0x0  }
0x89: {  	s4 =	simm.s32 $0x1A080;
	[sflag:s25] =	ssyncadd.s32 $0xFFFFCE00  }
0x8a: {  	[spmem:s18] =	stream.indirect.scatter.add.f32 [tilespmem:s23], [sflag:$0x3], $0x80, s4, s22, $0xb8;
	[tilespmem:$0x1D880] =	vst v63  }
0x8b: {  	_ =	swait.ge [sflag:s26], $0x3200  }
0x8c: {  	[sflag:s26] =	ssyncset.done $0x0  }
0x8d: {  	s5 =	simm.s32 $0x1BD80;
	[sflag:s26] =	ssyncadd.s32 $0xFFFFCE00  }
0x8e: {  	[tilespmem:s23], [sflag:$0x1] =	stream.indirect.gather [hbm4b:s15+s22], $0x80, s5, s22, $0xb8;
	[tilespmem:$0x1D880] =	vst v63  }
0x8f: {  	_ =	swait.ge [sflag:s21], $0x3200  }
0x90: {  	[sflag:s21] =	ssyncset.done $0x0  }
0x91: {  	s16 =	simm.s32 $0x1A100;
	[sflag:s21] =	ssyncadd.s32 $0xFFFFCE00  }
0x92: {  	[spmem:s18] =	stream.indirect.scatter.add.f32 [tilespmem:s24], [sflag:$0x3], $0x80, s16, s22, $0xb8;
	[tilespmem:$0x1D880] =	vst v63  }
0x93: {  	_ =	swait.ge [sflag:s26], $0x3200  }
0x94: {  	s2 =	simm.s32 $0x100;
	s3 =	simm.s32 $0x800;
	[sflag:s26] =	ssyncset.done $0x0  }
.LBB2_4:
0x95: {  	s4 =	sadd.s32 $0x1BD00, s2  }
0x96: {  	[sflag:s26] =	ssyncadd.s32 $0xFFFFCE00;
	s5 =	smov.u32 s3;
	s16 =	sadd.s32 $0x400, s3  }
0x97: {  	[tilespmem:s24], [sflag:$0x2] =	stream.indirect.gather [hbm4b:s15+s22], $0x80, s4, s22, $0xb8;
	[tilespmem:$0x1D880] =	vst v63  }
0x98: {  	p1 =	sne.s32 s3, $0x5C00;
	_ =	swait.ge [sflag:s25], $0x3200  }
0x99: {  	[sflag:s25] =	ssyncset.done $0x0  }
0x9a: {  	s3 =	sadd.s32 $0x1A080, s2;
	[sflag:s25] =	ssyncadd.s32 $0xFFFFCE00  }
0x9b: {  	[spmem:s18] =	stream.indirect.scatter.add.f32 [tilespmem:s23], [sflag:$0x3], $0x80, s3, s22, $0xb8;
	[tilespmem:$0x1D880] =	vst v63  }
0x9c: {  	_ =	swait.ge [sflag:s26], $0x3200  }
0x9d: {  	[sflag:s26] =	ssyncset.done $0x0  }
0x9e: {  	s3 =	sadd.s32 $0x1BD80, s2;
	[sflag:s26] =	ssyncadd.s32 $0xFFFFCE00  }
0x9f: {  	[tilespmem:s23], [sflag:$0x1] =	stream.indirect.gather [hbm4b:s15+s22], $0x80, s3, s22, $0xb8;
	[tilespmem:$0x1D880] =	vst v63  }
0xa0: {  	_ =	swait.ge [sflag:s21], $0x3200  }
.Ltmp3:
0xa1: {  	[sflag:s21] =	ssyncset.done $0x0;
	(pc) =	sbr.rel @p1 .LBB2_4-.Ltmp3, $4  }
0xa2: {  	s2 =	sadd.s32 $0x1A100, s2;
	[sflag:s21] =	ssyncadd.s32 $0xFFFFCE00  }
0xa3: {  	[spmem:s18] =	stream.indirect.scatter.add.f32 [tilespmem:s24], [sflag:$0x3], $0x80, s2, s22, $0xb8;
	[tilespmem:$0x1D880] =	vst v63  }
0xa4: {  	_ =	swait.ge [sflag:s26], $0x3200  }
0xa5: {  	s3 =	smov.u32 s16;
	s2 =	sshra.s32 s5, $0x2;
	[sflag:s26] =	ssyncset.done $0x0  }
0xa6: {  	s3 =	sadd.s32 $0x1BD00, s2;
	[sflag:s26] =	ssyncadd.s32 $0xFFFFCE00  }
0xa7: {  	[tilespmem:s24], [sflag:$0x2] =	stream.indirect.gather [hbm4b:s15+s22], $0x80, s3, s22, $0xb8;
	[tilespmem:$0x1D880] =	vst v63  }
0xa8: {  	_ =	swait.ge [sflag:s25], $0x3200  }
0xa9: {  	[sflag:s25] =	ssyncset.done $0x0  }
0xaa: {  	s5 =	sadd.s32 $0x1A080, s2;
	[sflag:s25] =	ssyncadd.s32 $0xFFFFCE00  }
0xab: {  	[spmem:s18] =	stream.indirect.scatter.add.f32 [tilespmem:s23], [sflag:$0x3], $0x80, s5, s22, $0xb8;
	[tilespmem:$0x1D880] =	vst v63  }
0xac: {  	_ =	swait.ge [sflag:s26], $0x3200  }
0xad: {  	[sflag:s26] =	ssyncset.done $0x0  }
0xae: {  	s16 =	sadd.s32 $0x1BD80, s2;
	[sflag:s26] =	ssyncadd.s32 $0xFFFFCE00  }
0xaf: {  	[tilespmem:s23], [sflag:$0x1] =	stream.indirect.gather [hbm4b:s15+s22], $0x80, s16, s22, $0xb8;
	[tilespmem:$0x1D880] =	vst v63  }
0xb0: {  	_ =	swait.ge [sflag:s21], $0x3200  }
0xb1: {  	[sflag:s21] =	ssyncset.done $0x0  }
0xb2: {  	s3 =	sadd.s32 $0x1A100, s2;
	[sflag:s21] =	ssyncadd.s32 $0xFFFFCE00  }
0xb3: {  	[spmem:s18] =	stream.indirect.scatter.add.f32 [tilespmem:s24], [sflag:$0x3], $0x80, s3, s22, $0xb8;
	[tilespmem:$0x1D880] =	vst v63  }
0xb4: {  	_ =	swait.ge [sflag:s26], $0x3200  }
0xb5: {  	[sflag:s26] =	ssyncset.done $0x0  }
0xb6: {  	[sflag:s26] =	ssyncadd.s32 $0xFFFFCE00  }
0xb7: {  	[tilespmem:s24], [sflag:$0x2] =	stream.indirect.gather [hbm4b:s15+s22], $0x80, s28, s22, $0xb8;
	[tilespmem:$0x1D880] =	vst v63  }
0xb8: {  	_ =	swait.ge [sflag:s25], $0x3200  }
0xb9: {  	[sflag:s25] =	ssyncset.done $0x0  }
0xba: {  	[sflag:s25] =	ssyncadd.s32 $0xFFFFCE00  }
0xbb: {  	[spmem:s18] =	stream.indirect.scatter.add.f32 [tilespmem:s23], [sflag:$0x3], $0x80, s29, s22, $0xb8;
	[tilespmem:$0x1D880] =	vst v63  }
0xbc: {  	_ =	swait.ge [sflag:s26], $0x3200  }
0xbd: {  	[sflag:s26] =	ssyncset.done $0x0  }
0xbe: {  	[sflag:s26] =	ssyncadd.s32 $0xFFFFCE00  }
0xbf: {  	_ =	swait.ge [sflag:s21], $0x3200  }
0xc0: {  	[sflag:s21] =	ssyncset.done $0x0  }
0xc1: {  	[sflag:s21] =	ssyncadd.s32 $0xFFFFCE00  }
0xc2: {  	[spmem:s18] =	stream.indirect.scatter.add.f32 [tilespmem:s24], [sflag:$0x3], $0x80, s30, s22, $0xb8;
	[tilespmem:$0x1D880] =	vst v63  }
0xc3: {  	_ =	swait.ge [sflag:s26], $0x3200  }
0xc4: {  	[sflag:s26] =	ssyncset.done $0x0  }
0xc5: {  	s4 =	simm.s32 $0x0;
	s5 =	rddreg [dreg:$0x6];
	[sflag:s26] =	ssyncadd.s32 $0xFFFFCE00  }
0xc6: {  	[tilespmem:s17], [sflag:$0x3] =	stream.linear.gather [hbm4b:s5+s4], $0x1900, $0x38;
	[tilespmem:$0x1D880] =	vst v63  }
0xc7: {  	_ =	swait.ge [sflag:s26], $0x1900  }
0xc8: {  	[sflag:s26] =	ssyncset.done $0x0  }
0xc9: {  	s16 =	rddreg [dreg:$0x7];
	[sflag:s26] =	ssyncadd.s32 $0xFFFFE700  }
0xca: {  	[tilespmem:s19], [sflag:$0x3] =	stream.linear.gather [hbm4b:s16+s4], $0x1900, $0x38;
	[tilespmem:$0x1D880] =	vst v63  }
0xcb: {  	_ =	swait.ge [sflag:s26], $0x1900  }
0xcc: {  	[sflag:s26] =	ssyncset.done $0x0  }
0xcd: {  	[sflag:s26] =	ssyncadd.s32 $0xFFFFE700  }
0xce: {  	[tilespmem:s23], [sflag:$0x1] =	stream.indirect.gather [hbm4b:s15+s22], $0x80, s17, s22, $0xb8;
	[tilespmem:$0x1D880] =	vst v63  }
0xcf: {  	s3 =	simm.s32 $0x1BD00  }
0xd0: {  	[tilespmem:s24], [sflag:$0x2] =	stream.indirect.gather [hbm4b:s15+s22], $0x80, s3, s22, $0xb8;
	[tilespmem:$0x1D880] =	vst v63  }
0xd1: {  	_ =	swait.ge [sflag:s25], $0x3200  }
0xd2: {  	[sflag:s25] =	ssyncset.done $0x0  }
0xd3: {  	s4 =	simm.s32 $0x1A080;
	[sflag:s25] =	ssyncadd.s32 $0xFFFFCE00  }
0xd4: {  	[spmem:s18] =	stream.indirect.scatter.add.f32 [tilespmem:s23], [sflag:$0x3], $0x80, s4, s22, $0xb8;
	[tilespmem:$0x1D880] =	vst v63  }
0xd5: {  	_ =	swait.ge [sflag:s26], $0x3200  }
0xd6: {  	[sflag:s26] =	ssyncset.done $0x0  }
0xd7: {  	s5 =	simm.s32 $0x1BD80;
	[sflag:s26] =	ssyncadd.s32 $0xFFFFCE00  }
0xd8: {  	[tilespmem:s23], [sflag:$0x1] =	stream.indirect.gather [hbm4b:s15+s22], $0x80, s5, s22, $0xb8;
	[tilespmem:$0x1D880] =	vst v63  }
0xd9: {  	_ =	swait.ge [sflag:s21], $0x3200  }
0xda: {  	[sflag:s21] =	ssyncset.done $0x0  }
0xdb: {  	s16 =	simm.s32 $0x1A100;
	[sflag:s21] =	ssyncadd.s32 $0xFFFFCE00  }
0xdc: {  	[spmem:s18] =	stream.indirect.scatter.add.f32 [tilespmem:s24], [sflag:$0x3], $0x80, s16, s22, $0xb8;
	[tilespmem:$0x1D880] =	vst v63  }
0xdd: {  	_ =	swait.ge [sflag:s26], $0x3200  }
0xde: {  	s2 =	simm.s32 $0x100;
	s3 =	simm.s32 $0x800;
	[sflag:s26] =	ssyncset.done $0x0  }
.LBB2_6:
0xdf: {  	s4 =	sadd.s32 $0x1BD00, s2  }
0xe0: {  	[sflag:s26] =	ssyncadd.s32 $0xFFFFCE00;
	s5 =	smov.u32 s3;
	s16 =	sadd.s32 $0x400, s3  }
0xe1: {  	[tilespmem:s24], [sflag:$0x2] =	stream.indirect.gather [hbm4b:s15+s22], $0x80, s4, s22, $0xb8;
	[tilespmem:$0x1D880] =	vst v63  }
0xe2: {  	p1 =	sne.s32 s3, $0x5C00;
	_ =	swait.ge [sflag:s25], $0x3200  }
0xe3: {  	[sflag:s25] =	ssyncset.done $0x0  }
0xe4: {  	s3 =	sadd.s32 $0x1A080, s2;
	[sflag:s25] =	ssyncadd.s32 $0xFFFFCE00  }
0xe5: {  	[spmem:s18] =	stream.indirect.scatter.add.f32 [tilespmem:s23], [sflag:$0x3], $0x80, s3, s22, $0xb8;
	[tilespmem:$0x1D880] =	vst v63  }
0xe6: {  	_ =	swait.ge [sflag:s26], $0x3200  }
0xe7: {  	[sflag:s26] =	ssyncset.done $0x0  }
0xe8: {  	s3 =	sadd.s32 $0x1BD80, s2;
	[sflag:s26] =	ssyncadd.s32 $0xFFFFCE00  }
0xe9: {  	[tilespmem:s23], [sflag:$0x1] =	stream.indirect.gather [hbm4b:s15+s22], $0x80, s3, s22, $0xb8;
	[tilespmem:$0x1D880] =	vst v63  }
0xea: {  	_ =	swait.ge [sflag:s21], $0x3200  }
.Ltmp4:
0xeb: {  	[sflag:s21] =	ssyncset.done $0x0;
	(pc) =	sbr.rel @p1 .LBB2_6-.Ltmp4, $4  }
0xec: {  	s2 =	sadd.s32 $0x1A100, s2;
	[sflag:s21] =	ssyncadd.s32 $0xFFFFCE00  }
0xed: {  	[spmem:s18] =	stream.indirect.scatter.add.f32 [tilespmem:s24], [sflag:$0x3], $0x80, s2, s22, $0xb8;
	[tilespmem:$0x1D880] =	vst v63  }
0xee: {  	_ =	swait.ge [sflag:s26], $0x3200  }
0xef: {  	s3 =	smov.u32 s16;
	s2 =	sshra.s32 s5, $0x2;
	[sflag:s26] =	ssyncset.done $0x0  }
0xf0: {  	s3 =	sadd.s32 $0x1BD00, s2;
	[sflag:s26] =	ssyncadd.s32 $0xFFFFCE00  }
0xf1: {  	[tilespmem:s24], [sflag:$0x2] =	stream.indirect.gather [hbm4b:s15+s22], $0x80, s3, s22, $0xb8;
	[tilespmem:$0x1D880] =	vst v63  }
0xf2: {  	_ =	swait.ge [sflag:s25], $0x3200  }
0xf3: {  	[sflag:s25] =	ssyncset.done $0x0  }
0xf4: {  	s4 =	sadd.s32 $0x1A080, s2;
	[sflag:s25] =	ssyncadd.s32 $0xFFFFCE00  }
0xf5: {  	[spmem:s18] =	stream.indirect.scatter.add.f32 [tilespmem:s23], [sflag:$0x3], $0x80, s4, s22, $0xb8;
	[tilespmem:$0x1D880] =	vst v63  }
0xf6: {  	_ =	swait.ge [sflag:s26], $0x3200  }
0xf7: {  	[sflag:s26] =	ssyncset.done $0x0  }
0xf8: {  	s5 =	sadd.s32 $0x1BD80, s2;
	[sflag:s26] =	ssyncadd.s32 $0xFFFFCE00  }
0xf9: {  	[tilespmem:s23], [sflag:$0x1] =	stream.indirect.gather [hbm4b:s15+s22], $0x80, s5, s22, $0xb8;
	[tilespmem:$0x1D880] =	vst v63  }
0xfa: {  	_ =	swait.ge [sflag:s21], $0x3200  }
0xfb: {  	[sflag:s21] =	ssyncset.done $0x0  }
0xfc: {  	s16 =	sadd.s32 $0x1A100, s2;
	[sflag:s21] =	ssyncadd.s32 $0xFFFFCE00  }
0xfd: {  	[spmem:s18] =	stream.indirect.scatter.add.f32 [tilespmem:s24], [sflag:$0x3], $0x80, s16, s22, $0xb8;
	[tilespmem:$0x1D880] =	vst v63  }
0xfe: {  	_ =	swait.ge [sflag:s26], $0x3200  }
0xff: {  	[sflag:s26] =	ssyncset.done $0x0  }
0x100: {  	[sflag:s26] =	ssyncadd.s32 $0xFFFFCE00  }
0x101: {  	[tilespmem:s24], [sflag:$0x2] =	stream.indirect.gather [hbm4b:s15+s22], $0x80, s28, s22, $0xb8;
	[tilespmem:$0x1D880] =	vst v63  }
0x102: {  	_ =	swait.ge [sflag:s25], $0x3200  }
0x103: {  	[sflag:s25] =	ssyncset.done $0x0  }
0x104: {  	[sflag:s25] =	ssyncadd.s32 $0xFFFFCE00  }
0x105: {  	[spmem:s18] =	stream.indirect.scatter.add.f32 [tilespmem:s23], [sflag:$0x3], $0x80, s29, s22, $0xb8;
	[tilespmem:$0x1D880] =	vst v63  }
0x106: {  	_ =	swait.ge [sflag:s26], $0x3200  }
0x107: {  	[sflag:s26] =	ssyncset.done $0x0  }
0x108: {  	[sflag:s26] =	ssyncadd.s32 $0xFFFFCE00  }
0x109: {  	_ =	swait.ge [sflag:s21], $0x3200  }
0x10a: {  	[sflag:s21] =	ssyncset.done $0x0  }
0x10b: {  	[sflag:s21] =	ssyncadd.s32 $0xFFFFCE00  }
0x10c: {  	[spmem:s18] =	stream.indirect.scatter.add.f32 [tilespmem:s24], [sflag:$0x3], $0x80, s30, s22, $0xb8;
	[tilespmem:$0x1D880] =	vst v63  }
.Ltmp5:
0x10d: {  	_ =	swait.ge [sflag:s26], $0x3200;
	(pc) =	sbr.rel @p0 .LBB2_9-.Ltmp5, $3  }
0x10e: {  	[sflag:s26] =	ssyncset.done $0x0  }
0x10f: {  	[sflag:s26] =	ssyncadd.s32 $0xFFFFCE00  }
0x110: {  	[bflag:$0x0] =	sbarrier.arrive $0xFFFF;
	_ =	sdelay $0x1  }
0x111: {  	[tilespmem:s23], [sflag:$0x1] =	stream.linear.gather [spmem:s20], $0x3000, $0x38;
	[tilespmem:$0x1D880] =	vst v63  }
0x112: {  	s2 =	rddreg [dreg:$0x13]  }
0x113: {  	[tilespmem:s24], [sflag:$0x2] =	stream.linear.gather [spmem:s2], $0x3000, $0x38;
	[tilespmem:$0x1D880] =	vst v63  }
0x114: {  	_ =	swait.ge [sflag:s25], $0x3000  }
0x115: {  	[sflag:s25] =	ssyncset.done $0x0  }
0x116: {  	s3 =	rddreg [dreg:$0x8];
	[sflag:s25] =	ssyncadd.s32 $0xFFFFD000  }
0x117: {  	[hbm4b:s3+s1] =	stream.linear.scatter [tilespmem:s23], [sflag:$0x3], $0x3000, $0x38;
	[tilespmem:$0x1D880] =	vst v63  }
0x118: {  	_ =	swait.ge [sflag:s26], $0x3000  }
0x119: {  	[sflag:s26] =	ssyncset.done $0x0  }
0x11a: {  	s4 =	rddreg [dreg:$0x14];
	[sflag:s26] =	ssyncadd.s32 $0xFFFFD000  }
0x11b: {  	[tilespmem:s23], [sflag:$0x1] =	stream.linear.gather [spmem:s4], $0x3000, $0x38;
	[tilespmem:$0x1D880] =	vst v63  }
0x11c: {  	_ =	swait.ge [sflag:s21], $0x3000  }
0x11d: {  	[sflag:s21] =	ssyncset.done $0x0  }
0x11e: {  	s5 =	rddreg [dreg:$0x9];
	[sflag:s21] =	ssyncadd.s32 $0xFFFFD000  }
0x11f: {  	[hbm4b:s5+s1] =	stream.linear.scatter [tilespmem:s24], [sflag:$0x3], $0x3000, $0x38;
	[tilespmem:$0x1D880] =	vst v63  }
0x120: {  	_ =	swait.ge [sflag:s26], $0x3000  }
0x121: {  	[sflag:s26] =	ssyncset.done $0x0  }
0x122: {  	s16 =	rddreg [dreg:$0x15];
	[sflag:s26] =	ssyncadd.s32 $0xFFFFD000  }
0x123: {  	[tilespmem:s24], [sflag:$0x2] =	stream.linear.gather [spmem:s16], $0x3000, $0x38;
	[tilespmem:$0x1D880] =	vst v63  }
0x124: {  	_ =	swait.ge [sflag:s25], $0x3000  }
0x125: {  	[sflag:s25] =	ssyncset.done $0x0  }
0x126: {  	s3 =	rddreg [dreg:$0xa];
	[sflag:s25] =	ssyncadd.s32 $0xFFFFD000  }
0x127: {  	[hbm4b:s3+s1] =	stream.linear.scatter [tilespmem:s23], [sflag:$0x3], $0x3000, $0x38;
	[tilespmem:$0x1D880] =	vst v63  }
0x128: {  	_ =	swait.ge [sflag:s26], $0x3000  }
0x129: {  	[sflag:s26] =	ssyncset.done $0x0  }
0x12a: {  	s4 =	rddreg [dreg:$0x16];
	[sflag:s26] =	ssyncadd.s32 $0xFFFFD000  }
0x12b: {  	[tilespmem:s23], [sflag:$0x1] =	stream.linear.gather [spmem:s4], $0x3000, $0x38;
	[tilespmem:$0x1D880] =	vst v63  }
0x12c: {  	_ =	swait.ge [sflag:s21], $0x3000  }
0x12d: {  	[sflag:s21] =	ssyncset.done $0x0  }
0x12e: {  	s5 =	rddreg [dreg:$0xb];
	[sflag:s21] =	ssyncadd.s32 $0xFFFFD000  }
0x12f: {  	[hbm4b:s5+s1] =	stream.linear.scatter [tilespmem:s24], [sflag:$0x3], $0x3000, $0x38;
	[tilespmem:$0x1D880] =	vst v63  }
0x130: {  	_ =	swait.ge [sflag:s26], $0x3000  }
0x131: {  	[sflag:s26] =	ssyncset.done $0x0  }
0x132: {  	s16 =	rddreg [dreg:$0x17];
	[sflag:s26] =	ssyncadd.s32 $0xFFFFD000  }
0x133: {  	[tilespmem:s24], [sflag:$0x2] =	stream.linear.gather [spmem:s16], $0x3000, $0x38;
	[tilespmem:$0x1D880] =	vst v63  }
0x134: {  	_ =	swait.ge [sflag:s25], $0x3000  }
0x135: {  	[sflag:s25] =	ssyncset.done $0x0  }
0x136: {  	s3 =	rddreg [dreg:$0xc];
	[sflag:s25] =	ssyncadd.s32 $0xFFFFD000  }
0x137: {  	[hbm4b:s3+s1] =	stream.linear.scatter [tilespmem:s23], [sflag:$0x3], $0x3000, $0x38;
	[tilespmem:$0x1D880] =	vst v63  }
0x138: {  	_ =	swait.ge [sflag:s26], $0x3000  }
0x139: {  	[sflag:s26] =	ssyncset.done $0x0  }
0x13a: {  	s4 =	rddreg [dreg:$0x18];
	[sflag:s26] =	ssyncadd.s32 $0xFFFFD000  }
0x13b: {  	[tilespmem:s23], [sflag:$0x1] =	stream.linear.gather [spmem:s4], $0x3000, $0x38;
	[tilespmem:$0x1D880] =	vst v63  }
0x13c: {  	_ =	swait.ge [sflag:s21], $0x3000  }
0x13d: {  	[sflag:s21] =	ssyncset.done $0x0  }
0x13e: {  	s5 =	rddreg [dreg:$0xd];
	[sflag:s21] =	ssyncadd.s32 $0xFFFFD000  }
0x13f: {  	[hbm4b:s5+s1] =	stream.linear.scatter [tilespmem:s24], [sflag:$0x3], $0x3000, $0x38;
	[tilespmem:$0x1D880] =	vst v63  }
0x140: {  	_ =	swait.ge [sflag:s26], $0x3000  }
0x141: {  	[sflag:s26] =	ssyncset.done $0x0  }
0x142: {  	s16 =	rddreg [dreg:$0x19];
	[sflag:s26] =	ssyncadd.s32 $0xFFFFD000  }
0x143: {  	[tilespmem:s24], [sflag:$0x2] =	stream.linear.gather [spmem:s16], $0x3000, $0x38;
	[tilespmem:$0x1D880] =	vst v63  }
0x144: {  	_ =	swait.ge [sflag:s25], $0x3000  }
0x145: {  	[sflag:s25] =	ssyncset.done $0x0  }
0x146: {  	s3 =	rddreg [dreg:$0xe];
	[sflag:s25] =	ssyncadd.s32 $0xFFFFD000  }
0x147: {  	[hbm4b:s3+s1] =	stream.linear.scatter [tilespmem:s23], [sflag:$0x3], $0x3000, $0x38;
	[tilespmem:$0x1D880] =	vst v63  }
0x148: {  	_ =	swait.ge [sflag:s26], $0x3000  }
0x149: {  	[sflag:s26] =	ssyncset.done $0x0  }
0x14a: {  	s4 =	rddreg [dreg:$0x1a];
	[sflag:s26] =	ssyncadd.s32 $0xFFFFD000  }
0x14b: {  	[tilespmem:s23], [sflag:$0x1] =	stream.linear.gather [spmem:s4], $0x3000, $0x38;
	[tilespmem:$0x1D880] =	vst v63  }
0x14c: {  	_ =	swait.ge [sflag:s21], $0x3000  }
0x14d: {  	[sflag:s21] =	ssyncset.done $0x0  }
0x14e: {  	s5 =	rddreg [dreg:$0xf];
	[sflag:s21] =	ssyncadd.s32 $0xFFFFD000  }
0x14f: {  	[hbm4b:s5+s1] =	stream.linear.scatter [tilespmem:s24], [sflag:$0x3], $0x3000, $0x38;
	[tilespmem:$0x1D880] =	vst v63  }
0x150: {  	_ =	swait.ge [sflag:s26], $0x3000  }
0x151: {  	[sflag:s26] =	ssyncset.done $0x0  }
0x152: {  	s16 =	rddreg [dreg:$0x1b];
	[sflag:s26] =	ssyncadd.s32 $0xFFFFD000  }
0x153: {  	[tilespmem:s24], [sflag:$0x2] =	stream.linear.gather [spmem:s16], $0x3000, $0x38;
	[tilespmem:$0x1D880] =	vst v63  }
0x154: {  	_ =	swait.ge [sflag:s25], $0x3000  }
0x155: {  	[sflag:s25] =	ssyncset.done $0x0  }
0x156: {  	s3 =	rddreg [dreg:$0x10];
	[sflag:s25] =	ssyncadd.s32 $0xFFFFD000  }
0x157: {  	[hbm4b:s3+s1] =	stream.linear.scatter [tilespmem:s23], [sflag:$0x3], $0x3000, $0x38;
	[tilespmem:$0x1D880] =	vst v63  }
0x158: {  	_ =	swait.ge [sflag:s26], $0x3000  }
0x159: {  	[sflag:s26] =	ssyncset.done $0x0  }
0x15a: {  	s4 =	rddreg [dreg:$0x1c];
	[sflag:s26] =	ssyncadd.s32 $0xFFFFD000  }
0x15b: {  	[tilespmem:s23], [sflag:$0x1] =	stream.linear.gather [spmem:s4], $0x1400, $0x38;
	[tilespmem:$0x1D880] =	vst v63  }
0x15c: {  	_ =	swait.ge [sflag:s21], $0x3000  }
0x15d: {  	[sflag:s21] =	ssyncset.done $0x0  }
0x15e: {  	s5 =	rddreg [dreg:$0x11];
	[sflag:s21] =	ssyncadd.s32 $0xFFFFD000  }
0x15f: {  	[hbm4b:s5+s1] =	stream.linear.scatter [tilespmem:s24], [sflag:$0x3], $0x3000, $0x38;
	[tilespmem:$0x1D880] =	vst v63  }
0x160: {  	_ =	swait.ge [sflag:s26], $0x3000  }
0x161: {  	[sflag:s26] =	ssyncset.done $0x0  }
0x162: {  	[sflag:s26] =	ssyncadd.s32 $0xFFFFD000  }
0x163: {  	_ =	swait.ge [sflag:s25], $0x1400  }
0x164: {  	[sflag:s25] =	ssyncset.done $0x0  }
.Ltmp6:
0x165: {  	s16 =	rddreg [dreg:$0x12];
	[sflag:s25] =	ssyncadd.s32 $0xFFFFEC00;
	(pc) =	sbr.rel .LBB2_9-.Ltmp6, $4  }
0x166: {  	[hbm4b:s16+s1] =	stream.linear.scatter [tilespmem:s23], [sflag:$0x3], $0x1400, $0x38;
	[tilespmem:$0x1D880] =	vst v63  }
0x167: {  	_ =	swait.ge [sflag:s26], $0x1400  }
0x168: {  	[sflag:s26] =	ssyncset.done $0x0  }
0x169: {  	[sflag:s26] =	ssyncadd.s32 $0xFFFFEC00  }
.LBB2_10:
0x16a: {  	_ =	sfence.sel $0x180000  }
0x16b: {  	[bflag:$0x0] =	sbarrier.arrive $0xFFFF  }
0x16c: {  	_ =	strace $0x9000004A  }
0x16d: {  	s0 =	stileid.u32;
	[bflag:$0x2] =	sbarrier.arrive $0xFFFF  }
0x16e: {  	p0 =	sne.s32 s0, $0x0;
	s0 =	rddreg [dreg:$0x3]  }
0x16f: {  	s0 =	sadd.s32 @!p0 $0x100000, s0  }
0x170: {  	[sflag:s0] =	ssyncadd.tile.s32 @!p0 $0x1;
	_ =	shalt  }
.Lfunc_end2:
_tile_overlayer_lowered:
.L_overlay_start_2:
0x171: {  	(tag) =	ssettag $0x2  }
0x172: {  	s0 =	rddreg [dreg:$0x0];
	s2 =	stileid.u32  }
0x173: {  	s1 =	rddreg [dreg:$0x1];
	p0 =	sne.s32 s2, $0x0  }
0x174: {  	s3 =	rddreg [dreg:$0x2];
	[bflag:$0x3] =	sbarrier.arrive $0xFFFF;
	s2 =	simm.s32 @!p0 $0x1C03  }
0x175: {  	[timem:s3], [sflag:s2] =	dma.local @!p0 [hbm:s0], s1  }
0x176: {  	s0 =	simm.s32 @!p0 $0x3  }
0x177: {  	_ =	swait.ge @!p0 [sflag:s0], s1  }
0x178: {  	s1 =	ssub.s32 @!p0 $0x0, s1;
	[sflag:s0] =	ssyncset.done @!p0 $0x0  }
0x179: {  	[sflag:s0] =	ssyncadd.s32 @!p0 s1  }
0x17a: {  	[bflag:$0x3] =	sbarrier.arrive $0xFFFF  }
0x17b: {  	_ =	shalt  }

</sc_bundles>
